<compile_context>
chip_gen: v7x
topology: tpu7x:2x2x1
jax: 0.10.2.dev20260603
libtpu: 0.0.44.dev20260713+nightly
codegen_flags: <defaults>
</compile_context>

<pallas_src>
import functools

import jax
import jax.numpy as jnp
from jax.experimental import pallas as pl
from jax.experimental.pallas import tpu as pltpu
from jax.experimental.pallas import tpu_sc as plsc

DIM = 768
CODE_DIM = 256
CODEBOOK = 8192
NTOK = 16384
TILE = 512
PROJ_TILE = 1024
GATHER_CHUNK = 32


NCHUNK = 8
CW = CODEBOOK // NCHUNK


def _e2_body(et_ref, o_ref):
    o_ref[...] = jnp.sum(et_ref[...] * et_ref[...], axis=0, keepdims=True)


def _e2_call(et):
    return pl.pallas_call(
        _e2_body,
        out_shape=jax.ShapeDtypeStruct((1, CODEBOOK), jnp.float32),
    )(et)


def _argmin_body(x_ref, w_ref, b_ref, et_ref, e2_ref, idx_ref, loss_ref):
    i = pl.program_id(0)
    xp = jnp.dot(x_ref[...], w_ref[...],
                 preferred_element_type=jnp.float32) + b_ref[...]
    f2 = jnp.sum(xp * xp, axis=1, keepdims=True)
    q = (f2
         - 2.0 * jnp.dot(xp, et_ref[...], preferred_element_type=jnp.float32)
         + e2_ref[...])
    idx_ref[...] = jnp.argmin(q, axis=1).astype(jnp.int32)
    part = jnp.sum(jnp.min(q, axis=1))[None, None]

    @pl.when(i == 0)
    def _():
        loss_ref[...] = jnp.zeros_like(loss_ref)

    loss_ref[...] = loss_ref[...] + part


def _argmin_call(xf, w_in, b_in, et, e2, tok_off, tok_s):
    grid = tok_s // TILE
    off = tok_off // TILE
    return pl.pallas_call(
        _argmin_body,
        grid=(grid,),
        in_specs=[
            pl.BlockSpec((TILE, DIM), lambda i: (i + off, 0)),
            pl.BlockSpec((DIM, CODE_DIM), lambda i: (0, 0)),
            pl.BlockSpec((1, CODE_DIM), lambda i: (0, 0)),
            pl.BlockSpec((CODE_DIM, CODEBOOK), lambda i: (0, 0)),
            pl.BlockSpec((1, CODEBOOK), lambda i: (0, 0)),
        ],
        out_specs=[
            pl.BlockSpec((TILE,), lambda i: (i,)),
            pl.BlockSpec((1, 1), lambda i: (0, 0)),
        ],
        out_shape=[
            jax.ShapeDtypeStruct((tok_s,), jnp.int32),
            jax.ShapeDtypeStruct((1, 1), jnp.float32),
        ],
    )(xf, w_in, b_in, et, e2)


def _proj_body(e_ref, w_ref, b_ref, o_ref):
    o_ref[...] = jnp.dot(e_ref[...], w_ref[...],
                         preferred_element_type=jnp.float32) + b_ref[...]


def _proj_call(embed, w_out, b_out):
    grid = CODEBOOK // PROJ_TILE
    return pl.pallas_call(
        _proj_body,
        grid=(grid,),
        in_specs=[
            pl.BlockSpec((PROJ_TILE, CODE_DIM), lambda i: (i, 0)),
            pl.BlockSpec((CODE_DIM, DIM), lambda i: (0, 0)),
            pl.BlockSpec((1, DIM), lambda i: (0, 0)),
        ],
        out_specs=pl.BlockSpec((PROJ_TILE, DIM), lambda i: (i, 0)),
        out_shape=jax.ShapeDtypeStruct((CODEBOOK, DIM), jnp.float32),
    )(embed, w_out, b_out)


def _sc_gather(table, idx, tok_s, out_rows, row_off):
    mesh = plsc.VectorSubcoreMesh(core_axis_name="core",
                                  subcore_axis_name="subcore")
    info = plsc.get_sparse_core_info()
    nw = info.num_cores * info.num_subcores
    b_per_w = tok_s // nw
    chunk = GATHER_CHUNK
    nchunks = b_per_w // chunk

    @functools.partial(
        pl.kernel,
        out_type=jax.ShapeDtypeStruct((out_rows, DIM), jnp.float32),
        mesh=mesh,
        scratch_types=[
            pltpu.VMEM((b_per_w,), jnp.int32),
            pltpu.VMEM((chunk, DIM), jnp.float32),
            pltpu.VMEM((chunk, DIM), jnp.float32),
            pltpu.SemaphoreType.DMA,
            pltpu.SemaphoreType.DMA,
        ])
    def k(table_hbm, idx_hbm, out_hbm, idx_v, rows0, rows1, gsem, wsem):
        wid = (jax.lax.axis_index("subcore") * info.num_cores
               + jax.lax.axis_index("core"))
        base = wid * b_per_w
        pltpu.sync_copy(idx_hbm.at[pl.ds(base, b_per_w)], idx_v)
        bufs = (rows0, rows1)

        def gather_start(j):
            return pltpu.async_copy(
                table_hbm.at[idx_v.at[pl.ds(j * chunk, chunk)]],
                bufs[j % 2], gsem)

        def write_start(j):
            return pltpu.async_copy(
                bufs[j % 2],
                out_hbm.at[pl.ds(row_off + base + j * chunk, chunk)], wsem)

        gathers = {0: gather_start(0)}
        writes = {}
        for j in range(nchunks):
            if j + 1 < nchunks:
                if j - 1 >= 0:
                    writes[j - 1].wait()
                gathers[j + 1] = gather_start(j + 1)
            gathers[j].wait()
            writes[j] = write_start(j)
        if nchunks >= 2:
            writes[nchunks - 2].wait()
        writes[nchunks - 1].wait()

    return k(table, idx)


def kernel(x, W_in, b_in, embed, W_out, b_out):
    xf = x.reshape(NTOK, DIM)
    et = embed.T
    e2 = _e2_call(et)
    proj = _proj_call(embed, W_out, b_out.reshape(1, DIM))
    b_in2 = b_in.reshape(1, CODE_DIM)
    sizes = (5120, 4096, 4096, 3072)
    outf = None
    idxs, loss_total = [], None
    off = 0
    for s, tok_s in enumerate(sizes):
        idx_s, loss_s = _argmin_call(xf, W_in, b_in2, et, e2, off, tok_s)
        idxs.append(idx_s)
        loss_total = loss_s if loss_total is None else loss_total + loss_s
        if s == 0:
            outf = _sc_gather(proj, idx_s, tok_s, NTOK, 0)
        else:
            out_s = _sc_gather(proj, idx_s, tok_s, tok_s, 0)
            outf = jax.lax.dynamic_update_slice(outf, out_s, (off, 0))
        off += tok_s
    idx = jnp.concatenate(idxs, axis=0)
    loss = loss_total[0, 0] / (NTOK * CODE_DIM)
    return (outf.reshape(x.shape[0], x.shape[1], DIM),
            idx.reshape(x.shape[0], x.shape[1]),
            loss)

# --- scband reference (transcript-rebuilt; emitter-appended) ---
"""Pipeline reference for scband-vector-quantize-66606352827342 (READ-ONLY COPY).

The authoritative reference and input builder live on the scoring server;
editing this copy changes nothing except your own understanding.
"""

import jax, jax.numpy as jnp
import numpy as np

DIM = 768
CODE_DIM = 256
CODEBOOK_SIZE = 8192
B, N = 16, 1024

def setup_inputs(seed: int = 0) -> dict:
    key = jax.random.key(seed)
    k1, k2, k3, k4 = jax.random.split(key, 4)
    x = jax.random.normal(k1, (B, N, DIM), dtype=jnp.float32)
    W_in = jax.random.normal(k2, (DIM, CODE_DIM), dtype=jnp.float32) * 0.02
    b_in = jnp.zeros((CODE_DIM,), dtype=jnp.float32)
    embed = jax.random.normal(k3, (CODEBOOK_SIZE, CODE_DIM), dtype=jnp.float32)
    W_out = jax.random.normal(k4, (CODE_DIM, DIM), dtype=jnp.float32) * 0.02
    b_out = jnp.zeros((DIM,), dtype=jnp.float32)
    return {"x": x, "W_in": W_in, "b_in": b_in, "embed": embed, "W_out": W_out, "b_out": b_out}

def reference(x, W_in, b_in, embed, W_out, b_out):
    # projection_in (Linear dim -> codebook_dim)
    xp = x @ W_in + b_in
    # EuclideanCodebook forward (negative squared-euclidean distance)
    flatten = xp.reshape(-1, xp.shape[-1])
    embed_t = embed.T
    dist = -(jnp.sum(flatten ** 2, axis=1, keepdims=True)
             - 2.0 * (flatten @ embed_t)
             + jnp.sum(embed_t ** 2, axis=0, keepdims=True))
    embed_ind_flat = jnp.argmax(dist, axis=-1)
    embed_ind = embed_ind_flat.reshape(xp.shape[:-1])
    quantize = jnp.take(embed, embed_ind, axis=0)
    # training-mode commitment loss + straight-through estimator
    commitment = 1.0
    loss = jnp.mean((jax.lax.stop_gradient(quantize) - xp) ** 2) * commitment
    quantize_st = xp + jax.lax.stop_gradient(quantize - xp)
    # projection_out (Linear codebook_dim -> dim)
    out = quantize_st @ W_out + b_out
    return (out, embed_ind, loss)

if __name__ == "__main__":
    import jax
    _d = setup_inputs()
    print(jax.jit(kernel)(*tuple(_d.values())))

</pallas_src>

<mosaic_0001>
#map = affine_map<(d0, d1) -> (0, 0)>
#map1 = affine_map<(d0, d1) -> (0)>
module attributes {stable_mosaic.version = 14 : i64} {
  func.func @k(%arg0: i32, %arg1: i32, %arg2: memref<8192x768xf32, #tpu.memory_space<hbm>>, %arg3: memref<4096xi32, #tpu.memory_space<hbm>>, %arg4: memref<4096x768xf32, #tpu.memory_space<hbm>>, %arg5: memref<128xi32, #tpu.memory_space<vmem>>, %arg6: memref<32x768xf32, #tpu.memory_space<vmem>>, %arg7: memref<32x768xf32, #tpu.memory_space<vmem>>, %arg8: memref<!tpu.dma_semaphore, #tpu.memory_space<semaphore_mem>>, %arg9: memref<!tpu.dma_semaphore, #tpu.memory_space<semaphore_mem>>) attributes {dimension_semantics = [#tpu.dimension_semantics<core_parallel>, #tpu.dimension_semantics<subcore_parallel>], iteration_bounds = array<i64: 2, 16>, scalar_prefetch = 0 : i64, scratch_operands = 5 : i64, tpu.core_type = #tpu.core_type<sc_vector_subcore>, window_params = [{transform_indices = #map}, {transform_indices = #map1}, {transform_indices = #map}]} {
    %mul3A = arith.constant 2 : i32
    %mul3A_0 = arith.muli %arg1, %mul3A : i32
    %add3A = arith.addi %mul3A_0, %arg0 : i32
    %mul3A_1 = arith.constant 128 : i32
    %mul3A_2 = arith.muli %add3A, %mul3A_1 : i32
    "tpu.region"() ({
      %run_scoped3A = tpu.sem_alloc : memref<!tpu.dma_semaphore, #tpu.memory_space<semaphore_mem>>
      %dma_start3A_89 = tpu.memref_slice %arg3[%mul3A_2] : memref<4096xi32, #tpu.memory_space<hbm>> -> memref<128xi32, #tpu.memory_space<hbm>>
      %dma_start3A_90 = tpu.memref_slice %arg3[%mul3A_2] : memref<4096xi32, #tpu.memory_space<hbm>> -> memref<128xi32, #tpu.memory_space<hbm>>
      tpu.enqueue_dma source(%dma_start3A_90 : memref<128xi32, #tpu.memory_space<hbm>>) target(%arg5 : memref<128xi32, #tpu.memory_space<vmem>>) target_semaphore(%run_scoped3A : memref<!tpu.dma_semaphore, #tpu.memory_space<semaphore_mem>>)
      %dma_wait3A_91 = tpu.memref_slice %arg3[%mul3A_2] : memref<4096xi32, #tpu.memory_space<hbm>> -> memref<128xi32, #tpu.memory_space<hbm>>
      %dma_wait3A_92 = tpu.memref_slice %arg3[%mul3A_2] : memref<4096xi32, #tpu.memory_space<hbm>> -> memref<128xi32, #tpu.memory_space<hbm>>
      tpu.wait_dma2 semaphore(%run_scoped3A : memref<!tpu.dma_semaphore, #tpu.memory_space<semaphore_mem>>) src(%dma_wait3A_92 : memref<128xi32, #tpu.memory_space<hbm>>) dst(%arg5 : memref<128xi32, #tpu.memory_space<vmem>>)
      tpu.yield
    }) : () -> ()
    %dma_start3A = arith.constant 0 : i32
    %dma_start3A_3 = tpu.memref_slice %arg5[%dma_start3A] : memref<128xi32, #tpu.memory_space<vmem>> -> memref<32xi32, #tpu.memory_space<vmem>>
    %dma_start3A_4 = arith.constant 0 : i32
    %dma_start3A_5 = arith.constant 0 : i32
    %dma_start3A_6 = tpu.memref_slice %arg2[%dma_start3A_4, %dma_start3A_5] : memref<8192x768xf32, #tpu.memory_space<hbm>> -> memref<8192x768xf32, #tpu.memory_space<hbm>>
    tpu.enqueue_indirect_dma source(%dma_start3A_6 : memref<8192x768xf32, #tpu.memory_space<hbm>>) target(%arg6 : memref<32x768xf32, #tpu.memory_space<vmem>>) offsets(%dma_start3A_3 : memref<32xi32, #tpu.memory_space<vmem>>) semaphore(%arg8 : memref<!tpu.dma_semaphore, #tpu.memory_space<semaphore_mem>>)
    %dma_start3A_7 = arith.constant 32 : i32
    %dma_start3A_8 = tpu.memref_slice %arg5[%dma_start3A_7] : memref<128xi32, #tpu.memory_space<vmem>> -> memref<32xi32, #tpu.memory_space<vmem>>
    %dma_start3A_9 = arith.constant 0 : i32
    %dma_start3A_10 = arith.constant 0 : i32
    %dma_start3A_11 = tpu.memref_slice %arg2[%dma_start3A_9, %dma_start3A_10] : memref<8192x768xf32, #tpu.memory_space<hbm>> -> memref<8192x768xf32, #tpu.memory_space<hbm>>
    tpu.enqueue_indirect_dma source(%dma_start3A_11 : memref<8192x768xf32, #tpu.memory_space<hbm>>) target(%arg7 : memref<32x768xf32, #tpu.memory_space<vmem>>) offsets(%dma_start3A_8 : memref<32xi32, #tpu.memory_space<vmem>>) semaphore(%arg8 : memref<!tpu.dma_semaphore, #tpu.memory_space<semaphore_mem>>)
    %dma_wait3A = arith.constant 0 : i32
    %dma_wait3A_12 = tpu.memref_slice %arg5[%dma_wait3A] : memref<128xi32, #tpu.memory_space<vmem>> -> memref<32xi32, #tpu.memory_space<vmem>>
    %dma_wait3A_13 = arith.constant 0 : i32
    %dma_wait3A_14 = arith.constant 0 : i32
    %dma_wait3A_15 = tpu.memref_slice %arg2[%dma_wait3A_13, %dma_wait3A_14] : memref<8192x768xf32, #tpu.memory_space<hbm>> -> memref<8192x768xf32, #tpu.memory_space<hbm>>
    tpu.wait_indirect_dma semaphore(%arg8 : memref<!tpu.dma_semaphore, #tpu.memory_space<semaphore_mem>>) src(%dma_wait3A_15 : memref<8192x768xf32, #tpu.memory_space<hbm>>) dst(%arg6 : memref<32x768xf32, #tpu.memory_space<vmem>>)
    %add3A_16 = arith.constant 0 : i32
    %add3A_17 = arith.addi %add3A_16, %mul3A_2 : i32
    %add3A_18 = arith.constant 0 : i32
    %add3A_19 = arith.addi %add3A_17, %add3A_18 : i32
    %dma_start3A_20 = arith.constant 0 : i32
    %dma_start3A_21 = tpu.memref_slice %arg4[%add3A_19, %dma_start3A_20] : memref<4096x768xf32, #tpu.memory_space<hbm>> -> memref<32x768xf32, #tpu.memory_space<hbm>>
    %dma_start3A_22 = arith.constant 0 : i32
    %dma_start3A_23 = tpu.memref_slice %arg4[%add3A_19, %dma_start3A_22] : memref<4096x768xf32, #tpu.memory_space<hbm>> -> memref<32x768xf32, #tpu.memory_space<hbm>>
    tpu.enqueue_dma source(%arg6 : memref<32x768xf32, #tpu.memory_space<vmem>>) target(%dma_start3A_23 : memref<32x768xf32, #tpu.memory_space<hbm>>) target_semaphore(%arg9 : memref<!tpu.dma_semaphore, #tpu.memory_space<semaphore_mem>>)
    %dma_wait3A_24 = arith.constant 0 : i32
    %dma_wait3A_25 = tpu.memref_slice %arg4[%add3A_19, %dma_wait3A_24] : memref<4096x768xf32, #tpu.memory_space<hbm>> -> memref<32x768xf32, #tpu.memory_space<hbm>>
    %dma_wait3A_26 = arith.constant 0 : i32
    %dma_wait3A_27 = tpu.memref_slice %arg4[%add3A_19, %dma_wait3A_26] : memref<4096x768xf32, #tpu.memory_space<hbm>> -> memref<32x768xf32, #tpu.memory_space<hbm>>
    tpu.wait_dma2 semaphore(%arg9 : memref<!tpu.dma_semaphore, #tpu.memory_space<semaphore_mem>>) src(%arg6 : memref<32x768xf32, #tpu.memory_space<vmem>>) dst(%dma_wait3A_27 : memref<32x768xf32, #tpu.memory_space<hbm>>)
    %dma_start3A_28 = arith.constant 64 : i32
    %dma_start3A_29 = tpu.memref_slice %arg5[%dma_start3A_28] : memref<128xi32, #tpu.memory_space<vmem>> -> memref<32xi32, #tpu.memory_space<vmem>>
    %dma_start3A_30 = arith.constant 0 : i32
    %dma_start3A_31 = arith.constant 0 : i32
    %dma_start3A_32 = tpu.memref_slice %arg2[%dma_start3A_30, %dma_start3A_31] : memref<8192x768xf32, #tpu.memory_space<hbm>> -> memref<8192x768xf32, #tpu.memory_space<hbm>>
    tpu.enqueue_indirect_dma source(%dma_start3A_32 : memref<8192x768xf32, #tpu.memory_space<hbm>>) target(%arg6 : memref<32x768xf32, #tpu.memory_space<vmem>>) offsets(%dma_start3A_29 : memref<32xi32, #tpu.memory_space<vmem>>) semaphore(%arg8 : memref<!tpu.dma_semaphore, #tpu.memory_space<semaphore_mem>>)
    %dma_wait3A_33 = arith.constant 32 : i32
    %dma_wait3A_34 = tpu.memref_slice %arg5[%dma_wait3A_33] : memref<128xi32, #tpu.memory_space<vmem>> -> memref<32xi32, #tpu.memory_space<vmem>>
    %dma_wait3A_35 = arith.constant 0 : i32
    %dma_wait3A_36 = arith.constant 0 : i32
    %dma_wait3A_37 = tpu.memref_slice %arg2[%dma_wait3A_35, %dma_wait3A_36] : memref<8192x768xf32, #tpu.memory_space<hbm>> -> memref<8192x768xf32, #tpu.memory_space<hbm>>
    tpu.wait_indirect_dma semaphore(%arg8 : memref<!tpu.dma_semaphore, #tpu.memory_space<semaphore_mem>>) src(%dma_wait3A_37 : memref<8192x768xf32, #tpu.memory_space<hbm>>) dst(%arg7 : memref<32x768xf32, #tpu.memory_space<vmem>>)
    %add3A_38 = arith.constant 0 : i32
    %add3A_39 = arith.addi %add3A_38, %mul3A_2 : i32
    %add3A_40 = arith.constant 32 : i32
    %add3A_41 = arith.addi %add3A_39, %add3A_40 : i32
    %dma_start3A_42 = arith.constant 0 : i32
    %dma_start3A_43 = tpu.memref_slice %arg4[%add3A_41, %dma_start3A_42] : memref<4096x768xf32, #tpu.memory_space<hbm>> -> memref<32x768xf32, #tpu.memory_space<hbm>>
    %dma_start3A_44 = arith.constant 0 : i32
    %dma_start3A_45 = tpu.memref_slice %arg4[%add3A_41, %dma_start3A_44] : memref<4096x768xf32, #tpu.memory_space<hbm>> -> memref<32x768xf32, #tpu.memory_space<hbm>>
    tpu.enqueue_dma source(%arg7 : memref<32x768xf32, #tpu.memory_space<vmem>>) target(%dma_start3A_45 : memref<32x768xf32, #tpu.memory_space<hbm>>) target_semaphore(%arg9 : memref<!tpu.dma_semaphore, #tpu.memory_space<semaphore_mem>>)
    %dma_wait3A_46 = arith.constant 0 : i32
    %dma_wait3A_47 = tpu.memref_slice %arg4[%add3A_41, %dma_wait3A_46] : memref<4096x768xf32, #tpu.memory_space<hbm>> -> memref<32x768xf32, #tpu.memory_space<hbm>>
    %dma_wait3A_48 = arith.constant 0 : i32
    %dma_wait3A_49 = tpu.memref_slice %arg4[%add3A_41, %dma_wait3A_48] : memref<4096x768xf32, #tpu.memory_space<hbm>> -> memref<32x768xf32, #tpu.memory_space<hbm>>
    tpu.wait_dma2 semaphore(%arg9 : memref<!tpu.dma_semaphore, #tpu.memory_space<semaphore_mem>>) src(%arg7 : memref<32x768xf32, #tpu.memory_space<vmem>>) dst(%dma_wait3A_49 : memref<32x768xf32, #tpu.memory_space<hbm>>)
    %dma_start3A_50 = arith.constant 96 : i32
    %dma_start3A_51 = tpu.memref_slice %arg5[%dma_start3A_50] : memref<128xi32, #tpu.memory_space<vmem>> -> memref<32xi32, #tpu.memory_space<vmem>>
    %dma_start3A_52 = arith.constant 0 : i32
    %dma_start3A_53 = arith.constant 0 : i32
    %dma_start3A_54 = tpu.memref_slice %arg2[%dma_start3A_52, %dma_start3A_53] : memref<8192x768xf32, #tpu.memory_space<hbm>> -> memref<8192x768xf32, #tpu.memory_space<hbm>>
    tpu.enqueue_indirect_dma source(%dma_start3A_54 : memref<8192x768xf32, #tpu.memory_space<hbm>>) target(%arg7 : memref<32x768xf32, #tpu.memory_space<vmem>>) offsets(%dma_start3A_51 : memref<32xi32, #tpu.memory_space<vmem>>) semaphore(%arg8 : memref<!tpu.dma_semaphore, #tpu.memory_space<semaphore_mem>>)
    %dma_wait3A_55 = arith.constant 64 : i32
    %dma_wait3A_56 = tpu.memref_slice %arg5[%dma_wait3A_55] : memref<128xi32, #tpu.memory_space<vmem>> -> memref<32xi32, #tpu.memory_space<vmem>>
    %dma_wait3A_57 = arith.constant 0 : i32
    %dma_wait3A_58 = arith.constant 0 : i32
    %dma_wait3A_59 = tpu.memref_slice %arg2[%dma_wait3A_57, %dma_wait3A_58] : memref<8192x768xf32, #tpu.memory_space<hbm>> -> memref<8192x768xf32, #tpu.memory_space<hbm>>
    tpu.wait_indirect_dma semaphore(%arg8 : memref<!tpu.dma_semaphore, #tpu.memory_space<semaphore_mem>>) src(%dma_wait3A_59 : memref<8192x768xf32, #tpu.memory_space<hbm>>) dst(%arg6 : memref<32x768xf32, #tpu.memory_space<vmem>>)
    %add3A_60 = arith.constant 0 : i32
    %add3A_61 = arith.addi %add3A_60, %mul3A_2 : i32
    %add3A_62 = arith.constant 64 : i32
    %add3A_63 = arith.addi %add3A_61, %add3A_62 : i32
    %dma_start3A_64 = arith.constant 0 : i32
    %dma_start3A_65 = tpu.memref_slice %arg4[%add3A_63, %dma_start3A_64] : memref<4096x768xf32, #tpu.memory_space<hbm>> -> memref<32x768xf32, #tpu.memory_space<hbm>>
    %dma_start3A_66 = arith.constant 0 : i32
    %dma_start3A_67 = tpu.memref_slice %arg4[%add3A_63, %dma_start3A_66] : memref<4096x768xf32, #tpu.memory_space<hbm>> -> memref<32x768xf32, #tpu.memory_space<hbm>>
    tpu.enqueue_dma source(%arg6 : memref<32x768xf32, #tpu.memory_space<vmem>>) target(%dma_start3A_67 : memref<32x768xf32, #tpu.memory_space<hbm>>) target_semaphore(%arg9 : memref<!tpu.dma_semaphore, #tpu.memory_space<semaphore_mem>>)
    %dma_wait3A_68 = arith.constant 96 : i32
    %dma_wait3A_69 = tpu.memref_slice %arg5[%dma_wait3A_68] : memref<128xi32, #tpu.memory_space<vmem>> -> memref<32xi32, #tpu.memory_space<vmem>>
    %dma_wait3A_70 = arith.constant 0 : i32
    %dma_wait3A_71 = arith.constant 0 : i32
    %dma_wait3A_72 = tpu.memref_slice %arg2[%dma_wait3A_70, %dma_wait3A_71] : memref<8192x768xf32, #tpu.memory_space<hbm>> -> memref<8192x768xf32, #tpu.memory_space<hbm>>
    tpu.wait_indirect_dma semaphore(%arg8 : memref<!tpu.dma_semaphore, #tpu.memory_space<semaphore_mem>>) src(%dma_wait3A_72 : memref<8192x768xf32, #tpu.memory_space<hbm>>) dst(%arg7 : memref<32x768xf32, #tpu.memory_space<vmem>>)
    %add3A_73 = arith.constant 0 : i32
    %add3A_74 = arith.addi %add3A_73, %mul3A_2 : i32
    %add3A_75 = arith.constant 96 : i32
    %add3A_76 = arith.addi %add3A_74, %add3A_75 : i32
    %dma_start3A_77 = arith.constant 0 : i32
    %dma_start3A_78 = tpu.memref_slice %arg4[%add3A_76, %dma_start3A_77] : memref<4096x768xf32, #tpu.memory_space<hbm>> -> memref<32x768xf32, #tpu.memory_space<hbm>>
    %dma_start3A_79 = arith.constant 0 : i32
    %dma_start3A_80 = tpu.memref_slice %arg4[%add3A_76, %dma_start3A_79] : memref<4096x768xf32, #tpu.memory_space<hbm>> -> memref<32x768xf32, #tpu.memory_space<hbm>>
    tpu.enqueue_dma source(%arg7 : memref<32x768xf32, #tpu.memory_space<vmem>>) target(%dma_start3A_80 : memref<32x768xf32, #tpu.memory_space<hbm>>) target_semaphore(%arg9 : memref<!tpu.dma_semaphore, #tpu.memory_space<semaphore_mem>>)
    %dma_wait3A_81 = arith.constant 0 : i32
    %dma_wait3A_82 = tpu.memref_slice %arg4[%add3A_63, %dma_wait3A_81] : memref<4096x768xf32, #tpu.memory_space<hbm>> -> memref<32x768xf32, #tpu.memory_space<hbm>>
    %dma_wait3A_83 = arith.constant 0 : i32
    %dma_wait3A_84 = tpu.memref_slice %arg4[%add3A_63, %dma_wait3A_83] : memref<4096x768xf32, #tpu.memory_space<hbm>> -> memref<32x768xf32, #tpu.memory_space<hbm>>
    tpu.wait_dma2 semaphore(%arg9 : memref<!tpu.dma_semaphore, #tpu.memory_space<semaphore_mem>>) src(%arg6 : memref<32x768xf32, #tpu.memory_space<vmem>>) dst(%dma_wait3A_84 : memref<32x768xf32, #tpu.memory_space<hbm>>)
    %dma_wait3A_85 = arith.constant 0 : i32
    %dma_wait3A_86 = tpu.memref_slice %arg4[%add3A_76, %dma_wait3A_85] : memref<4096x768xf32, #tpu.memory_space<hbm>> -> memref<32x768xf32, #tpu.memory_space<hbm>>
    %dma_wait3A_87 = arith.constant 0 : i32
    %dma_wait3A_88 = tpu.memref_slice %arg4[%add3A_76, %dma_wait3A_87] : memref<4096x768xf32, #tpu.memory_space<hbm>> -> memref<32x768xf32, #tpu.memory_space<hbm>>
    tpu.wait_dma2 semaphore(%arg9 : memref<!tpu.dma_semaphore, #tpu.memory_space<semaphore_mem>>) src(%arg7 : memref<32x768xf32, #tpu.memory_space<vmem>>) dst(%dma_wait3A_88 : memref<32x768xf32, #tpu.memory_space<hbm>>)
    return
  }
}

#map = affine_map<(d0, d1) -> (0, 0)>
#map1 = affine_map<(d0, d1) -> (0)>
module attributes {stable_mosaic.version = 14 : i64} {
  func.func @k(%arg0: i32, %arg1: i32, %arg2: memref<8192x768xf32, #tpu.memory_space<hbm>>, %arg3: memref<3072xi32, #tpu.memory_space<hbm>>, %arg4: memref<3072x768xf32, #tpu.memory_space<hbm>>, %arg5: memref<96xi32, #tpu.memory_space<vmem>>, %arg6: memref<32x768xf32, #tpu.memory_space<vmem>>, %arg7: memref<32x768xf32, #tpu.memory_space<vmem>>, %arg8: memref<!tpu.dma_semaphore, #tpu.memory_space<semaphore_mem>>, %arg9: memref<!tpu.dma_semaphore, #tpu.memory_space<semaphore_mem>>) attributes {dimension_semantics = [#tpu.dimension_semantics<core_parallel>, #tpu.dimension_semantics<subcore_parallel>], iteration_bounds = array<i64: 2, 16>, scalar_prefetch = 0 : i64, scratch_operands = 5 : i64, tpu.core_type = #tpu.core_type<sc_vector_subcore>, window_params = [{transform_indices = #map}, {transform_indices = #map1}, {transform_indices = #map}]} {
    %mul3A = arith.constant 2 : i32
    %mul3A_0 = arith.muli %arg1, %mul3A : i32
    %add3A = arith.addi %mul3A_0, %arg0 : i32
    %mul3A_1 = arith.constant 96 : i32
    %mul3A_2 = arith.muli %add3A, %mul3A_1 : i32
    "tpu.region"() ({
      %run_scoped3A = tpu.sem_alloc : memref<!tpu.dma_semaphore, #tpu.memory_space<semaphore_mem>>
      %dma_start3A_67 = tpu.memref_slice %arg3[%mul3A_2] : memref<3072xi32, #tpu.memory_space<hbm>> -> memref<96xi32, #tpu.memory_space<hbm>>
      %dma_start3A_68 = tpu.memref_slice %arg3[%mul3A_2] : memref<3072xi32, #tpu.memory_space<hbm>> -> memref<96xi32, #tpu.memory_space<hbm>>
      tpu.enqueue_dma source(%dma_start3A_68 : memref<96xi32, #tpu.memory_space<hbm>>) target(%arg5 : memref<96xi32, #tpu.memory_space<vmem>>) target_semaphore(%run_scoped3A : memref<!tpu.dma_semaphore, #tpu.memory_space<semaphore_mem>>)
      %dma_wait3A_69 = tpu.memref_slice %arg3[%mul3A_2] : memref<3072xi32, #tpu.memory_space<hbm>> -> memref<96xi32, #tpu.memory_space<hbm>>
      %dma_wait3A_70 = tpu.memref_slice %arg3[%mul3A_2] : memref<3072xi32, #tpu.memory_space<hbm>> -> memref<96xi32, #tpu.memory_space<hbm>>
      tpu.wait_dma2 semaphore(%run_scoped3A : memref<!tpu.dma_semaphore, #tpu.memory_space<semaphore_mem>>) src(%dma_wait3A_70 : memref<96xi32, #tpu.memory_space<hbm>>) dst(%arg5 : memref<96xi32, #tpu.memory_space<vmem>>)
      tpu.yield
    }) : () -> ()
    %dma_start3A = arith.constant 0 : i32
    %dma_start3A_3 = tpu.memref_slice %arg5[%dma_start3A] : memref<96xi32, #tpu.memory_space<vmem>> -> memref<32xi32, #tpu.memory_space<vmem>>
    %dma_start3A_4 = arith.constant 0 : i32
    %dma_start3A_5 = arith.constant 0 : i32
    %dma_start3A_6 = tpu.memref_slice %arg2[%dma_start3A_4, %dma_start3A_5] : memref<8192x768xf32, #tpu.memory_space<hbm>> -> memref<8192x768xf32, #tpu.memory_space<hbm>>
    tpu.enqueue_indirect_dma source(%dma_start3A_6 : memref<8192x768xf32, #tpu.memory_space<hbm>>) target(%arg6 : memref<32x768xf32, #tpu.memory_space<vmem>>) offsets(%dma_start3A_3 : memref<32xi32, #tpu.memory_space<vmem>>) semaphore(%arg8 : memref<!tpu.dma_semaphore, #tpu.memory_space<semaphore_mem>>)
    %dma_start3A_7 = arith.constant 32 : i32
    %dma_start3A_8 = tpu.memref_slice %arg5[%dma_start3A_7] : memref<96xi32, #tpu.memory_space<vmem>> -> memref<32xi32, #tpu.memory_space<vmem>>
    %dma_start3A_9 = arith.constant 0 : i32
    %dma_start3A_10 = arith.constant 0 : i32
    %dma_start3A_11 = tpu.memref_slice %arg2[%dma_start3A_9, %dma_start3A_10] : memref<8192x768xf32, #tpu.memory_space<hbm>> -> memref<8192x768xf32, #tpu.memory_space<hbm>>
    tpu.enqueue_indirect_dma source(%dma_start3A_11 : memref<8192x768xf32, #tpu.memory_space<hbm>>) target(%arg7 : memref<32x768xf32, #tpu.memory_space<vmem>>) offsets(%dma_start3A_8 : memref<32xi32, #tpu.memory_space<vmem>>) semaphore(%arg8 : memref<!tpu.dma_semaphore, #tpu.memory_space<semaphore_mem>>)
    %dma_wait3A = arith.constant 0 : i32
    %dma_wait3A_12 = tpu.memref_slice %arg5[%dma_wait3A] : memref<96xi32, #tpu.memory_space<vmem>> -> memref<32xi32, #tpu.memory_space<vmem>>
    %dma_wait3A_13 = arith.constant 0 : i32
    %dma_wait3A_14 = arith.constant 0 : i32
    %dma_wait3A_15 = tpu.memref_slice %arg2[%dma_wait3A_13, %dma_wait3A_14] : memref<8192x768xf32, #tpu.memory_space<hbm>> -> memref<8192x768xf32, #tpu.memory_space<hbm>>
    tpu.wait_indirect_dma semaphore(%arg8 : memref<!tpu.dma_semaphore, #tpu.memory_space<semaphore_mem>>) src(%dma_wait3A_15 : memref<8192x768xf32, #tpu.memory_space<hbm>>) dst(%arg6 : memref<32x768xf32, #tpu.memory_space<vmem>>)
    %add3A_16 = arith.constant 0 : i32
    %add3A_17 = arith.addi %add3A_16, %mul3A_2 : i32
    %add3A_18 = arith.constant 0 : i32
    %add3A_19 = arith.addi %add3A_17, %add3A_18 : i32
    %dma_start3A_20 = arith.constant 0 : i32
    %dma_start3A_21 = tpu.memref_slice %arg4[%add3A_19, %dma_start3A_20] : memref<3072x768xf32, #tpu.memory_space<hbm>> -> memref<32x768xf32, #tpu.memory_space<hbm>>
    %dma_start3A_22 = arith.constant 0 : i32
    %dma_start3A_23 = tpu.memref_slice %arg4[%add3A_19, %dma_start3A_22] : memref<3072x768xf32, #tpu.memory_space<hbm>> -> memref<32x768xf32, #tpu.memory_space<hbm>>
    tpu.enqueue_dma source(%arg6 : memref<32x768xf32, #tpu.memory_space<vmem>>) target(%dma_start3A_23 : memref<32x768xf32, #tpu.memory_space<hbm>>) target_semaphore(%arg9 : memref<!tpu.dma_semaphore, #tpu.memory_space<semaphore_mem>>)
    %dma_wait3A_24 = arith.constant 0 : i32
    %dma_wait3A_25 = tpu.memref_slice %arg4[%add3A_19, %dma_wait3A_24] : memref<3072x768xf32, #tpu.memory_space<hbm>> -> memref<32x768xf32, #tpu.memory_space<hbm>>
    %dma_wait3A_26 = arith.constant 0 : i32
    %dma_wait3A_27 = tpu.memref_slice %arg4[%add3A_19, %dma_wait3A_26] : memref<3072x768xf32, #tpu.memory_space<hbm>> -> memref<32x768xf32, #tpu.memory_space<hbm>>
    tpu.wait_dma2 semaphore(%arg9 : memref<!tpu.dma_semaphore, #tpu.memory_space<semaphore_mem>>) src(%arg6 : memref<32x768xf32, #tpu.memory_space<vmem>>) dst(%dma_wait3A_27 : memref<32x768xf32, #tpu.memory_space<hbm>>)
    %dma_start3A_28 = arith.constant 64 : i32
    %dma_start3A_29 = tpu.memref_slice %arg5[%dma_start3A_28] : memref<96xi32, #tpu.memory_space<vmem>> -> memref<32xi32, #tpu.memory_space<vmem>>
    %dma_start3A_30 = arith.constant 0 : i32
    %dma_start3A_31 = arith.constant 0 : i32
    %dma_start3A_32 = tpu.memref_slice %arg2[%dma_start3A_30, %dma_start3A_31] : memref<8192x768xf32, #tpu.memory_space<hbm>> -> memref<8192x768xf32, #tpu.memory_space<hbm>>
    tpu.enqueue_indirect_dma source(%dma_start3A_32 : memref<8192x768xf32, #tpu.memory_space<hbm>>) target(%arg6 : memref<32x768xf32, #tpu.memory_space<vmem>>) offsets(%dma_start3A_29 : memref<32xi32, #tpu.memory_space<vmem>>) semaphore(%arg8 : memref<!tpu.dma_semaphore, #tpu.memory_space<semaphore_mem>>)
    %dma_wait3A_33 = arith.constant 32 : i32
    %dma_wait3A_34 = tpu.memref_slice %arg5[%dma_wait3A_33] : memref<96xi32, #tpu.memory_space<vmem>> -> memref<32xi32, #tpu.memory_space<vmem>>
    %dma_wait3A_35 = arith.constant 0 : i32
    %dma_wait3A_36 = arith.constant 0 : i32
    %dma_wait3A_37 = tpu.memref_slice %arg2[%dma_wait3A_35, %dma_wait3A_36] : memref<8192x768xf32, #tpu.memory_space<hbm>> -> memref<8192x768xf32, #tpu.memory_space<hbm>>
    tpu.wait_indirect_dma semaphore(%arg8 : memref<!tpu.dma_semaphore, #tpu.memory_space<semaphore_mem>>) src(%dma_wait3A_37 : memref<8192x768xf32, #tpu.memory_space<hbm>>) dst(%arg7 : memref<32x768xf32, #tpu.memory_space<vmem>>)
    %add3A_38 = arith.constant 0 : i32
    %add3A_39 = arith.addi %add3A_38, %mul3A_2 : i32
    %add3A_40 = arith.constant 32 : i32
    %add3A_41 = arith.addi %add3A_39, %add3A_40 : i32
    %dma_start3A_42 = arith.constant 0 : i32
    %dma_start3A_43 = tpu.memref_slice %arg4[%add3A_41, %dma_start3A_42] : memref<3072x768xf32, #tpu.memory_space<hbm>> -> memref<32x768xf32, #tpu.memory_space<hbm>>
    %dma_start3A_44 = arith.constant 0 : i32
    %dma_start3A_45 = tpu.memref_slice %arg4[%add3A_41, %dma_start3A_44] : memref<3072x768xf32, #tpu.memory_space<hbm>> -> memref<32x768xf32, #tpu.memory_space<hbm>>
    tpu.enqueue_dma source(%arg7 : memref<32x768xf32, #tpu.memory_space<vmem>>) target(%dma_start3A_45 : memref<32x768xf32, #tpu.memory_space<hbm>>) target_semaphore(%arg9 : memref<!tpu.dma_semaphore, #tpu.memory_space<semaphore_mem>>)
    %dma_wait3A_46 = arith.constant 64 : i32
    %dma_wait3A_47 = tpu.memref_slice %arg5[%dma_wait3A_46] : memref<96xi32, #tpu.memory_space<vmem>> -> memref<32xi32, #tpu.memory_space<vmem>>
    %dma_wait3A_48 = arith.constant 0 : i32
    %dma_wait3A_49 = arith.constant 0 : i32
    %dma_wait3A_50 = tpu.memref_slice %arg2[%dma_wait3A_48, %dma_wait3A_49] : memref<8192x768xf32, #tpu.memory_space<hbm>> -> memref<8192x768xf32, #tpu.memory_space<hbm>>
    tpu.wait_indirect_dma semaphore(%arg8 : memref<!tpu.dma_semaphore, #tpu.memory_space<semaphore_mem>>) src(%dma_wait3A_50 : memref<8192x768xf32, #tpu.memory_space<hbm>>) dst(%arg6 : memref<32x768xf32, #tpu.memory_space<vmem>>)
    %add3A_51 = arith.constant 0 : i32
    %add3A_52 = arith.addi %add3A_51, %mul3A_2 : i32
    %add3A_53 = arith.constant 64 : i32
    %add3A_54 = arith.addi %add3A_52, %add3A_53 : i32
    %dma_start3A_55 = arith.constant 0 : i32
    %dma_start3A_56 = tpu.memref_slice %arg4[%add3A_54, %dma_start3A_55] : memref<3072x768xf32, #tpu.memory_space<hbm>> -> memref<32x768xf32, #tpu.memory_space<hbm>>
    %dma_start3A_57 = arith.constant 0 : i32
    %dma_start3A_58 = tpu.memref_slice %arg4[%add3A_54, %dma_start3A_57] : memref<3072x768xf32, #tpu.memory_space<hbm>> -> memref<32x768xf32, #tpu.memory_space<hbm>>
    tpu.enqueue_dma source(%arg6 : memref<32x768xf32, #tpu.memory_space<vmem>>) target(%dma_start3A_58 : memref<32x768xf32, #tpu.memory_space<hbm>>) target_semaphore(%arg9 : memref<!tpu.dma_semaphore, #tpu.memory_space<semaphore_mem>>)
    %dma_wait3A_59 = arith.constant 0 : i32
    %dma_wait3A_60 = tpu.memref_slice %arg4[%add3A_41, %dma_wait3A_59] : memref<3072x768xf32, #tpu.memory_space<hbm>> -> memref<32x768xf32, #tpu.memory_space<hbm>>
    %dma_wait3A_61 = arith.constant 0 : i32
    %dma_wait3A_62 = tpu.memref_slice %arg4[%add3A_41, %dma_wait3A_61] : memref<3072x768xf32, #tpu.memory_space<hbm>> -> memref<32x768xf32, #tpu.memory_space<hbm>>
    tpu.wait_dma2 semaphore(%arg9 : memref<!tpu.dma_semaphore, #tpu.memory_space<semaphore_mem>>) src(%arg7 : memref<32x768xf32, #tpu.memory_space<vmem>>) dst(%dma_wait3A_62 : memref<32x768xf32, #tpu.memory_space<hbm>>)
    %dma_wait3A_63 = arith.constant 0 : i32
    %dma_wait3A_64 = tpu.memref_slice %arg4[%add3A_54, %dma_wait3A_63] : memref<3072x768xf32, #tpu.memory_space<hbm>> -> memref<32x768xf32, #tpu.memory_space<hbm>>
    %dma_wait3A_65 = arith.constant 0 : i32
    %dma_wait3A_66 = tpu.memref_slice %arg4[%add3A_54, %dma_wait3A_65] : memref<3072x768xf32, #tpu.memory_space<hbm>> -> memref<32x768xf32, #tpu.memory_space<hbm>>
    tpu.wait_dma2 semaphore(%arg9 : memref<!tpu.dma_semaphore, #tpu.memory_space<semaphore_mem>>) src(%arg6 : memref<32x768xf32, #tpu.memory_space<vmem>>) dst(%dma_wait3A_66 : memref<32x768xf32, #tpu.memory_space<hbm>>)
    return
  }
}

#map = affine_map<(d0, d1) -> (0, 0)>
#map1 = affine_map<(d0, d1) -> (0)>
module attributes {stable_mosaic.version = 14 : i64} {
  func.func @k(%arg0: i32, %arg1: i32, %arg2: memref<8192x768xf32, #tpu.memory_space<hbm>>, %arg3: memref<5120xi32, #tpu.memory_space<hbm>>, %arg4: memref<16384x768xf32, #tpu.memory_space<hbm>>, %arg5: memref<160xi32, #tpu.memory_space<vmem>>, %arg6: memref<32x768xf32, #tpu.memory_space<vmem>>, %arg7: memref<32x768xf32, #tpu.memory_space<vmem>>, %arg8: memref<!tpu.dma_semaphore, #tpu.memory_space<semaphore_mem>>, %arg9: memref<!tpu.dma_semaphore, #tpu.memory_space<semaphore_mem>>) attributes {dimension_semantics = [#tpu.dimension_semantics<core_parallel>, #tpu.dimension_semantics<subcore_parallel>], iteration_bounds = array<i64: 2, 16>, scalar_prefetch = 0 : i64, scratch_operands = 5 : i64, tpu.core_type = #tpu.core_type<sc_vector_subcore>, window_params = [{transform_indices = #map}, {transform_indices = #map1}, {transform_indices = #map}]} {
    %mul3A = arith.constant 2 : i32
    %mul3A_0 = arith.muli %arg1, %mul3A : i32
    %add3A = arith.addi %mul3A_0, %arg0 : i32
    %mul3A_1 = arith.constant 160 : i32
    %mul3A_2 = arith.muli %add3A, %mul3A_1 : i32
    "tpu.region"() ({
      %run_scoped3A = tpu.sem_alloc : memref<!tpu.dma_semaphore, #tpu.memory_space<semaphore_mem>>
      %dma_start3A_111 = tpu.memref_slice %arg3[%mul3A_2] : memref<5120xi32, #tpu.memory_space<hbm>> -> memref<160xi32, #tpu.memory_space<hbm>>
      %dma_start3A_112 = tpu.memref_slice %arg3[%mul3A_2] : memref<5120xi32, #tpu.memory_space<hbm>> -> memref<160xi32, #tpu.memory_space<hbm>>
      tpu.enqueue_dma source(%dma_start3A_112 : memref<160xi32, #tpu.memory_space<hbm>>) target(%arg5 : memref<160xi32, #tpu.memory_space<vmem>>) target_semaphore(%run_scoped3A : memref<!tpu.dma_semaphore, #tpu.memory_space<semaphore_mem>>)
      %dma_wait3A_113 = tpu.memref_slice %arg3[%mul3A_2] : memref<5120xi32, #tpu.memory_space<hbm>> -> memref<160xi32, #tpu.memory_space<hbm>>
      %dma_wait3A_114 = tpu.memref_slice %arg3[%mul3A_2] : memref<5120xi32, #tpu.memory_space<hbm>> -> memref<160xi32, #tpu.memory_space<hbm>>
      tpu.wait_dma2 semaphore(%run_scoped3A : memref<!tpu.dma_semaphore, #tpu.memory_space<semaphore_mem>>) src(%dma_wait3A_114 : memref<160xi32, #tpu.memory_space<hbm>>) dst(%arg5 : memref<160xi32, #tpu.memory_space<vmem>>)
      tpu.yield
    }) : () -> ()
    %dma_start3A = arith.constant 0 : i32
    %dma_start3A_3 = tpu.memref_slice %arg5[%dma_start3A] : memref<160xi32, #tpu.memory_space<vmem>> -> memref<32xi32, #tpu.memory_space<vmem>>
    %dma_start3A_4 = arith.constant 0 : i32
    %dma_start3A_5 = arith.constant 0 : i32
    %dma_start3A_6 = tpu.memref_slice %arg2[%dma_start3A_4, %dma_start3A_5] : memref<8192x768xf32, #tpu.memory_space<hbm>> -> memref<8192x768xf32, #tpu.memory_space<hbm>>
    tpu.enqueue_indirect_dma source(%dma_start3A_6 : memref<8192x768xf32, #tpu.memory_space<hbm>>) target(%arg6 : memref<32x768xf32, #tpu.memory_space<vmem>>) offsets(%dma_start3A_3 : memref<32xi32, #tpu.memory_space<vmem>>) semaphore(%arg8 : memref<!tpu.dma_semaphore, #tpu.memory_space<semaphore_mem>>)
    %dma_start3A_7 = arith.constant 32 : i32
    %dma_start3A_8 = tpu.memref_slice %arg5[%dma_start3A_7] : memref<160xi32, #tpu.memory_space<vmem>> -> memref<32xi32, #tpu.memory_space<vmem>>
    %dma_start3A_9 = arith.constant 0 : i32
    %dma_start3A_10 = arith.constant 0 : i32
    %dma_start3A_11 = tpu.memref_slice %arg2[%dma_start3A_9, %dma_start3A_10] : memref<8192x768xf32, #tpu.memory_space<hbm>> -> memref<8192x768xf32, #tpu.memory_space<hbm>>
    tpu.enqueue_indirect_dma source(%dma_start3A_11 : memref<8192x768xf32, #tpu.memory_space<hbm>>) target(%arg7 : memref<32x768xf32, #tpu.memory_space<vmem>>) offsets(%dma_start3A_8 : memref<32xi32, #tpu.memory_space<vmem>>) semaphore(%arg8 : memref<!tpu.dma_semaphore, #tpu.memory_space<semaphore_mem>>)
    %dma_wait3A = arith.constant 0 : i32
    %dma_wait3A_12 = tpu.memref_slice %arg5[%dma_wait3A] : memref<160xi32, #tpu.memory_space<vmem>> -> memref<32xi32, #tpu.memory_space<vmem>>
    %dma_wait3A_13 = arith.constant 0 : i32
    %dma_wait3A_14 = arith.constant 0 : i32
    %dma_wait3A_15 = tpu.memref_slice %arg2[%dma_wait3A_13, %dma_wait3A_14] : memref<8192x768xf32, #tpu.memory_space<hbm>> -> memref<8192x768xf32, #tpu.memory_space<hbm>>
    tpu.wait_indirect_dma semaphore(%arg8 : memref<!tpu.dma_semaphore, #tpu.memory_space<semaphore_mem>>) src(%dma_wait3A_15 : memref<8192x768xf32, #tpu.memory_space<hbm>>) dst(%arg6 : memref<32x768xf32, #tpu.memory_space<vmem>>)
    %add3A_16 = arith.constant 0 : i32
    %add3A_17 = arith.addi %add3A_16, %mul3A_2 : i32
    %add3A_18 = arith.constant 0 : i32
    %add3A_19 = arith.addi %add3A_17, %add3A_18 : i32
    %dma_start3A_20 = arith.constant 0 : i32
    %dma_start3A_21 = tpu.memref_slice %arg4[%add3A_19, %dma_start3A_20] : memref<16384x768xf32, #tpu.memory_space<hbm>> -> memref<32x768xf32, #tpu.memory_space<hbm>>
    %dma_start3A_22 = arith.constant 0 : i32
    %dma_start3A_23 = tpu.memref_slice %arg4[%add3A_19, %dma_start3A_22] : memref<16384x768xf32, #tpu.memory_space<hbm>> -> memref<32x768xf32, #tpu.memory_space<hbm>>
    tpu.enqueue_dma source(%arg6 : memref<32x768xf32, #tpu.memory_space<vmem>>) target(%dma_start3A_23 : memref<32x768xf32, #tpu.memory_space<hbm>>) target_semaphore(%arg9 : memref<!tpu.dma_semaphore, #tpu.memory_space<semaphore_mem>>)
    %dma_wait3A_24 = arith.constant 0 : i32
    %dma_wait3A_25 = tpu.memref_slice %arg4[%add3A_19, %dma_wait3A_24] : memref<16384x768xf32, #tpu.memory_space<hbm>> -> memref<32x768xf32, #tpu.memory_space<hbm>>
    %dma_wait3A_26 = arith.constant 0 : i32
    %dma_wait3A_27 = tpu.memref_slice %arg4[%add3A_19, %dma_wait3A_26] : memref<16384x768xf32, #tpu.memory_space<hbm>> -> memref<32x768xf32, #tpu.memory_space<hbm>>
    tpu.wait_dma2 semaphore(%arg9 : memref<!tpu.dma_semaphore, #tpu.memory_space<semaphore_mem>>) src(%arg6 : memref<32x768xf32, #tpu.memory_space<vmem>>) dst(%dma_wait3A_27 : memref<32x768xf32, #tpu.memory_space<hbm>>)
    %dma_start3A_28 = arith.constant 64 : i32
    %dma_start3A_29 = tpu.memref_slice %arg5[%dma_start3A_28] : memref<160xi32, #tpu.memory_space<vmem>> -> memref<32xi32, #tpu.memory_space<vmem>>
    %dma_start3A_30 = arith.constant 0 : i32
    %dma_start3A_31 = arith.constant 0 : i32
    %dma_start3A_32 = tpu.memref_slice %arg2[%dma_start3A_30, %dma_start3A_31] : memref<8192x768xf32, #tpu.memory_space<hbm>> -> memref<8192x768xf32, #tpu.memory_space<hbm>>
    tpu.enqueue_indirect_dma source(%dma_start3A_32 : memref<8192x768xf32, #tpu.memory_space<hbm>>) target(%arg6 : memref<32x768xf32, #tpu.memory_space<vmem>>) offsets(%dma_start3A_29 : memref<32xi32, #tpu.memory_space<vmem>>) semaphore(%arg8 : memref<!tpu.dma_semaphore, #tpu.memory_space<semaphore_mem>>)
    %dma_wait3A_33 = arith.constant 32 : i32
    %dma_wait3A_34 = tpu.memref_slice %arg5[%dma_wait3A_33] : memref<160xi32, #tpu.memory_space<vmem>> -> memref<32xi32, #tpu.memory_space<vmem>>
    %dma_wait3A_35 = arith.constant 0 : i32
    %dma_wait3A_36 = arith.constant 0 : i32
    %dma_wait3A_37 = tpu.memref_slice %arg2[%dma_wait3A_35, %dma_wait3A_36] : memref<8192x768xf32, #tpu.memory_space<hbm>> -> memref<8192x768xf32, #tpu.memory_space<hbm>>
    tpu.wait_indirect_dma semaphore(%arg8 : memref<!tpu.dma_semaphore, #tpu.memory_space<semaphore_mem>>) src(%dma_wait3A_37 : memref<8192x768xf32, #tpu.memory_space<hbm>>) dst(%arg7 : memref<32x768xf32, #tpu.memory_space<vmem>>)
    %add3A_38 = arith.constant 0 : i32
    %add3A_39 = arith.addi %add3A_38, %mul3A_2 : i32
    %add3A_40 = arith.constant 32 : i32
    %add3A_41 = arith.addi %add3A_39, %add3A_40 : i32
    %dma_start3A_42 = arith.constant 0 : i32
    %dma_start3A_43 = tpu.memref_slice %arg4[%add3A_41, %dma_start3A_42] : memref<16384x768xf32, #tpu.memory_space<hbm>> -> memref<32x768xf32, #tpu.memory_space<hbm>>
    %dma_start3A_44 = arith.constant 0 : i32
    %dma_start3A_45 = tpu.memref_slice %arg4[%add3A_41, %dma_start3A_44] : memref<16384x768xf32, #tpu.memory_space<hbm>> -> memref<32x768xf32, #tpu.memory_space<hbm>>
    tpu.enqueue_dma source(%arg7 : memref<32x768xf32, #tpu.memory_space<vmem>>) target(%dma_start3A_45 : memref<32x768xf32, #tpu.memory_space<hbm>>) target_semaphore(%arg9 : memref<!tpu.dma_semaphore, #tpu.memory_space<semaphore_mem>>)
    %dma_wait3A_46 = arith.constant 0 : i32
    %dma_wait3A_47 = tpu.memref_slice %arg4[%add3A_41, %dma_wait3A_46] : memref<16384x768xf32, #tpu.memory_space<hbm>> -> memref<32x768xf32, #tpu.memory_space<hbm>>
    %dma_wait3A_48 = arith.constant 0 : i32
    %dma_wait3A_49 = tpu.memref_slice %arg4[%add3A_41, %dma_wait3A_48] : memref<16384x768xf32, #tpu.memory_space<hbm>> -> memref<32x768xf32, #tpu.memory_space<hbm>>
    tpu.wait_dma2 semaphore(%arg9 : memref<!tpu.dma_semaphore, #tpu.memory_space<semaphore_mem>>) src(%arg7 : memref<32x768xf32, #tpu.memory_space<vmem>>) dst(%dma_wait3A_49 : memref<32x768xf32, #tpu.memory_space<hbm>>)
    %dma_start3A_50 = arith.constant 96 : i32
    %dma_start3A_51 = tpu.memref_slice %arg5[%dma_start3A_50] : memref<160xi32, #tpu.memory_space<vmem>> -> memref<32xi32, #tpu.memory_space<vmem>>
    %dma_start3A_52 = arith.constant 0 : i32
    %dma_start3A_53 = arith.constant 0 : i32
    %dma_start3A_54 = tpu.memref_slice %arg2[%dma_start3A_52, %dma_start3A_53] : memref<8192x768xf32, #tpu.memory_space<hbm>> -> memref<8192x768xf32, #tpu.memory_space<hbm>>
    tpu.enqueue_indirect_dma source(%dma_start3A_54 : memref<8192x768xf32, #tpu.memory_space<hbm>>) target(%arg7 : memref<32x768xf32, #tpu.memory_space<vmem>>) offsets(%dma_start3A_51 : memref<32xi32, #tpu.memory_space<vmem>>) semaphore(%arg8 : memref<!tpu.dma_semaphore, #tpu.memory_space<semaphore_mem>>)
    %dma_wait3A_55 = arith.constant 64 : i32
    %dma_wait3A_56 = tpu.memref_slice %arg5[%dma_wait3A_55] : memref<160xi32, #tpu.memory_space<vmem>> -> memref<32xi32, #tpu.memory_space<vmem>>
    %dma_wait3A_57 = arith.constant 0 : i32
    %dma_wait3A_58 = arith.constant 0 : i32
    %dma_wait3A_59 = tpu.memref_slice %arg2[%dma_wait3A_57, %dma_wait3A_58] : memref<8192x768xf32, #tpu.memory_space<hbm>> -> memref<8192x768xf32, #tpu.memory_space<hbm>>
    tpu.wait_indirect_dma semaphore(%arg8 : memref<!tpu.dma_semaphore, #tpu.memory_space<semaphore_mem>>) src(%dma_wait3A_59 : memref<8192x768xf32, #tpu.memory_space<hbm>>) dst(%arg6 : memref<32x768xf32, #tpu.memory_space<vmem>>)
    %add3A_60 = arith.constant 0 : i32
    %add3A_61 = arith.addi %add3A_60, %mul3A_2 : i32
    %add3A_62 = arith.constant 64 : i32
    %add3A_63 = arith.addi %add3A_61, %add3A_62 : i32
    %dma_start3A_64 = arith.constant 0 : i32
    %dma_start3A_65 = tpu.memref_slice %arg4[%add3A_63, %dma_start3A_64] : memref<16384x768xf32, #tpu.memory_space<hbm>> -> memref<32x768xf32, #tpu.memory_space<hbm>>
    %dma_start3A_66 = arith.constant 0 : i32
    %dma_start3A_67 = tpu.memref_slice %arg4[%add3A_63, %dma_start3A_66] : memref<16384x768xf32, #tpu.memory_space<hbm>> -> memref<32x768xf32, #tpu.memory_space<hbm>>
    tpu.enqueue_dma source(%arg6 : memref<32x768xf32, #tpu.memory_space<vmem>>) target(%dma_start3A_67 : memref<32x768xf32, #tpu.memory_space<hbm>>) target_semaphore(%arg9 : memref<!tpu.dma_semaphore, #tpu.memory_space<semaphore_mem>>)
    %dma_wait3A_68 = arith.constant 0 : i32
    %dma_wait3A_69 = tpu.memref_slice %arg4[%add3A_63, %dma_wait3A_68] : memref<16384x768xf32, #tpu.memory_space<hbm>> -> memref<32x768xf32, #tpu.memory_space<hbm>>
    %dma_wait3A_70 = arith.constant 0 : i32
    %dma_wait3A_71 = tpu.memref_slice %arg4[%add3A_63, %dma_wait3A_70] : memref<16384x768xf32, #tpu.memory_space<hbm>> -> memref<32x768xf32, #tpu.memory_space<hbm>>
    tpu.wait_dma2 semaphore(%arg9 : memref<!tpu.dma_semaphore, #tpu.memory_space<semaphore_mem>>) src(%arg6 : memref<32x768xf32, #tpu.memory_space<vmem>>) dst(%dma_wait3A_71 : memref<32x768xf32, #tpu.memory_space<hbm>>)
    %dma_start3A_72 = arith.constant 128 : i32
    %dma_start3A_73 = tpu.memref_slice %arg5[%dma_start3A_72] : memref<160xi32, #tpu.memory_space<vmem>> -> memref<32xi32, #tpu.memory_space<vmem>>
    %dma_start3A_74 = arith.constant 0 : i32
    %dma_start3A_75 = arith.constant 0 : i32
    %dma_start3A_76 = tpu.memref_slice %arg2[%dma_start3A_74, %dma_start3A_75] : memref<8192x768xf32, #tpu.memory_space<hbm>> -> memref<8192x768xf32, #tpu.memory_space<hbm>>
    tpu.enqueue_indirect_dma source(%dma_start3A_76 : memref<8192x768xf32, #tpu.memory_space<hbm>>) target(%arg6 : memref<32x768xf32, #tpu.memory_space<vmem>>) offsets(%dma_start3A_73 : memref<32xi32, #tpu.memory_space<vmem>>) semaphore(%arg8 : memref<!tpu.dma_semaphore, #tpu.memory_space<semaphore_mem>>)
    %dma_wait3A_77 = arith.constant 96 : i32
    %dma_wait3A_78 = tpu.memref_slice %arg5[%dma_wait3A_77] : memref<160xi32, #tpu.memory_space<vmem>> -> memref<32xi32, #tpu.memory_space<vmem>>
    %dma_wait3A_79 = arith.constant 0 : i32
    %dma_wait3A_80 = arith.constant 0 : i32
    %dma_wait3A_81 = tpu.memref_slice %arg2[%dma_wait3A_79, %dma_wait3A_80] : memref<8192x768xf32, #tpu.memory_space<hbm>> -> memref<8192x768xf32, #tpu.memory_space<hbm>>
    tpu.wait_indirect_dma semaphore(%arg8 : memref<!tpu.dma_semaphore, #tpu.memory_space<semaphore_mem>>) src(%dma_wait3A_81 : memref<8192x768xf32, #tpu.memory_space<hbm>>) dst(%arg7 : memref<32x768xf32, #tpu.memory_space<vmem>>)
    %add3A_82 = arith.constant 0 : i32
    %add3A_83 = arith.addi %add3A_82, %mul3A_2 : i32
    %add3A_84 = arith.constant 96 : i32
    %add3A_85 = arith.addi %add3A_83, %add3A_84 : i32
    %dma_start3A_86 = arith.constant 0 : i32
    %dma_start3A_87 = tpu.memref_slice %arg4[%add3A_85, %dma_start3A_86] : memref<16384x768xf32, #tpu.memory_space<hbm>> -> memref<32x768xf32, #tpu.memory_space<hbm>>
    %dma_start3A_88 = arith.constant 0 : i32
    %dma_start3A_89 = tpu.memref_slice %arg4[%add3A_85, %dma_start3A_88] : memref<16384x768xf32, #tpu.memory_space<hbm>> -> memref<32x768xf32, #tpu.memory_space<hbm>>
    tpu.enqueue_dma source(%arg7 : memref<32x768xf32, #tpu.memory_space<vmem>>) target(%dma_start3A_89 : memref<32x768xf32, #tpu.memory_space<hbm>>) target_semaphore(%arg9 : memref<!tpu.dma_semaphore, #tpu.memory_space<semaphore_mem>>)
    %dma_wait3A_90 = arith.constant 128 : i32
    %dma_wait3A_91 = tpu.memref_slice %arg5[%dma_wait3A_90] : memref<160xi32, #tpu.memory_space<vmem>> -> memref<32xi32, #tpu.memory_space<vmem>>
    %dma_wait3A_92 = arith.constant 0 : i32
    %dma_wait3A_93 = arith.constant 0 : i32
    %dma_wait3A_94 = tpu.memref_slice %arg2[%dma_wait3A_92, %dma_wait3A_93] : memref<8192x768xf32, #tpu.memory_space<hbm>> -> memref<8192x768xf32, #tpu.memory_space<hbm>>
    tpu.wait_indirect_dma semaphore(%arg8 : memref<!tpu.dma_semaphore, #tpu.memory_space<semaphore_mem>>) src(%dma_wait3A_94 : memref<8192x768xf32, #tpu.memory_space<hbm>>) dst(%arg6 : memref<32x768xf32, #tpu.memory_space<vmem>>)
    %add3A_95 = arith.constant 0 : i32
    %add3A_96 = arith.addi %add3A_95, %mul3A_2 : i32
    %add3A_97 = arith.constant 128 : i32
    %add3A_98 = arith.addi %add3A_96, %add3A_97 : i32
    %dma_start3A_99 = arith.constant 0 : i32
    %dma_start3A_100 = tpu.memref_slice %arg4[%add3A_98, %dma_start3A_99] : memref<16384x768xf32, #tpu.memory_space<hbm>> -> memref<32x768xf32, #tpu.memory_space<hbm>>
    %dma_start3A_101 = arith.constant 0 : i32
    %dma_start3A_102 = tpu.memref_slice %arg4[%add3A_98, %dma_start3A_101] : memref<16384x768xf32, #tpu.memory_space<hbm>> -> memref<32x768xf32, #tpu.memory_space<hbm>>
    tpu.enqueue_dma source(%arg6 : memref<32x768xf32, #tpu.memory_space<vmem>>) target(%dma_start3A_102 : memref<32x768xf32, #tpu.memory_space<hbm>>) target_semaphore(%arg9 : memref<!tpu.dma_semaphore, #tpu.memory_space<semaphore_mem>>)
    %dma_wait3A_103 = arith.constant 0 : i32
    %dma_wait3A_104 = tpu.memref_slice %arg4[%add3A_85, %dma_wait3A_103] : memref<16384x768xf32, #tpu.memory_space<hbm>> -> memref<32x768xf32, #tpu.memory_space<hbm>>
    %dma_wait3A_105 = arith.constant 0 : i32
    %dma_wait3A_106 = tpu.memref_slice %arg4[%add3A_85, %dma_wait3A_105] : memref<16384x768xf32, #tpu.memory_space<hbm>> -> memref<32x768xf32, #tpu.memory_space<hbm>>
    tpu.wait_dma2 semaphore(%arg9 : memref<!tpu.dma_semaphore, #tpu.memory_space<semaphore_mem>>) src(%arg7 : memref<32x768xf32, #tpu.memory_space<vmem>>) dst(%dma_wait3A_106 : memref<32x768xf32, #tpu.memory_space<hbm>>)
    %dma_wait3A_107 = arith.constant 0 : i32
    %dma_wait3A_108 = tpu.memref_slice %arg4[%add3A_98, %dma_wait3A_107] : memref<16384x768xf32, #tpu.memory_space<hbm>> -> memref<32x768xf32, #tpu.memory_space<hbm>>
    %dma_wait3A_109 = arith.constant 0 : i32
    %dma_wait3A_110 = tpu.memref_slice %arg4[%add3A_98, %dma_wait3A_109] : memref<16384x768xf32, #tpu.memory_space<hbm>> -> memref<32x768xf32, #tpu.memory_space<hbm>>
    tpu.wait_dma2 semaphore(%arg9 : memref<!tpu.dma_semaphore, #tpu.memory_space<semaphore_mem>>) src(%arg6 : memref<32x768xf32, #tpu.memory_space<vmem>>) dst(%dma_wait3A_110 : memref<32x768xf32, #tpu.memory_space<hbm>>)
    return
  }
}

#map = affine_map<(d0, d1) -> (0, 0)>
#map1 = affine_map<(d0, d1) -> (0)>
module attributes {stable_mosaic.version = 14 : i64} {
  func.func @k(%arg0: i32, %arg1: i32, %arg2: memref<8192x768xf32, #tpu.memory_space<hbm>>, %arg3: memref<4096xi32, #tpu.memory_space<hbm>>, %arg4: memref<4096x768xf32, #tpu.memory_space<hbm>>, %arg5: memref<128xi32, #tpu.memory_space<vmem>>, %arg6: memref<32x768xf32, #tpu.memory_space<vmem>>, %arg7: memref<32x768xf32, #tpu.memory_space<vmem>>, %arg8: memref<!tpu.dma_semaphore, #tpu.memory_space<semaphore_mem>>, %arg9: memref<!tpu.dma_semaphore, #tpu.memory_space<semaphore_mem>>) attributes {dimension_semantics = [#tpu.dimension_semantics<core_parallel>, #tpu.dimension_semantics<subcore_parallel>], iteration_bounds = array<i64: 2, 16>, scalar_prefetch = 0 : i64, scratch_operands = 5 : i64, tpu.core_type = #tpu.core_type<sc_vector_subcore>, window_params = [{transform_indices = #map}, {transform_indices = #map1}, {transform_indices = #map}]} {
    %mul3A = arith.constant 2 : i32
    %mul3A_0 = arith.muli %arg1, %mul3A : i32
    %add3A = arith.addi %mul3A_0, %arg0 : i32
    %mul3A_1 = arith.constant 128 : i32
    %mul3A_2 = arith.muli %add3A, %mul3A_1 : i32
    "tpu.region"() ({
      %run_scoped3A = tpu.sem_alloc : memref<!tpu.dma_semaphore, #tpu.memory_space<semaphore_mem>>
      %dma_start3A_89 = tpu.memref_slice %arg3[%mul3A_2] : memref<4096xi32, #tpu.memory_space<hbm>> -> memref<128xi32, #tpu.memory_space<hbm>>
      %dma_start3A_90 = tpu.memref_slice %arg3[%mul3A_2] : memref<4096xi32, #tpu.memory_space<hbm>> -> memref<128xi32, #tpu.memory_space<hbm>>
      tpu.enqueue_dma source(%dma_start3A_90 : memref<128xi32, #tpu.memory_space<hbm>>) target(%arg5 : memref<128xi32, #tpu.memory_space<vmem>>) target_semaphore(%run_scoped3A : memref<!tpu.dma_semaphore, #tpu.memory_space<semaphore_mem>>)
      %dma_wait3A_91 = tpu.memref_slice %arg3[%mul3A_2] : memref<4096xi32, #tpu.memory_space<hbm>> -> memref<128xi32, #tpu.memory_space<hbm>>
      %dma_wait3A_92 = tpu.memref_slice %arg3[%mul3A_2] : memref<4096xi32, #tpu.memory_space<hbm>> -> memref<128xi32, #tpu.memory_space<hbm>>
      tpu.wait_dma2 semaphore(%run_scoped3A : memref<!tpu.dma_semaphore, #tpu.memory_space<semaphore_mem>>) src(%dma_wait3A_92 : memref<128xi32, #tpu.memory_space<hbm>>) dst(%arg5 : memref<128xi32, #tpu.memory_space<vmem>>)
      tpu.yield
    }) : () -> ()
    %dma_start3A = arith.constant 0 : i32
    %dma_start3A_3 = tpu.memref_slice %arg5[%dma_start3A] : memref<128xi32, #tpu.memory_space<vmem>> -> memref<32xi32, #tpu.memory_space<vmem>>
    %dma_start3A_4 = arith.constant 0 : i32
    %dma_start3A_5 = arith.constant 0 : i32
    %dma_start3A_6 = tpu.memref_slice %arg2[%dma_start3A_4, %dma_start3A_5] : memref<8192x768xf32, #tpu.memory_space<hbm>> -> memref<8192x768xf32, #tpu.memory_space<hbm>>
    tpu.enqueue_indirect_dma source(%dma_start3A_6 : memref<8192x768xf32, #tpu.memory_space<hbm>>) target(%arg6 : memref<32x768xf32, #tpu.memory_space<vmem>>) offsets(%dma_start3A_3 : memref<32xi32, #tpu.memory_space<vmem>>) semaphore(%arg8 : memref<!tpu.dma_semaphore, #tpu.memory_space<semaphore_mem>>)
    %dma_start3A_7 = arith.constant 32 : i32
    %dma_start3A_8 = tpu.memref_slice %arg5[%dma_start3A_7] : memref<128xi32, #tpu.memory_space<vmem>> -> memref<32xi32, #tpu.memory_space<vmem>>
    %dma_start3A_9 = arith.constant 0 : i32
    %dma_start3A_10 = arith.constant 0 : i32
    %dma_start3A_11 = tpu.memref_slice %arg2[%dma_start3A_9, %dma_start3A_10] : memref<8192x768xf32, #tpu.memory_space<hbm>> -> memref<8192x768xf32, #tpu.memory_space<hbm>>
    tpu.enqueue_indirect_dma source(%dma_start3A_11 : memref<8192x768xf32, #tpu.memory_space<hbm>>) target(%arg7 : memref<32x768xf32, #tpu.memory_space<vmem>>) offsets(%dma_start3A_8 : memref<32xi32, #tpu.memory_space<vmem>>) semaphore(%arg8 : memref<!tpu.dma_semaphore, #tpu.memory_space<semaphore_mem>>)
    %dma_wait3A = arith.constant 0 : i32
    %dma_wait3A_12 = tpu.memref_slice %arg5[%dma_wait3A] : memref<128xi32, #tpu.memory_space<vmem>> -> memref<32xi32, #tpu.memory_space<vmem>>
    %dma_wait3A_13 = arith.constant 0 : i32
    %dma_wait3A_14 = arith.constant 0 : i32
    %dma_wait3A_15 = tpu.memref_slice %arg2[%dma_wait3A_13, %dma_wait3A_14] : memref<8192x768xf32, #tpu.memory_space<hbm>> -> memref<8192x768xf32, #tpu.memory_space<hbm>>
    tpu.wait_indirect_dma semaphore(%arg8 : memref<!tpu.dma_semaphore, #tpu.memory_space<semaphore_mem>>) src(%dma_wait3A_15 : memref<8192x768xf32, #tpu.memory_space<hbm>>) dst(%arg6 : memref<32x768xf32, #tpu.memory_space<vmem>>)
    %add3A_16 = arith.constant 0 : i32
    %add3A_17 = arith.addi %add3A_16, %mul3A_2 : i32
    %add3A_18 = arith.constant 0 : i32
    %add3A_19 = arith.addi %add3A_17, %add3A_18 : i32
    %dma_start3A_20 = arith.constant 0 : i32
    %dma_start3A_21 = tpu.memref_slice %arg4[%add3A_19, %dma_start3A_20] : memref<4096x768xf32, #tpu.memory_space<hbm>> -> memref<32x768xf32, #tpu.memory_space<hbm>>
    %dma_start3A_22 = arith.constant 0 : i32
    %dma_start3A_23 = tpu.memref_slice %arg4[%add3A_19, %dma_start3A_22] : memref<4096x768xf32, #tpu.memory_space<hbm>> -> memref<32x768xf32, #tpu.memory_space<hbm>>
    tpu.enqueue_dma source(%arg6 : memref<32x768xf32, #tpu.memory_space<vmem>>) target(%dma_start3A_23 : memref<32x768xf32, #tpu.memory_space<hbm>>) target_semaphore(%arg9 : memref<!tpu.dma_semaphore, #tpu.memory_space<semaphore_mem>>)
    %dma_wait3A_24 = arith.constant 0 : i32
    %dma_wait3A_25 = tpu.memref_slice %arg4[%add3A_19, %dma_wait3A_24] : memref<4096x768xf32, #tpu.memory_space<hbm>> -> memref<32x768xf32, #tpu.memory_space<hbm>>
    %dma_wait3A_26 = arith.constant 0 : i32
    %dma_wait3A_27 = tpu.memref_slice %arg4[%add3A_19, %dma_wait3A_26] : memref<4096x768xf32, #tpu.memory_space<hbm>> -> memref<32x768xf32, #tpu.memory_space<hbm>>
    tpu.wait_dma2 semaphore(%arg9 : memref<!tpu.dma_semaphore, #tpu.memory_space<semaphore_mem>>) src(%arg6 : memref<32x768xf32, #tpu.memory_space<vmem>>) dst(%dma_wait3A_27 : memref<32x768xf32, #tpu.memory_space<hbm>>)
    %dma_start3A_28 = arith.constant 64 : i32
    %dma_start3A_29 = tpu.memref_slice %arg5[%dma_start3A_28] : memref<128xi32, #tpu.memory_space<vmem>> -> memref<32xi32, #tpu.memory_space<vmem>>
    %dma_start3A_30 = arith.constant 0 : i32
    %dma_start3A_31 = arith.constant 0 : i32
    %dma_start3A_32 = tpu.memref_slice %arg2[%dma_start3A_30, %dma_start3A_31] : memref<8192x768xf32, #tpu.memory_space<hbm>> -> memref<8192x768xf32, #tpu.memory_space<hbm>>
    tpu.enqueue_indirect_dma source(%dma_start3A_32 : memref<8192x768xf32, #tpu.memory_space<hbm>>) target(%arg6 : memref<32x768xf32, #tpu.memory_space<vmem>>) offsets(%dma_start3A_29 : memref<32xi32, #tpu.memory_space<vmem>>) semaphore(%arg8 : memref<!tpu.dma_semaphore, #tpu.memory_space<semaphore_mem>>)
    %dma_wait3A_33 = arith.constant 32 : i32
    %dma_wait3A_34 = tpu.memref_slice %arg5[%dma_wait3A_33] : memref<128xi32, #tpu.memory_space<vmem>> -> memref<32xi32, #tpu.memory_space<vmem>>
    %dma_wait3A_35 = arith.constant 0 : i32
    %dma_wait3A_36 = arith.constant 0 : i32
    %dma_wait3A_37 = tpu.memref_slice %arg2[%dma_wait3A_35, %dma_wait3A_36] : memref<8192x768xf32, #tpu.memory_space<hbm>> -> memref<8192x768xf32, #tpu.memory_space<hbm>>
    tpu.wait_indirect_dma semaphore(%arg8 : memref<!tpu.dma_semaphore, #tpu.memory_space<semaphore_mem>>) src(%dma_wait3A_37 : memref<8192x768xf32, #tpu.memory_space<hbm>>) dst(%arg7 : memref<32x768xf32, #tpu.memory_space<vmem>>)
    %add3A_38 = arith.constant 0 : i32
    %add3A_39 = arith.addi %add3A_38, %mul3A_2 : i32
    %add3A_40 = arith.constant 32 : i32
    %add3A_41 = arith.addi %add3A_39, %add3A_40 : i32
    %dma_start3A_42 = arith.constant 0 : i32
    %dma_start3A_43 = tpu.memref_slice %arg4[%add3A_41, %dma_start3A_42] : memref<4096x768xf32, #tpu.memory_space<hbm>> -> memref<32x768xf32, #tpu.memory_space<hbm>>
    %dma_start3A_44 = arith.constant 0 : i32
    %dma_start3A_45 = tpu.memref_slice %arg4[%add3A_41, %dma_start3A_44] : memref<4096x768xf32, #tpu.memory_space<hbm>> -> memref<32x768xf32, #tpu.memory_space<hbm>>
    tpu.enqueue_dma source(%arg7 : memref<32x768xf32, #tpu.memory_space<vmem>>) target(%dma_start3A_45 : memref<32x768xf32, #tpu.memory_space<hbm>>) target_semaphore(%arg9 : memref<!tpu.dma_semaphore, #tpu.memory_space<semaphore_mem>>)
    %dma_wait3A_46 = arith.constant 0 : i32
    %dma_wait3A_47 = tpu.memref_slice %arg4[%add3A_41, %dma_wait3A_46] : memref<4096x768xf32, #tpu.memory_space<hbm>> -> memref<32x768xf32, #tpu.memory_space<hbm>>
    %dma_wait3A_48 = arith.constant 0 : i32
    %dma_wait3A_49 = tpu.memref_slice %arg4[%add3A_41, %dma_wait3A_48] : memref<4096x768xf32, #tpu.memory_space<hbm>> -> memref<32x768xf32, #tpu.memory_space<hbm>>
    tpu.wait_dma2 semaphore(%arg9 : memref<!tpu.dma_semaphore, #tpu.memory_space<semaphore_mem>>) src(%arg7 : memref<32x768xf32, #tpu.memory_space<vmem>>) dst(%dma_wait3A_49 : memref<32x768xf32, #tpu.memory_space<hbm>>)
    %dma_start3A_50 = arith.constant 96 : i32
    %dma_start3A_51 = tpu.memref_slice %arg5[%dma_start3A_50] : memref<128xi32, #tpu.memory_space<vmem>> -> memref<32xi32, #tpu.memory_space<vmem>>
    %dma_start3A_52 = arith.constant 0 : i32
    %dma_start3A_53 = arith.constant 0 : i32
    %dma_start3A_54 = tpu.memref_slice %arg2[%dma_start3A_52, %dma_start3A_53] : memref<8192x768xf32, #tpu.memory_space<hbm>> -> memref<8192x768xf32, #tpu.memory_space<hbm>>
    tpu.enqueue_indirect_dma source(%dma_start3A_54 : memref<8192x768xf32, #tpu.memory_space<hbm>>) target(%arg7 : memref<32x768xf32, #tpu.memory_space<vmem>>) offsets(%dma_start3A_51 : memref<32xi32, #tpu.memory_space<vmem>>) semaphore(%arg8 : memref<!tpu.dma_semaphore, #tpu.memory_space<semaphore_mem>>)
    %dma_wait3A_55 = arith.constant 64 : i32
    %dma_wait3A_56 = tpu.memref_slice %arg5[%dma_wait3A_55] : memref<128xi32, #tpu.memory_space<vmem>> -> memref<32xi32, #tpu.memory_space<vmem>>
    %dma_wait3A_57 = arith.constant 0 : i32
    %dma_wait3A_58 = arith.constant 0 : i32
    %dma_wait3A_59 = tpu.memref_slice %arg2[%dma_wait3A_57, %dma_wait3A_58] : memref<8192x768xf32, #tpu.memory_space<hbm>> -> memref<8192x768xf32, #tpu.memory_space<hbm>>
    tpu.wait_indirect_dma semaphore(%arg8 : memref<!tpu.dma_semaphore, #tpu.memory_space<semaphore_mem>>) src(%dma_wait3A_59 : memref<8192x768xf32, #tpu.memory_space<hbm>>) dst(%arg6 : memref<32x768xf32, #tpu.memory_space<vmem>>)
    %add3A_60 = arith.constant 0 : i32
    %add3A_61 = arith.addi %add3A_60, %mul3A_2 : i32
    %add3A_62 = arith.constant 64 : i32
    %add3A_63 = arith.addi %add3A_61, %add3A_62 : i32
    %dma_start3A_64 = arith.constant 0 : i32
    %dma_start3A_65 = tpu.memref_slice %arg4[%add3A_63, %dma_start3A_64] : memref<4096x768xf32, #tpu.memory_space<hbm>> -> memref<32x768xf32, #tpu.memory_space<hbm>>
    %dma_start3A_66 = arith.constant 0 : i32
    %dma_start3A_67 = tpu.memref_slice %arg4[%add3A_63, %dma_start3A_66] : memref<4096x768xf32, #tpu.memory_space<hbm>> -> memref<32x768xf32, #tpu.memory_space<hbm>>
    tpu.enqueue_dma source(%arg6 : memref<32x768xf32, #tpu.memory_space<vmem>>) target(%dma_start3A_67 : memref<32x768xf32, #tpu.memory_space<hbm>>) target_semaphore(%arg9 : memref<!tpu.dma_semaphore, #tpu.memory_space<semaphore_mem>>)
    %dma_wait3A_68 = arith.constant 96 : i32
    %dma_wait3A_69 = tpu.memref_slice %arg5[%dma_wait3A_68] : memref<128xi32, #tpu.memory_space<vmem>> -> memref<32xi32, #tpu.memory_space<vmem>>
    %dma_wait3A_70 = arith.constant 0 : i32
    %dma_wait3A_71 = arith.constant 0 : i32
    %dma_wait3A_72 = tpu.memref_slice %arg2[%dma_wait3A_70, %dma_wait3A_71] : memref<8192x768xf32, #tpu.memory_space<hbm>> -> memref<8192x768xf32, #tpu.memory_space<hbm>>
    tpu.wait_indirect_dma semaphore(%arg8 : memref<!tpu.dma_semaphore, #tpu.memory_space<semaphore_mem>>) src(%dma_wait3A_72 : memref<8192x768xf32, #tpu.memory_space<hbm>>) dst(%arg7 : memref<32x768xf32, #tpu.memory_space<vmem>>)
    %add3A_73 = arith.constant 0 : i32
    %add3A_74 = arith.addi %add3A_73, %mul3A_2 : i32
    %add3A_75 = arith.constant 96 : i32
    %add3A_76 = arith.addi %add3A_74, %add3A_75 : i32
    %dma_start3A_77 = arith.constant 0 : i32
    %dma_start3A_78 = tpu.memref_slice %arg4[%add3A_76, %dma_start3A_77] : memref<4096x768xf32, #tpu.memory_space<hbm>> -> memref<32x768xf32, #tpu.memory_space<hbm>>
    %dma_start3A_79 = arith.constant 0 : i32
    %dma_start3A_80 = tpu.memref_slice %arg4[%add3A_76, %dma_start3A_79] : memref<4096x768xf32, #tpu.memory_space<hbm>> -> memref<32x768xf32, #tpu.memory_space<hbm>>
    tpu.enqueue_dma source(%arg7 : memref<32x768xf32, #tpu.memory_space<vmem>>) target(%dma_start3A_80 : memref<32x768xf32, #tpu.memory_space<hbm>>) target_semaphore(%arg9 : memref<!tpu.dma_semaphore, #tpu.memory_space<semaphore_mem>>)
    %dma_wait3A_81 = arith.constant 0 : i32
    %dma_wait3A_82 = tpu.memref_slice %arg4[%add3A_63, %dma_wait3A_81] : memref<4096x768xf32, #tpu.memory_space<hbm>> -> memref<32x768xf32, #tpu.memory_space<hbm>>
    %dma_wait3A_83 = arith.constant 0 : i32
    %dma_wait3A_84 = tpu.memref_slice %arg4[%add3A_63, %dma_wait3A_83] : memref<4096x768xf32, #tpu.memory_space<hbm>> -> memref<32x768xf32, #tpu.memory_space<hbm>>
    tpu.wait_dma2 semaphore(%arg9 : memref<!tpu.dma_semaphore, #tpu.memory_space<semaphore_mem>>) src(%arg6 : memref<32x768xf32, #tpu.memory_space<vmem>>) dst(%dma_wait3A_84 : memref<32x768xf32, #tpu.memory_space<hbm>>)
    %dma_wait3A_85 = arith.constant 0 : i32
    %dma_wait3A_86 = tpu.memref_slice %arg4[%add3A_76, %dma_wait3A_85] : memref<4096x768xf32, #tpu.memory_space<hbm>> -> memref<32x768xf32, #tpu.memory_space<hbm>>
    %dma_wait3A_87 = arith.constant 0 : i32
    %dma_wait3A_88 = tpu.memref_slice %arg4[%add3A_76, %dma_wait3A_87] : memref<4096x768xf32, #tpu.memory_space<hbm>> -> memref<32x768xf32, #tpu.memory_space<hbm>>
    tpu.wait_dma2 semaphore(%arg9 : memref<!tpu.dma_semaphore, #tpu.memory_space<semaphore_mem>>) src(%arg7 : memref<32x768xf32, #tpu.memory_space<vmem>>) dst(%dma_wait3A_88 : memref<32x768xf32, #tpu.memory_space<hbm>>)
    return
  }
}

module attributes {stable_mosaic.version = 14 : i64} {
  func.func @_proj_body(%arg0: i32, %arg1: memref<1024x256xf32, #tpu.memory_space<vmem>>, %arg2: memref<256x768xf32, #tpu.memory_space<vmem>>, %arg3: memref<1x768xf32, #tpu.memory_space<vmem>>, %arg4: memref<1024x768xf32, #tpu.memory_space<vmem>>) attributes {dimension_semantics = [#tpu.dimension_semantics<arbitrary>], iteration_bounds = array<i64: 8>, scalar_prefetch = 0 : i64, scratch_operands = 0 : i64, tpu.core_type = #tpu.core_type<tc>, window_params = [{transform_indices = @transform_0, window_bounds = array<i64: 1024, 256>}, {pipeline_mode = #tpu.pipeline_mode<synchronous>, transform_indices = @transform_1, window_bounds = array<i64: 256, 768>}, {pipeline_mode = #tpu.pipeline_mode<synchronous>, transform_indices = @transform_2, window_bounds = array<i64: 1, 768>}, {transform_indices = @transform_3, window_bounds = array<i64: 1024, 768>}]} {
    %get3A = arith.constant 0 : index
    %get3A_0 = arith.constant 0 : index
    %get3A_1 = vector.load %arg1[%get3A, %get3A_0] : memref<1024x256xf32, #tpu.memory_space<vmem>>, vector<1024x256xf32>
    %get3A_2 = arith.constant 0 : index
    %get3A_3 = arith.constant 0 : index
    %get3A_4 = vector.load %arg2[%get3A_2, %get3A_3] : memref<256x768xf32, #tpu.memory_space<vmem>>, vector<256x768xf32>
    %dot_general3A = arith.constant dense<0.000000e+00> : vector<1024x768xf32>
    %dot_general3A_5 = tpu.matmul %get3A_1, %get3A_4, %dot_general3A {dimension_numbers = #tpu.dot_dimension_numbers<[1], [0], [0], [1], [0, 0, 1, 1], [], []>, transpose_lhs_hint = false} : vector<1024x256xf32>, vector<256x768xf32>, vector<1024x768xf32> -> vector<1024x768xf32>
    %get3A_6 = arith.constant 0 : index
    %get3A_7 = arith.constant 0 : index
    %get3A_8 = vector.load %arg3[%get3A_6, %get3A_7] : memref<1x768xf32, #tpu.memory_space<vmem>>, vector<1x768xf32>
    %add3A = vector.broadcast %get3A_8 : vector<1x768xf32> to vector<1024x768xf32>
    %add3A_9 = arith.addf %dot_general3A_5, %add3A : vector<1024x768xf32>
    %swap3A = arith.constant 0 : index
    %swap3A_10 = arith.constant 0 : index
    %swap3A_11 = vector.load %arg4[%swap3A, %swap3A_10] : memref<1024x768xf32, #tpu.memory_space<vmem>>, vector<1024x768xf32>
    tpu.vector_store %arg4[%swap3A, %swap3A_10], %add3A_9 {strides = array<i32>} : memref<1024x768xf32, #tpu.memory_space<vmem>>, vector<1024x768xf32>,
    return
  }
  func.func @transform_0(%arg0: i32) -> (i32, i32) {
    %c0_i32 = arith.constant 0 : i32
    %c0_i32_0 = arith.constant 0 : i32
    return %arg0, %c0_i32 : i32, i32
  }
  func.func @transform_1(%arg0: i32) -> (i32, i32) {
    %c0_i32 = arith.constant 0 : i32
    %c0_i32_0 = arith.constant 0 : i32
    %c0_i32_1 = arith.constant 0 : i32
    return %c0_i32, %c0_i32_0 : i32, i32
  }
  func.func @transform_2(%arg0: i32) -> (i32, i32) {
    %c0_i32 = arith.constant 0 : i32
    %c0_i32_0 = arith.constant 0 : i32
    %c0_i32_1 = arith.constant 0 : i32
    return %c0_i32, %c0_i32_0 : i32, i32
  }
  func.func @transform_3(%arg0: i32) -> (i32, i32) {
    %c0_i32 = arith.constant 0 : i32
    %c0_i32_0 = arith.constant 0 : i32
    return %arg0, %c0_i32 : i32, i32
  }
}

module attributes {stable_mosaic.version = 14 : i64} {
  func.func @_e2_body(%arg0: memref<256x8192xf32, #tpu.memory_space<vmem>>, %arg1: memref<1x8192xf32, #tpu.memory_space<vmem>>) attributes {dimension_semantics = [], scalar_prefetch = 0 : i64, scratch_operands = 0 : i64, tpu.core_type = #tpu.core_type<tc>} {
    %get3A = arith.constant 0 : index
    %get3A_0 = arith.constant 0 : index
    %get3A_1 = vector.load %arg0[%get3A, %get3A_0] : memref<256x8192xf32, #tpu.memory_space<vmem>>, vector<256x8192xf32>
    %get3A_2 = arith.constant 0 : index
    %get3A_3 = arith.constant 0 : index
    %get3A_4 = vector.load %arg0[%get3A_2, %get3A_3] : memref<256x8192xf32, #tpu.memory_space<vmem>>, vector<256x8192xf32>
    %mul3A = arith.mulf %get3A_1, %get3A_4 : vector<256x8192xf32>
    %reduce_sum3A = arith.constant dense<0.000000e+00> : vector<8192xf32>
    %reduce_sum3A_5 = vector.multi_reduction <add>, %mul3A, %reduce_sum3A [0] : vector<256x8192xf32> to vector<8192xf32>
    %broadcast_in_dim3A = vector.shape_cast %reduce_sum3A_5 : vector<8192xf32> to vector<1x8192xf32>
    %swap3A = arith.constant 0 : index
    %swap3A_6 = arith.constant 0 : index
    %swap3A_7 = vector.load %arg1[%swap3A, %swap3A_6] : memref<1x8192xf32, #tpu.memory_space<vmem>>, vector<1x8192xf32>
    tpu.vector_store %arg1[%swap3A, %swap3A_6], %broadcast_in_dim3A {strides = array<i32>} : memref<1x8192xf32, #tpu.memory_space<vmem>>, vector<1x8192xf32>,
    return
  }
}

module attributes {stable_mosaic.version = 14 : i64} {
  func.func @_argmin_body(%arg0: i32, %arg1: memref<512x768xf32, #tpu.memory_space<vmem>>, %arg2: memref<768x256xf32, #tpu.memory_space<vmem>>, %arg3: memref<1x256xf32, #tpu.memory_space<vmem>>, %arg4: memref<256x8192xf32, #tpu.memory_space<vmem>>, %arg5: memref<1x8192xf32, #tpu.memory_space<vmem>>, %arg6: memref<512xi32, #tpu.memory_space<vmem>>, %arg7: memref<1x1xf32, #tpu.memory_space<vmem>>) attributes {dimension_semantics = [#tpu.dimension_semantics<arbitrary>], iteration_bounds = array<i64: 8>, scalar_prefetch = 0 : i64, scratch_operands = 0 : i64, tpu.core_type = #tpu.core_type<tc>, window_params = [{transform_indices = @transform_0, window_bounds = array<i64: 512, 768>}, {pipeline_mode = #tpu.pipeline_mode<synchronous>, transform_indices = @transform_1, window_bounds = array<i64: 768, 256>}, {pipeline_mode = #tpu.pipeline_mode<synchronous>, transform_indices = @transform_2, window_bounds = array<i64: 1, 256>}, {pipeline_mode = #tpu.pipeline_mode<synchronous>, transform_indices = @transform_3, window_bounds = array<i64: 256, 8192>}, {pipeline_mode = #tpu.pipeline_mode<synchronous>, transform_indices = @transform_4, window_bounds = array<i64: 1, 8192>}, {transform_indices = @transform_5, window_bounds = array<i64: 512>}, {pipeline_mode = #tpu.pipeline_mode<synchronous>, transform_indices = @transform_6, window_bounds = array<i64: 1, 1>}]} {
    %get3A = arith.constant 0 : index
    %get3A_0 = arith.constant 0 : index
    %get3A_1 = vector.load %arg1[%get3A, %get3A_0] : memref<512x768xf32, #tpu.memory_space<vmem>>, vector<512x768xf32>
    %get3A_2 = arith.constant 0 : index
    %get3A_3 = arith.constant 0 : index
    %get3A_4 = vector.load %arg2[%get3A_2, %get3A_3] : memref<768x256xf32, #tpu.memory_space<vmem>>, vector<768x256xf32>
    %dot_general3A = arith.constant dense<0.000000e+00> : vector<512x256xf32>
    %dot_general3A_5 = tpu.matmul %get3A_1, %get3A_4, %dot_general3A {dimension_numbers = #tpu.dot_dimension_numbers<[1], [0], [0], [1], [0, 0, 1, 1], [], []>, transpose_lhs_hint = false} : vector<512x768xf32>, vector<768x256xf32>, vector<512x256xf32> -> vector<512x256xf32>
    %get3A_6 = arith.constant 0 : index
    %get3A_7 = arith.constant 0 : index
    %get3A_8 = vector.load %arg3[%get3A_6, %get3A_7] : memref<1x256xf32, #tpu.memory_space<vmem>>, vector<1x256xf32>
    %add3A = vector.broadcast %get3A_8 : vector<1x256xf32> to vector<512x256xf32>
    %add3A_9 = arith.addf %dot_general3A_5, %add3A : vector<512x256xf32>
    %mul3A = arith.mulf %add3A_9, %add3A_9 : vector<512x256xf32>
    %reduce_sum3A = arith.constant dense<0.000000e+00> : vector<512xf32>
    %reduce_sum3A_10 = vector.multi_reduction <add>, %mul3A, %reduce_sum3A [1] : vector<512x256xf32> to vector<512xf32>
    %broadcast_in_dim3A = vector.shape_cast %reduce_sum3A_10 : vector<512xf32> to vector<512x1xf32>
    %get3A_11 = arith.constant 0 : index
    %get3A_12 = arith.constant 0 : index
    %get3A_13 = vector.load %arg4[%get3A_11, %get3A_12] : memref<256x8192xf32, #tpu.memory_space<vmem>>, vector<256x8192xf32>
    %dot_general3A_14 = arith.constant dense<0.000000e+00> : vector<512x8192xf32>
    %dot_general3A_15 = tpu.matmul %add3A_9, %get3A_13, %dot_general3A_14 {dimension_numbers = #tpu.dot_dimension_numbers<[1], [0], [0], [1], [0, 0, 1, 1], [], []>, transpose_lhs_hint = false} : vector<512x256xf32>, vector<256x8192xf32>, vector<512x8192xf32> -> vector<512x8192xf32>
    %mul3A_16 = arith.constant 2.000000e+00 : f32
    %mul3A_17 = vector.broadcast %mul3A_16 : f32 to vector<512x8192xf32>
    %mul3A_18 = arith.mulf %mul3A_17, %dot_general3A_15 : vector<512x8192xf32>
    %sub3A = vector.broadcast %broadcast_in_dim3A : vector<512x1xf32> to vector<512x8192xf32>
    %sub3A_19 = arith.subf %sub3A, %mul3A_18 : vector<512x8192xf32>
    %get3A_20 = arith.constant 0 : index
    %get3A_21 = arith.constant 0 : index
    %get3A_22 = vector.load %arg5[%get3A_20, %get3A_21] : memref<1x8192xf32, #tpu.memory_space<vmem>>, vector<1x8192xf32>
    %add3A_23 = vector.broadcast %get3A_22 : vector<1x8192xf32> to vector<512x8192xf32>
    %add3A_24 = arith.addf %sub3A_19, %add3A_23 : vector<512x8192xf32>
    %argmin3A = tpu.reduce_index %add3A_24 {axis = 1 : i32, kind = #tpu.reduction_kind<arg_min>} : vector<512x8192xf32> -> vector<512xi32>
    %swap3A = arith.constant 0 : index
    %swap3A_25 = vector.load %arg6[%swap3A] : memref<512xi32, #tpu.memory_space<vmem>>, vector<512xi32>
    tpu.vector_store %arg6[%swap3A], %argmin3A {strides = array<i32>} : memref<512xi32, #tpu.memory_space<vmem>>, vector<512xi32>,
    %reduce_min3A = arith.constant dense<0x7F800000> : vector<512xf32>
    %reduce_min3A_26 = vector.multi_reduction <minimumf>, %add3A_24, %reduce_min3A [1] : vector<512x8192xf32> to vector<512xf32>
    %reduce_sum3A_27 = vector.shape_cast %reduce_min3A_26 : vector<512xf32> to vector<1x512xf32>
    %reduce_sum3A_28 = arith.constant dense<0.000000e+00> : vector<1xf32>
    %reduce_sum3A_29 = vector.multi_reduction <add>, %reduce_sum3A_27, %reduce_sum3A_28 [1] : vector<1x512xf32> to vector<1xf32>
    %reduce_sum3A_30 = vector.shape_cast %reduce_sum3A_29 : vector<1xf32> to vector<1x1xf32>
    %reduce_sum3A_31 = vector.extract %reduce_sum3A_30[0, 0] : f32 from vector<1x1xf32>
    %broadcast_in_dim3A_32 = vector.broadcast %reduce_sum3A_31 : f32 to vector<1x1xf32>
    %eq3A = arith.constant 0 : i32
    %eq3A_33 = arith.cmpi eq, %arg0, %eq3A : i32
    %convert_element_type3A = arith.extui %eq3A_33 : i1 to i32
    %cond3A = arith.constant 0 : i32
    %cond3A_34 = arith.cmpi ne, %convert_element_type3A, %cond3A : i32
    scf.if %cond3A_34 {
      %broadcast_in_dim3A_42 = arith.constant 0.000000e+00 : f32
      %broadcast_in_dim3A_43 = vector.broadcast %broadcast_in_dim3A_42 : f32 to vector<1x1xf32>
      %swap3A_44 = arith.constant 0 : index
      %swap3A_45 = arith.constant 0 : index
      %swap3A_46 = vector.load %arg7[%swap3A_44, %swap3A_45] : memref<1x1xf32, #tpu.memory_space<vmem>>, vector<1x1xf32>
      tpu.vector_store %arg7[%swap3A_44, %swap3A_45], %broadcast_in_dim3A_43 {strides = array<i32>} : memref<1x1xf32, #tpu.memory_space<vmem>>, vector<1x1xf32>,
    } else {
    }
    %get3A_35 = arith.constant 0 : index
    %get3A_36 = arith.constant 0 : index
    %get3A_37 = vector.load %arg7[%get3A_35, %get3A_36] : memref<1x1xf32, #tpu.memory_space<vmem>>, vector<1x1xf32>
    %add3A_38 = arith.addf %get3A_37, %broadcast_in_dim3A_32 : vector<1x1xf32>
    %swap3A_39 = arith.constant 0 : index
    %swap3A_40 = arith.constant 0 : index
    %swap3A_41 = vector.load %arg7[%swap3A_39, %swap3A_40] : memref<1x1xf32, #tpu.memory_space<vmem>>, vector<1x1xf32>
    tpu.vector_store %arg7[%swap3A_39, %swap3A_40], %add3A_38 {strides = array<i32>} : memref<1x1xf32, #tpu.memory_space<vmem>>, vector<1x1xf32>,
    return
  }
  func.func @transform_0(%arg0: i32) -> (i32, i32) {
    %add3A = arith.constant 10 : i32
    %add3A_0 = arith.addi %arg0, %add3A : i32
    %c0_i32 = arith.constant 0 : i32
    %c0_i32_1 = arith.constant 0 : i32
    return %add3A_0, %c0_i32 : i32, i32
  }
  func.func @transform_1(%arg0: i32) -> (i32, i32) {
    %c0_i32 = arith.constant 0 : i32
    %c0_i32_0 = arith.constant 0 : i32
    %c0_i32_1 = arith.constant 0 : i32
    return %c0_i32, %c0_i32_0 : i32, i32
  }
  func.func @transform_2(%arg0: i32) -> (i32, i32) {
    %c0_i32 = arith.constant 0 : i32
    %c0_i32_0 = arith.constant 0 : i32
    %c0_i32_1 = arith.constant 0 : i32
    return %c0_i32, %c0_i32_0 : i32, i32
  }
  func.func @transform_3(%arg0: i32) -> (i32, i32) {
    %c0_i32 = arith.constant 0 : i32
    %c0_i32_0 = arith.constant 0 : i32
    %c0_i32_1 = arith.constant 0 : i32
    return %c0_i32, %c0_i32_0 : i32, i32
  }
  func.func @transform_4(%arg0: i32) -> (i32, i32) {
    %c0_i32 = arith.constant 0 : i32
    %c0_i32_0 = arith.constant 0 : i32
    %c0_i32_1 = arith.constant 0 : i32
    return %c0_i32, %c0_i32_0 : i32, i32
  }
  func.func @transform_5(%arg0: i32) -> i32 {
    %c0_i32 = arith.constant 0 : i32
    return %arg0 : i32
  }
  func.func @transform_6(%arg0: i32) -> (i32, i32) {
    %c0_i32 = arith.constant 0 : i32
    %c0_i32_0 = arith.constant 0 : i32
    %c0_i32_1 = arith.constant 0 : i32
    return %c0_i32, %c0_i32_0 : i32, i32
  }
}

module attributes {stable_mosaic.version = 14 : i64} {
  func.func @_argmin_body(%arg0: i32, %arg1: memref<512x768xf32, #tpu.memory_space<vmem>>, %arg2: memref<768x256xf32, #tpu.memory_space<vmem>>, %arg3: memref<1x256xf32, #tpu.memory_space<vmem>>, %arg4: memref<256x8192xf32, #tpu.memory_space<vmem>>, %arg5: memref<1x8192xf32, #tpu.memory_space<vmem>>, %arg6: memref<512xi32, #tpu.memory_space<vmem>>, %arg7: memref<1x1xf32, #tpu.memory_space<vmem>>) attributes {dimension_semantics = [#tpu.dimension_semantics<arbitrary>], iteration_bounds = array<i64: 10>, scalar_prefetch = 0 : i64, scratch_operands = 0 : i64, tpu.core_type = #tpu.core_type<tc>, window_params = [{transform_indices = @transform_0, window_bounds = array<i64: 512, 768>}, {pipeline_mode = #tpu.pipeline_mode<synchronous>, transform_indices = @transform_1, window_bounds = array<i64: 768, 256>}, {pipeline_mode = #tpu.pipeline_mode<synchronous>, transform_indices = @transform_2, window_bounds = array<i64: 1, 256>}, {pipeline_mode = #tpu.pipeline_mode<synchronous>, transform_indices = @transform_3, window_bounds = array<i64: 256, 8192>}, {pipeline_mode = #tpu.pipeline_mode<synchronous>, transform_indices = @transform_4, window_bounds = array<i64: 1, 8192>}, {transform_indices = @transform_5, window_bounds = array<i64: 512>}, {pipeline_mode = #tpu.pipeline_mode<synchronous>, transform_indices = @transform_6, window_bounds = array<i64: 1, 1>}]} {
    %get3A = arith.constant 0 : index
    %get3A_0 = arith.constant 0 : index
    %get3A_1 = vector.load %arg1[%get3A, %get3A_0] : memref<512x768xf32, #tpu.memory_space<vmem>>, vector<512x768xf32>
    %get3A_2 = arith.constant 0 : index
    %get3A_3 = arith.constant 0 : index
    %get3A_4 = vector.load %arg2[%get3A_2, %get3A_3] : memref<768x256xf32, #tpu.memory_space<vmem>>, vector<768x256xf32>
    %dot_general3A = arith.constant dense<0.000000e+00> : vector<512x256xf32>
    %dot_general3A_5 = tpu.matmul %get3A_1, %get3A_4, %dot_general3A {dimension_numbers = #tpu.dot_dimension_numbers<[1], [0], [0], [1], [0, 0, 1, 1], [], []>, transpose_lhs_hint = false} : vector<512x768xf32>, vector<768x256xf32>, vector<512x256xf32> -> vector<512x256xf32>
    %get3A_6 = arith.constant 0 : index
    %get3A_7 = arith.constant 0 : index
    %get3A_8 = vector.load %arg3[%get3A_6, %get3A_7] : memref<1x256xf32, #tpu.memory_space<vmem>>, vector<1x256xf32>
    %add3A = vector.broadcast %get3A_8 : vector<1x256xf32> to vector<512x256xf32>
    %add3A_9 = arith.addf %dot_general3A_5, %add3A : vector<512x256xf32>
    %mul3A = arith.mulf %add3A_9, %add3A_9 : vector<512x256xf32>
    %reduce_sum3A = arith.constant dense<0.000000e+00> : vector<512xf32>
    %reduce_sum3A_10 = vector.multi_reduction <add>, %mul3A, %reduce_sum3A [1] : vector<512x256xf32> to vector<512xf32>
    %broadcast_in_dim3A = vector.shape_cast %reduce_sum3A_10 : vector<512xf32> to vector<512x1xf32>
    %get3A_11 = arith.constant 0 : index
    %get3A_12 = arith.constant 0 : index
    %get3A_13 = vector.load %arg4[%get3A_11, %get3A_12] : memref<256x8192xf32, #tpu.memory_space<vmem>>, vector<256x8192xf32>
    %dot_general3A_14 = arith.constant dense<0.000000e+00> : vector<512x8192xf32>
    %dot_general3A_15 = tpu.matmul %add3A_9, %get3A_13, %dot_general3A_14 {dimension_numbers = #tpu.dot_dimension_numbers<[1], [0], [0], [1], [0, 0, 1, 1], [], []>, transpose_lhs_hint = false} : vector<512x256xf32>, vector<256x8192xf32>, vector<512x8192xf32> -> vector<512x8192xf32>
    %mul3A_16 = arith.constant 2.000000e+00 : f32
    %mul3A_17 = vector.broadcast %mul3A_16 : f32 to vector<512x8192xf32>
    %mul3A_18 = arith.mulf %mul3A_17, %dot_general3A_15 : vector<512x8192xf32>
    %sub3A = vector.broadcast %broadcast_in_dim3A : vector<512x1xf32> to vector<512x8192xf32>
    %sub3A_19 = arith.subf %sub3A, %mul3A_18 : vector<512x8192xf32>
    %get3A_20 = arith.constant 0 : index
    %get3A_21 = arith.constant 0 : index
    %get3A_22 = vector.load %arg5[%get3A_20, %get3A_21] : memref<1x8192xf32, #tpu.memory_space<vmem>>, vector<1x8192xf32>
    %add3A_23 = vector.broadcast %get3A_22 : vector<1x8192xf32> to vector<512x8192xf32>
    %add3A_24 = arith.addf %sub3A_19, %add3A_23 : vector<512x8192xf32>
    %argmin3A = tpu.reduce_index %add3A_24 {axis = 1 : i32, kind = #tpu.reduction_kind<arg_min>} : vector<512x8192xf32> -> vector<512xi32>
    %swap3A = arith.constant 0 : index
    %swap3A_25 = vector.load %arg6[%swap3A] : memref<512xi32, #tpu.memory_space<vmem>>, vector<512xi32>
    tpu.vector_store %arg6[%swap3A], %argmin3A {strides = array<i32>} : memref<512xi32, #tpu.memory_space<vmem>>, vector<512xi32>,
    %reduce_min3A = arith.constant dense<0x7F800000> : vector<512xf32>
    %reduce_min3A_26 = vector.multi_reduction <minimumf>, %add3A_24, %reduce_min3A [1] : vector<512x8192xf32> to vector<512xf32>
    %reduce_sum3A_27 = vector.shape_cast %reduce_min3A_26 : vector<512xf32> to vector<1x512xf32>
    %reduce_sum3A_28 = arith.constant dense<0.000000e+00> : vector<1xf32>
    %reduce_sum3A_29 = vector.multi_reduction <add>, %reduce_sum3A_27, %reduce_sum3A_28 [1] : vector<1x512xf32> to vector<1xf32>
    %reduce_sum3A_30 = vector.shape_cast %reduce_sum3A_29 : vector<1xf32> to vector<1x1xf32>
    %reduce_sum3A_31 = vector.extract %reduce_sum3A_30[0, 0] : f32 from vector<1x1xf32>
    %broadcast_in_dim3A_32 = vector.broadcast %reduce_sum3A_31 : f32 to vector<1x1xf32>
    %eq3A = arith.constant 0 : i32
    %eq3A_33 = arith.cmpi eq, %arg0, %eq3A : i32
    %convert_element_type3A = arith.extui %eq3A_33 : i1 to i32
    %cond3A = arith.constant 0 : i32
    %cond3A_34 = arith.cmpi ne, %convert_element_type3A, %cond3A : i32
    scf.if %cond3A_34 {
      %broadcast_in_dim3A_42 = arith.constant 0.000000e+00 : f32
      %broadcast_in_dim3A_43 = vector.broadcast %broadcast_in_dim3A_42 : f32 to vector<1x1xf32>
      %swap3A_44 = arith.constant 0 : index
      %swap3A_45 = arith.constant 0 : index
      %swap3A_46 = vector.load %arg7[%swap3A_44, %swap3A_45] : memref<1x1xf32, #tpu.memory_space<vmem>>, vector<1x1xf32>
      tpu.vector_store %arg7[%swap3A_44, %swap3A_45], %broadcast_in_dim3A_43 {strides = array<i32>} : memref<1x1xf32, #tpu.memory_space<vmem>>, vector<1x1xf32>,
    } else {
    }
    %get3A_35 = arith.constant 0 : index
    %get3A_36 = arith.constant 0 : index
    %get3A_37 = vector.load %arg7[%get3A_35, %get3A_36] : memref<1x1xf32, #tpu.memory_space<vmem>>, vector<1x1xf32>
    %add3A_38 = arith.addf %get3A_37, %broadcast_in_dim3A_32 : vector<1x1xf32>
    %swap3A_39 = arith.constant 0 : index
    %swap3A_40 = arith.constant 0 : index
    %swap3A_41 = vector.load %arg7[%swap3A_39, %swap3A_40] : memref<1x1xf32, #tpu.memory_space<vmem>>, vector<1x1xf32>
    tpu.vector_store %arg7[%swap3A_39, %swap3A_40], %add3A_38 {strides = array<i32>} : memref<1x1xf32, #tpu.memory_space<vmem>>, vector<1x1xf32>,
    return
  }
  func.func @transform_0(%arg0: i32) -> (i32, i32) {
    %add3A = arith.constant 0 : i32
    %add3A_0 = arith.addi %arg0, %add3A : i32
    %c0_i32 = arith.constant 0 : i32
    %c0_i32_1 = arith.constant 0 : i32
    return %add3A_0, %c0_i32 : i32, i32
  }
  func.func @transform_1(%arg0: i32) -> (i32, i32) {
    %c0_i32 = arith.constant 0 : i32
    %c0_i32_0 = arith.constant 0 : i32
    %c0_i32_1 = arith.constant 0 : i32
    return %c0_i32, %c0_i32_0 : i32, i32
  }
  func.func @transform_2(%arg0: i32) -> (i32, i32) {
    %c0_i32 = arith.constant 0 : i32
    %c0_i32_0 = arith.constant 0 : i32
    %c0_i32_1 = arith.constant 0 : i32
    return %c0_i32, %c0_i32_0 : i32, i32
  }
  func.func @transform_3(%arg0: i32) -> (i32, i32) {
    %c0_i32 = arith.constant 0 : i32
    %c0_i32_0 = arith.constant 0 : i32
    %c0_i32_1 = arith.constant 0 : i32
    return %c0_i32, %c0_i32_0 : i32, i32
  }
  func.func @transform_4(%arg0: i32) -> (i32, i32) {
    %c0_i32 = arith.constant 0 : i32
    %c0_i32_0 = arith.constant 0 : i32
    %c0_i32_1 = arith.constant 0 : i32
    return %c0_i32, %c0_i32_0 : i32, i32
  }
  func.func @transform_5(%arg0: i32) -> i32 {
    %c0_i32 = arith.constant 0 : i32
    return %arg0 : i32
  }
  func.func @transform_6(%arg0: i32) -> (i32, i32) {
    %c0_i32 = arith.constant 0 : i32
    %c0_i32_0 = arith.constant 0 : i32
    %c0_i32_1 = arith.constant 0 : i32
    return %c0_i32, %c0_i32_0 : i32, i32
  }
}

module attributes {stable_mosaic.version = 14 : i64} {
  func.func @_argmin_body(%arg0: i32, %arg1: memref<512x768xf32, #tpu.memory_space<vmem>>, %arg2: memref<768x256xf32, #tpu.memory_space<vmem>>, %arg3: memref<1x256xf32, #tpu.memory_space<vmem>>, %arg4: memref<256x8192xf32, #tpu.memory_space<vmem>>, %arg5: memref<1x8192xf32, #tpu.memory_space<vmem>>, %arg6: memref<512xi32, #tpu.memory_space<vmem>>, %arg7: memref<1x1xf32, #tpu.memory_space<vmem>>) attributes {dimension_semantics = [#tpu.dimension_semantics<arbitrary>], iteration_bounds = array<i64: 8>, scalar_prefetch = 0 : i64, scratch_operands = 0 : i64, tpu.core_type = #tpu.core_type<tc>, window_params = [{transform_indices = @transform_0, window_bounds = array<i64: 512, 768>}, {pipeline_mode = #tpu.pipeline_mode<synchronous>, transform_indices = @transform_1, window_bounds = array<i64: 768, 256>}, {pipeline_mode = #tpu.pipeline_mode<synchronous>, transform_indices = @transform_2, window_bounds = array<i64: 1, 256>}, {pipeline_mode = #tpu.pipeline_mode<synchronous>, transform_indices = @transform_3, window_bounds = array<i64: 256, 8192>}, {pipeline_mode = #tpu.pipeline_mode<synchronous>, transform_indices = @transform_4, window_bounds = array<i64: 1, 8192>}, {transform_indices = @transform_5, window_bounds = array<i64: 512>}, {pipeline_mode = #tpu.pipeline_mode<synchronous>, transform_indices = @transform_6, window_bounds = array<i64: 1, 1>}]} {
    %get3A = arith.constant 0 : index
    %get3A_0 = arith.constant 0 : index
    %get3A_1 = vector.load %arg1[%get3A, %get3A_0] : memref<512x768xf32, #tpu.memory_space<vmem>>, vector<512x768xf32>
    %get3A_2 = arith.constant 0 : index
    %get3A_3 = arith.constant 0 : index
    %get3A_4 = vector.load %arg2[%get3A_2, %get3A_3] : memref<768x256xf32, #tpu.memory_space<vmem>>, vector<768x256xf32>
    %dot_general3A = arith.constant dense<0.000000e+00> : vector<512x256xf32>
    %dot_general3A_5 = tpu.matmul %get3A_1, %get3A_4, %dot_general3A {dimension_numbers = #tpu.dot_dimension_numbers<[1], [0], [0], [1], [0, 0, 1, 1], [], []>, transpose_lhs_hint = false} : vector<512x768xf32>, vector<768x256xf32>, vector<512x256xf32> -> vector<512x256xf32>
    %get3A_6 = arith.constant 0 : index
    %get3A_7 = arith.constant 0 : index
    %get3A_8 = vector.load %arg3[%get3A_6, %get3A_7] : memref<1x256xf32, #tpu.memory_space<vmem>>, vector<1x256xf32>
    %add3A = vector.broadcast %get3A_8 : vector<1x256xf32> to vector<512x256xf32>
    %add3A_9 = arith.addf %dot_general3A_5, %add3A : vector<512x256xf32>
    %mul3A = arith.mulf %add3A_9, %add3A_9 : vector<512x256xf32>
    %reduce_sum3A = arith.constant dense<0.000000e+00> : vector<512xf32>
    %reduce_sum3A_10 = vector.multi_reduction <add>, %mul3A, %reduce_sum3A [1] : vector<512x256xf32> to vector<512xf32>
    %broadcast_in_dim3A = vector.shape_cast %reduce_sum3A_10 : vector<512xf32> to vector<512x1xf32>
    %get3A_11 = arith.constant 0 : index
    %get3A_12 = arith.constant 0 : index
    %get3A_13 = vector.load %arg4[%get3A_11, %get3A_12] : memref<256x8192xf32, #tpu.memory_space<vmem>>, vector<256x8192xf32>
    %dot_general3A_14 = arith.constant dense<0.000000e+00> : vector<512x8192xf32>
    %dot_general3A_15 = tpu.matmul %add3A_9, %get3A_13, %dot_general3A_14 {dimension_numbers = #tpu.dot_dimension_numbers<[1], [0], [0], [1], [0, 0, 1, 1], [], []>, transpose_lhs_hint = false} : vector<512x256xf32>, vector<256x8192xf32>, vector<512x8192xf32> -> vector<512x8192xf32>
    %mul3A_16 = arith.constant 2.000000e+00 : f32
    %mul3A_17 = vector.broadcast %mul3A_16 : f32 to vector<512x8192xf32>
    %mul3A_18 = arith.mulf %mul3A_17, %dot_general3A_15 : vector<512x8192xf32>
    %sub3A = vector.broadcast %broadcast_in_dim3A : vector<512x1xf32> to vector<512x8192xf32>
    %sub3A_19 = arith.subf %sub3A, %mul3A_18 : vector<512x8192xf32>
    %get3A_20 = arith.constant 0 : index
    %get3A_21 = arith.constant 0 : index
    %get3A_22 = vector.load %arg5[%get3A_20, %get3A_21] : memref<1x8192xf32, #tpu.memory_space<vmem>>, vector<1x8192xf32>
    %add3A_23 = vector.broadcast %get3A_22 : vector<1x8192xf32> to vector<512x8192xf32>
    %add3A_24 = arith.addf %sub3A_19, %add3A_23 : vector<512x8192xf32>
    %argmin3A = tpu.reduce_index %add3A_24 {axis = 1 : i32, kind = #tpu.reduction_kind<arg_min>} : vector<512x8192xf32> -> vector<512xi32>
    %swap3A = arith.constant 0 : index
    %swap3A_25 = vector.load %arg6[%swap3A] : memref<512xi32, #tpu.memory_space<vmem>>, vector<512xi32>
    tpu.vector_store %arg6[%swap3A], %argmin3A {strides = array<i32>} : memref<512xi32, #tpu.memory_space<vmem>>, vector<512xi32>,
    %reduce_min3A = arith.constant dense<0x7F800000> : vector<512xf32>
    %reduce_min3A_26 = vector.multi_reduction <minimumf>, %add3A_24, %reduce_min3A [1] : vector<512x8192xf32> to vector<512xf32>
    %reduce_sum3A_27 = vector.shape_cast %reduce_min3A_26 : vector<512xf32> to vector<1x512xf32>
    %reduce_sum3A_28 = arith.constant dense<0.000000e+00> : vector<1xf32>
    %reduce_sum3A_29 = vector.multi_reduction <add>, %reduce_sum3A_27, %reduce_sum3A_28 [1] : vector<1x512xf32> to vector<1xf32>
    %reduce_sum3A_30 = vector.shape_cast %reduce_sum3A_29 : vector<1xf32> to vector<1x1xf32>
    %reduce_sum3A_31 = vector.extract %reduce_sum3A_30[0, 0] : f32 from vector<1x1xf32>
    %broadcast_in_dim3A_32 = vector.broadcast %reduce_sum3A_31 : f32 to vector<1x1xf32>
    %eq3A = arith.constant 0 : i32
    %eq3A_33 = arith.cmpi eq, %arg0, %eq3A : i32
    %convert_element_type3A = arith.extui %eq3A_33 : i1 to i32
    %cond3A = arith.constant 0 : i32
    %cond3A_34 = arith.cmpi ne, %convert_element_type3A, %cond3A : i32
    scf.if %cond3A_34 {
      %broadcast_in_dim3A_42 = arith.constant 0.000000e+00 : f32
      %broadcast_in_dim3A_43 = vector.broadcast %broadcast_in_dim3A_42 : f32 to vector<1x1xf32>
      %swap3A_44 = arith.constant 0 : index
      %swap3A_45 = arith.constant 0 : index
      %swap3A_46 = vector.load %arg7[%swap3A_44, %swap3A_45] : memref<1x1xf32, #tpu.memory_space<vmem>>, vector<1x1xf32>
      tpu.vector_store %arg7[%swap3A_44, %swap3A_45], %broadcast_in_dim3A_43 {strides = array<i32>} : memref<1x1xf32, #tpu.memory_space<vmem>>, vector<1x1xf32>,
    } else {
    }
    %get3A_35 = arith.constant 0 : index
    %get3A_36 = arith.constant 0 : index
    %get3A_37 = vector.load %arg7[%get3A_35, %get3A_36] : memref<1x1xf32, #tpu.memory_space<vmem>>, vector<1x1xf32>
    %add3A_38 = arith.addf %get3A_37, %broadcast_in_dim3A_32 : vector<1x1xf32>
    %swap3A_39 = arith.constant 0 : index
    %swap3A_40 = arith.constant 0 : index
    %swap3A_41 = vector.load %arg7[%swap3A_39, %swap3A_40] : memref<1x1xf32, #tpu.memory_space<vmem>>, vector<1x1xf32>
    tpu.vector_store %arg7[%swap3A_39, %swap3A_40], %add3A_38 {strides = array<i32>} : memref<1x1xf32, #tpu.memory_space<vmem>>, vector<1x1xf32>,
    return
  }
  func.func @transform_0(%arg0: i32) -> (i32, i32) {
    %add3A = arith.constant 18 : i32
    %add3A_0 = arith.addi %arg0, %add3A : i32
    %c0_i32 = arith.constant 0 : i32
    %c0_i32_1 = arith.constant 0 : i32
    return %add3A_0, %c0_i32 : i32, i32
  }
  func.func @transform_1(%arg0: i32) -> (i32, i32) {
    %c0_i32 = arith.constant 0 : i32
    %c0_i32_0 = arith.constant 0 : i32
    %c0_i32_1 = arith.constant 0 : i32
    return %c0_i32, %c0_i32_0 : i32, i32
  }
  func.func @transform_2(%arg0: i32) -> (i32, i32) {
    %c0_i32 = arith.constant 0 : i32
    %c0_i32_0 = arith.constant 0 : i32
    %c0_i32_1 = arith.constant 0 : i32
    return %c0_i32, %c0_i32_0 : i32, i32
  }
  func.func @transform_3(%arg0: i32) -> (i32, i32) {
    %c0_i32 = arith.constant 0 : i32
    %c0_i32_0 = arith.constant 0 : i32
    %c0_i32_1 = arith.constant 0 : i32
    return %c0_i32, %c0_i32_0 : i32, i32
  }
  func.func @transform_4(%arg0: i32) -> (i32, i32) {
    %c0_i32 = arith.constant 0 : i32
    %c0_i32_0 = arith.constant 0 : i32
    %c0_i32_1 = arith.constant 0 : i32
    return %c0_i32, %c0_i32_0 : i32, i32
  }
  func.func @transform_5(%arg0: i32) -> i32 {
    %c0_i32 = arith.constant 0 : i32
    return %arg0 : i32
  }
  func.func @transform_6(%arg0: i32) -> (i32, i32) {
    %c0_i32 = arith.constant 0 : i32
    %c0_i32_0 = arith.constant 0 : i32
    %c0_i32_1 = arith.constant 0 : i32
    return %c0_i32, %c0_i32_0 : i32, i32
  }
}

module attributes {stable_mosaic.version = 14 : i64} {
  func.func @_argmin_body(%arg0: i32, %arg1: memref<512x768xf32, #tpu.memory_space<vmem>>, %arg2: memref<768x256xf32, #tpu.memory_space<vmem>>, %arg3: memref<1x256xf32, #tpu.memory_space<vmem>>, %arg4: memref<256x8192xf32, #tpu.memory_space<vmem>>, %arg5: memref<1x8192xf32, #tpu.memory_space<vmem>>, %arg6: memref<512xi32, #tpu.memory_space<vmem>>, %arg7: memref<1x1xf32, #tpu.memory_space<vmem>>) attributes {dimension_semantics = [#tpu.dimension_semantics<arbitrary>], iteration_bounds = array<i64: 6>, scalar_prefetch = 0 : i64, scratch_operands = 0 : i64, tpu.core_type = #tpu.core_type<tc>, window_params = [{transform_indices = @transform_0, window_bounds = array<i64: 512, 768>}, {pipeline_mode = #tpu.pipeline_mode<synchronous>, transform_indices = @transform_1, window_bounds = array<i64: 768, 256>}, {pipeline_mode = #tpu.pipeline_mode<synchronous>, transform_indices = @transform_2, window_bounds = array<i64: 1, 256>}, {pipeline_mode = #tpu.pipeline_mode<synchronous>, transform_indices = @transform_3, window_bounds = array<i64: 256, 8192>}, {pipeline_mode = #tpu.pipeline_mode<synchronous>, transform_indices = @transform_4, window_bounds = array<i64: 1, 8192>}, {transform_indices = @transform_5, window_bounds = array<i64: 512>}, {pipeline_mode = #tpu.pipeline_mode<synchronous>, transform_indices = @transform_6, window_bounds = array<i64: 1, 1>}]} {
    %get3A = arith.constant 0 : index
    %get3A_0 = arith.constant 0 : index
    %get3A_1 = vector.load %arg1[%get3A, %get3A_0] : memref<512x768xf32, #tpu.memory_space<vmem>>, vector<512x768xf32>
    %get3A_2 = arith.constant 0 : index
    %get3A_3 = arith.constant 0 : index
    %get3A_4 = vector.load %arg2[%get3A_2, %get3A_3] : memref<768x256xf32, #tpu.memory_space<vmem>>, vector<768x256xf32>
    %dot_general3A = arith.constant dense<0.000000e+00> : vector<512x256xf32>
    %dot_general3A_5 = tpu.matmul %get3A_1, %get3A_4, %dot_general3A {dimension_numbers = #tpu.dot_dimension_numbers<[1], [0], [0], [1], [0, 0, 1, 1], [], []>, transpose_lhs_hint = false} : vector<512x768xf32>, vector<768x256xf32>, vector<512x256xf32> -> vector<512x256xf32>
    %get3A_6 = arith.constant 0 : index
    %get3A_7 = arith.constant 0 : index
    %get3A_8 = vector.load %arg3[%get3A_6, %get3A_7] : memref<1x256xf32, #tpu.memory_space<vmem>>, vector<1x256xf32>
    %add3A = vector.broadcast %get3A_8 : vector<1x256xf32> to vector<512x256xf32>
    %add3A_9 = arith.addf %dot_general3A_5, %add3A : vector<512x256xf32>
    %mul3A = arith.mulf %add3A_9, %add3A_9 : vector<512x256xf32>
    %reduce_sum3A = arith.constant dense<0.000000e+00> : vector<512xf32>
    %reduce_sum3A_10 = vector.multi_reduction <add>, %mul3A, %reduce_sum3A [1] : vector<512x256xf32> to vector<512xf32>
    %broadcast_in_dim3A = vector.shape_cast %reduce_sum3A_10 : vector<512xf32> to vector<512x1xf32>
    %get3A_11 = arith.constant 0 : index
    %get3A_12 = arith.constant 0 : index
    %get3A_13 = vector.load %arg4[%get3A_11, %get3A_12] : memref<256x8192xf32, #tpu.memory_space<vmem>>, vector<256x8192xf32>
    %dot_general3A_14 = arith.constant dense<0.000000e+00> : vector<512x8192xf32>
    %dot_general3A_15 = tpu.matmul %add3A_9, %get3A_13, %dot_general3A_14 {dimension_numbers = #tpu.dot_dimension_numbers<[1], [0], [0], [1], [0, 0, 1, 1], [], []>, transpose_lhs_hint = false} : vector<512x256xf32>, vector<256x8192xf32>, vector<512x8192xf32> -> vector<512x8192xf32>
    %mul3A_16 = arith.constant 2.000000e+00 : f32
    %mul3A_17 = vector.broadcast %mul3A_16 : f32 to vector<512x8192xf32>
    %mul3A_18 = arith.mulf %mul3A_17, %dot_general3A_15 : vector<512x8192xf32>
    %sub3A = vector.broadcast %broadcast_in_dim3A : vector<512x1xf32> to vector<512x8192xf32>
    %sub3A_19 = arith.subf %sub3A, %mul3A_18 : vector<512x8192xf32>
    %get3A_20 = arith.constant 0 : index
    %get3A_21 = arith.constant 0 : index
    %get3A_22 = vector.load %arg5[%get3A_20, %get3A_21] : memref<1x8192xf32, #tpu.memory_space<vmem>>, vector<1x8192xf32>
    %add3A_23 = vector.broadcast %get3A_22 : vector<1x8192xf32> to vector<512x8192xf32>
    %add3A_24 = arith.addf %sub3A_19, %add3A_23 : vector<512x8192xf32>
    %argmin3A = tpu.reduce_index %add3A_24 {axis = 1 : i32, kind = #tpu.reduction_kind<arg_min>} : vector<512x8192xf32> -> vector<512xi32>
    %swap3A = arith.constant 0 : index
    %swap3A_25 = vector.load %arg6[%swap3A] : memref<512xi32, #tpu.memory_space<vmem>>, vector<512xi32>
    tpu.vector_store %arg6[%swap3A], %argmin3A {strides = array<i32>} : memref<512xi32, #tpu.memory_space<vmem>>, vector<512xi32>,
    %reduce_min3A = arith.constant dense<0x7F800000> : vector<512xf32>
    %reduce_min3A_26 = vector.multi_reduction <minimumf>, %add3A_24, %reduce_min3A [1] : vector<512x8192xf32> to vector<512xf32>
    %reduce_sum3A_27 = vector.shape_cast %reduce_min3A_26 : vector<512xf32> to vector<1x512xf32>
    %reduce_sum3A_28 = arith.constant dense<0.000000e+00> : vector<1xf32>
    %reduce_sum3A_29 = vector.multi_reduction <add>, %reduce_sum3A_27, %reduce_sum3A_28 [1] : vector<1x512xf32> to vector<1xf32>
    %reduce_sum3A_30 = vector.shape_cast %reduce_sum3A_29 : vector<1xf32> to vector<1x1xf32>
    %reduce_sum3A_31 = vector.extract %reduce_sum3A_30[0, 0] : f32 from vector<1x1xf32>
    %broadcast_in_dim3A_32 = vector.broadcast %reduce_sum3A_31 : f32 to vector<1x1xf32>
    %eq3A = arith.constant 0 : i32
    %eq3A_33 = arith.cmpi eq, %arg0, %eq3A : i32
    %convert_element_type3A = arith.extui %eq3A_33 : i1 to i32
    %cond3A = arith.constant 0 : i32
    %cond3A_34 = arith.cmpi ne, %convert_element_type3A, %cond3A : i32
    scf.if %cond3A_34 {
      %broadcast_in_dim3A_42 = arith.constant 0.000000e+00 : f32
      %broadcast_in_dim3A_43 = vector.broadcast %broadcast_in_dim3A_42 : f32 to vector<1x1xf32>
      %swap3A_44 = arith.constant 0 : index
      %swap3A_45 = arith.constant 0 : index
      %swap3A_46 = vector.load %arg7[%swap3A_44, %swap3A_45] : memref<1x1xf32, #tpu.memory_space<vmem>>, vector<1x1xf32>
      tpu.vector_store %arg7[%swap3A_44, %swap3A_45], %broadcast_in_dim3A_43 {strides = array<i32>} : memref<1x1xf32, #tpu.memory_space<vmem>>, vector<1x1xf32>,
    } else {
    }
    %get3A_35 = arith.constant 0 : index
    %get3A_36 = arith.constant 0 : index
    %get3A_37 = vector.load %arg7[%get3A_35, %get3A_36] : memref<1x1xf32, #tpu.memory_space<vmem>>, vector<1x1xf32>
    %add3A_38 = arith.addf %get3A_37, %broadcast_in_dim3A_32 : vector<1x1xf32>
    %swap3A_39 = arith.constant 0 : index
    %swap3A_40 = arith.constant 0 : index
    %swap3A_41 = vector.load %arg7[%swap3A_39, %swap3A_40] : memref<1x1xf32, #tpu.memory_space<vmem>>, vector<1x1xf32>
    tpu.vector_store %arg7[%swap3A_39, %swap3A_40], %add3A_38 {strides = array<i32>} : memref<1x1xf32, #tpu.memory_space<vmem>>, vector<1x1xf32>,
    return
  }
  func.func @transform_0(%arg0: i32) -> (i32, i32) {
    %add3A = arith.constant 26 : i32
    %add3A_0 = arith.addi %arg0, %add3A : i32
    %c0_i32 = arith.constant 0 : i32
    %c0_i32_1 = arith.constant 0 : i32
    return %add3A_0, %c0_i32 : i32, i32
  }
  func.func @transform_1(%arg0: i32) -> (i32, i32) {
    %c0_i32 = arith.constant 0 : i32
    %c0_i32_0 = arith.constant 0 : i32
    %c0_i32_1 = arith.constant 0 : i32
    return %c0_i32, %c0_i32_0 : i32, i32
  }
  func.func @transform_2(%arg0: i32) -> (i32, i32) {
    %c0_i32 = arith.constant 0 : i32
    %c0_i32_0 = arith.constant 0 : i32
    %c0_i32_1 = arith.constant 0 : i32
    return %c0_i32, %c0_i32_0 : i32, i32
  }
  func.func @transform_3(%arg0: i32) -> (i32, i32) {
    %c0_i32 = arith.constant 0 : i32
    %c0_i32_0 = arith.constant 0 : i32
    %c0_i32_1 = arith.constant 0 : i32
    return %c0_i32, %c0_i32_0 : i32, i32
  }
  func.func @transform_4(%arg0: i32) -> (i32, i32) {
    %c0_i32 = arith.constant 0 : i32
    %c0_i32_0 = arith.constant 0 : i32
    %c0_i32_1 = arith.constant 0 : i32
    return %c0_i32, %c0_i32_0 : i32, i32
  }
  func.func @transform_5(%arg0: i32) -> i32 {
    %c0_i32 = arith.constant 0 : i32
    return %arg0 : i32
  }
  func.func @transform_6(%arg0: i32) -> (i32, i32) {
    %c0_i32 = arith.constant 0 : i32
    %c0_i32_0 = arith.constant 0 : i32
    %c0_i32_1 = arith.constant 0 : i32
    return %c0_i32, %c0_i32_0 : i32, i32
  }
}

</mosaic_0001>

<sc_bundles>
// kernel: kernel.12.cloned.1.call-start
scs
__scs_entry_jumppad:
0x0: {  	(pc) =	sbr.rel $0x88, $3  }
0x1: {  	(tag) =	ssettag $0x0;
	lr =	simm.s32 $0x1  }
0x2: {  	[smem:$0x3F9B] =	sst lr;
	_ =	strace $0xD0000000  }
0x3: {  	_ = 	snop  }
0x4: {  	_ = 	snop  }
0x5: {  	_ = 	snop  }
0x6: {  	_ = 	snop  }
0x7: {  	_ = 	snop  }
__scs_overlays_trampoline_lowered:
0x8: {  	[smem:$0x3FAA] =	sst s0  }
0x9: {  	[smem:$0x3FAB] =	sst s1  }
0xa: {  	[smem:$0x3FAC] =	sst s2  }
0xb: {  	[smem:$0x3FAD] =	sst s3  }
0xc: {  	[smem:$0x3FAE] =	sst s4  }
0xd: {  	[smem:$0x3FAF] =	sst s5  }
0xe: {  	[smem:$0x3FB0] =	sst s6  }
0xf: {  	[smem:$0x3FB1] =	sst s7  }
0x10: {  	[smem:$0x3FB2] =	sst s8  }
0x11: {  	[smem:$0x3FB3] =	sst s9;
	s0 =	simm.s32 @!p0 $0x0  }
0x12: {  	s1 =	sld [smem:$0x3F99];
	s0 =	simm.s32 @p0 $0x1  }
0x13: {  	[smem:$0x3FB4] =	sst s0;
	s0 =	simm.s32 @!p1 $0x0  }
0x14: {  	s2 =	sld [smem:$0x3F98];
	s0 =	simm.s32 @p1 $0x1  }
0x15: {  	[smem:$0x3FB5] =	sst s0;
	s0 =	simm.s32 @!p2 $0x0  }
0x16: {  	s3 =	sld [smem:$0x3FDB];
	s0 =	simm.s32 @p2 $0x1  }
0x17: {  	s4 =	simm.s32 $0x1BF5;
	[smem:$0x3FB7] =	sst s0  }
0x18: {  	s0 =	sld [smem:$0x3F9A];
	_ =	swait.ge [sflag:s4], $0x0  }
0x19: {  	s7 =	sld [smem:$0x3F9B]  }
0x1a: {  	s8 =	sadd.s32 $0xFFFFE003, lr  }
0x1b: {  	s9 =	sadd.s32 $0xFFFFFEF7, lr;
	s5 =	simm.s32 $0xFFFFFFFF;
	p2 =	slt.u32 s8, $0xFFFFF086  }
0x1c: {  	p1 =	slt.u32 s9, $0xF7A;
	s5 =	simm.s32 @!p2 $0x0  }
0x1d: {  	s5 =	simm.s32 @p1 $0x1;
	p0 =	seq.s32 s7, s2  }
0x1e: {  	s7 =	smul.u32 @!p0 $0xF7A, s2;
	p2 =	seq.s32 @!p0 s5, $0x0  }
0x1f: {  	s9 =	smul.u32 $0xF7A, s1;
	s8 =	simm.s32 @!p0 $0x1BF5;
	p2 =	por !p2, p0  }
0x20: {  	[sflag:s8] =	ssyncset.s32 @!p0 $0xFFFFF086;
	s6 =	sadd.s32 @!p0 s3, s7;
	s7 =	simm.s32 @!p0 $0x108  }
0x21: {  	s3 =	sadd.s32 s3, s9;
	s6 =	sadd.s32 @!p0 $0x88, s6;
	s7 =	simm.s32 @p2 $0x1082  }
0x22: {  	[simem:s7], [sflag:s8] =	dma.local @!p0 [hbm:s6], $0xF7A  }
0x23: {  	s9 =	sor.u32 $0xD0000000, s2;
	s6 =	simm.s32 $0x108;
	_ =	swait.ge @!p0 [sflag:s8], $0x0  }
0x24: {  	s3 =	sadd.s32 $0x88, s3;
	s6 =	simm.s32 @!p1 $0x1082;
	[sflag:s4] =	ssyncset.s32 $0xFFFFF086  }
0x25: {  	[simem:s6], [sflag:s4] =	dma.local [hbm:s3], $0xF7A  }
0x26: {  	[smem:$0x3F9B] =	sst s1;
	(tag) =	ssettag s2;
	_ =	strace s9  }
0x27: {  	s1 =	sld [smem:$0x3FAB]  }
0x28: {  	s2 =	sld [smem:$0x3FAC]  }
0x29: {  	s4 =	sld [smem:$0x3FAE]  }
0x2a: {  	p0 =	seq.s32 s5, $0x0;
	s5 =	sld [smem:$0x3FAF]  }
0x2b: {  	s6 =	sld [smem:$0x3FB0]  }
0x2c: {  	s7 =	sld [smem:$0x3FB1]  }
0x2d: {  	s3 =	simm.s32 $0x108;
	s8 =	sld [smem:$0x3FB2]  }
0x2e: {  	s3 =	simm.s32 @!p0 $0x1082;
	s9 =	sld [smem:$0x3FB3]  }
0x2f: {  	lr =	sadd.s32 s0, s3;
	s0 =	sld [smem:$0x3FAA]  }
0x30: {  	s3 =	sld [smem:$0x3FAD]  }
0x31: {  	[smem:$0x3FB6] =	sst s10  }
0x32: {  	s10 =	sld [smem:$0x3FB4];
	_ =	sdelay $0x3  }
0x33: {  	p0 =	seq.s32 s10, $0x1;
	s10 =	sld [smem:$0x3FB6];
	_ =	sdelay $0x3  }
0x34: {  	[smem:$0x3FB6] =	sst s10  }
0x35: {  	s10 =	sld [smem:$0x3FB5];
	_ =	sdelay $0x3  }
0x36: {  	p1 =	seq.s32 s10, $0x1;
	s10 =	sld [smem:$0x3FB6];
	_ =	sdelay $0x3  }
0x37: {  	[smem:$0x3FB6] =	sst s10  }
0x38: {  	s10 =	sld [smem:$0x3FB7]  }
0x39: {  	_ = 	snop;
	(pc) =	sbr.ind lr, $3  }
0x3a: {  	_ = 	snop  }
0x3b: {  	_ = 	snop  }
0x3c: {  	p2 =	seq.s32 s10, $0x1;
	s10 =	sld [smem:$0x3FB6]  }
0x3d: {  	_ =	shalt  }
0x3e: {  	_ =	shalt  }
0x3f: {  	_ =	shalt  }
0x40: {  	_ =	shalt  }
0x41: {  	_ =	shalt  }
0x42: {  	_ =	shalt  }
0x43: {  	_ =	shalt  }
0x44: {  	_ =	shalt  }
0x45: {  	_ =	shalt  }
0x46: {  	_ =	shalt  }
0x47: {  	_ =	shalt  }
0x48: {  	_ =	shalt  }
0x49: {  	_ =	shalt  }
0x4a: {  	_ =	shalt  }
0x4b: {  	_ =	shalt  }
0x4c: {  	_ =	shalt  }
0x4d: {  	_ =	shalt  }
0x4e: {  	_ =	shalt  }
0x4f: {  	_ =	shalt  }
0x50: {  	_ =	shalt  }
0x51: {  	_ =	shalt  }
0x52: {  	_ =	shalt  }
0x53: {  	_ =	shalt  }
0x54: {  	_ =	shalt  }
0x55: {  	_ =	shalt  }
0x56: {  	_ =	shalt  }
0x57: {  	_ =	shalt  }
0x58: {  	_ =	shalt  }
0x59: {  	_ =	shalt  }
0x5a: {  	_ =	shalt  }
0x5b: {  	_ =	shalt  }
0x5c: {  	_ =	shalt  }
0x5d: {  	_ =	shalt  }
0x5e: {  	_ =	shalt  }
0x5f: {  	_ =	shalt  }
0x60: {  	_ =	shalt  }
0x61: {  	_ =	shalt  }
0x62: {  	_ =	shalt  }
0x63: {  	_ =	shalt  }
0x64: {  	_ =	shalt  }
0x65: {  	_ =	shalt  }
0x66: {  	_ =	shalt  }
0x67: {  	_ =	shalt  }
0x68: {  	_ =	shalt  }
0x69: {  	_ =	shalt  }
0x6a: {  	_ =	shalt  }
0x6b: {  	_ =	shalt  }
0x6c: {  	_ =	shalt  }
0x6d: {  	_ =	shalt  }
0x6e: {  	_ =	shalt  }
0x6f: {  	_ =	shalt  }
0x70: {  	_ =	shalt  }
0x71: {  	_ =	shalt  }
0x72: {  	_ =	shalt  }
0x73: {  	_ =	shalt  }
0x74: {  	_ =	shalt  }
0x75: {  	_ =	shalt  }
0x76: {  	_ =	shalt  }
0x77: {  	_ =	shalt  }
0x78: {  	_ =	shalt  }
0x79: {  	_ =	shalt  }
0x7a: {  	_ =	shalt  }
0x7b: {  	_ =	shalt  }
0x7c: {  	_ =	shalt  }
0x7d: {  	_ =	shalt  }
0x7e: {  	_ =	shalt  }
0x7f: {  	_ =	shalt  }
0x80: {  	_ =	shalt  }
0x81: {  	_ =	shalt  }
0x82: {  	_ =	shalt  }
0x83: {  	_ =	shalt  }
0x84: {  	_ =	shalt  }
0x85: {  	_ =	shalt  }
0x86: {  	_ =	shalt  }
0x87: {  	_ =	shalt  }
.Lfunc_end0:
.L_simem_size_0:
called_computation_lowered:
.L_overlay_start_0:
0x88: {  	s2 =	sld [smem:$0x3FD9]  }
0x89: {  	s3 =	sld [smem:$0x3FFE];
	_ =	sdelay $0x1  }
0x8a: {  	s1 =	srdreg.scid  }
0x8b: {  	s0 =	sand.u32 $0x1, s1  }
0x8c: {  	s15 =	sshll.u32 s0, $0xA;
	s2 =	sadd.s32 s3, s2  }
0x8d: {  	s2 =	sadd.s32 s2, s15  }
0x8e: {  	[smem:$0x3FC2] =	sst s2  }
0x8f: {  	_ = 	snop  }
0x90: {  	s2 =	sld [smem:$0x3FD0];
	_ =	sdelay $0x2  }
0x91: {  	s16 =	simm.s32 $0xD;
	s4 =	simm.s32 $0x10  }
0x92: {  	[smem:s4], [sflag:s16] =	dma.local [hbm:s2], $0x1  }
0x93: {  	_ =	swait.eq [sflag:s16], $0x1  }
0x94: {  	[sflag:s16] =	ssyncset.done $0x0  }
0x95: {  	[sflag:s16] =	ssyncadd.s32 $0xFFFFFFFF  }
0x96: {  	s17 =	sld [smem:$0x10];
	(tm) =	ssettm $0x1  }
0x97: {  	s18 =	sld [smem:$0x3FFB];
	_ =	sdelay $0x3  }
0x98: {  	_ =	strace s18  }
0x99: {  	s2 =	sld [smem:$0x3FFC];
	_ =	sdelay $0x3  }
0x9a: {  	_ =	strace s2  }
0x9b: {  	s2 =	sld [smem:$0x3FFD];
	_ =	sdelay $0x3  }
0x9c: {  	_ =	strace s2  }
0x9d: {  	_ =	strace $0x8FFFFFFF  }
0x9e: {  	s19 =	sld [smem:$0x3FDB];
	_ =	sdelay $0x1  }
0x9f: {  	s20 =	simm.s32 $_scs_section_size  }
0xa0: {  	s5 =	simm.s32 $_size__tile_overlayer_lowered;
	s6 =	simm.s32 $_tile_overlayer_lowered  }
0xa1: {  	s7 =	simm.s32 $0x1BFF;
	s21 =	sshll.u32 s6, $0x1;
	s4 =	sadd.s32 s20, s19  }
0xa2: {  	s22 =	simm.s32 $0x0;
	s5 =	sshll.u32 s5, $0x1;
	s6 =	sadd.s32 s21, s4  }
0xa3: {  	[timem:s22], [sflag:s7] =	dma.local [hbm:s6], s5  }
0xa4: {  	_ =	swait.ge [sflag:s7], s5  }
0xa5: {  	s5 =	ssub.s32 $0x0, s5;
	[sflag:s7] =	ssyncset.done $0x0  }
0xa6: {  	[sflag:s7] =	ssyncadd.s32 s5;
	_ =	sdelay $0x1  }
0xa7: {  	s23 =	simm.s32 $0x1B8B  }
0xa8: {  	_ =	swait.ge [sflag:s23], $0x1  }
0xa9: {  	[sflag:s23] =	ssyncset.done $0x0  }
0xaa: {  	[sflag:s23] =	ssyncadd.s32 $0xFFFFFFFF  }
0xab: {  	s5 =	sld [smem:$0x0]  }
0xac: {  	s6 =	sand.u32 $0xFFFFFFFE, s1  }
0xad: {  	p0 =	sne.s32 s1, s6  }
0xae: {  	s6 =	sshll.u32 @p0 s6, $0xE  }
0xaf: {  	s6 =	sadd.s32 @p0 $0x11B8D, s6;
	s7 =	sshll.u32 @p0 s5, $0x11  }
0xb0: {  	s6 =	sor.u32 @p0 s7, s6  }
0xb1: {  	[sflag:s6] =	ssyncadd.remote.s32 @p0 $0x1;
	_ =	sdelay $0x1  }
0xb2: {  	s6 =	simm.s32 @p0 $0x1B8D  }
0xb3: {  	_ =	swait.eq @p0 [sflag:s6], $0x1  }
0xb4: {  	[sflag:s6] =	ssyncadd.s32 @p0 $0xFFFFFFFF  }
0xb5: {  	s7 =	sshll.u32 @!p0 s1, $0xE  }
0xb6: {  	s7 =	sor.u32 @!p0 $0x4000, s7;
	s6 =	simm.s32 @!p0 $0x1B8D  }
0xb7: {  	s5 =	sshll.u32 @!p0 s5, $0x11;
	s7 =	sadd.s32 @!p0 $0x11B8D, s7;
	_ =	swait.eq @!p0 [sflag:s6], $0x1  }
0xb8: {  	s5 =	sor.u32 @!p0 s5, s7;
	[sflag:s6] =	ssyncadd.s32 @!p0 $0xFFFFFFFF  }
0xb9: {  	s25 =	simm.s32 $0x1B8E;
	s24 =	sld [smem:$0x3FFE];
	[sflag:s5] =	ssyncadd.remote.s32 @!p0 $0x1  }
0xba: {  	s26 =	simm.s32 $execute0_lowered;
	[smem:$0x3FD2] =	sst s25  }
0xbb: {  	s6 =	sshll.u32 s26, $0x1;
	_ =	strace $0x80000049;
	[dreg:$0x1] =	wrdreg $0xFFFFFFFF  }
0xbc: {  	s28 =	simm.s32 $_size_execute0_lowered;
	s4 =	sadd.s32 s4, s6;
	[dreg:$0x0] =	wrdreg $0x0  }
0xbd: {  	s6 =	sshll.u32 s28, $0x1;
	[dreg:$0x2] =	wrdreg s4  }
0xbe: {  	[dreg:$0x3] =	wrdreg s6  }
0xbf: {  	[dreg:$0x4] =	wrdreg $0xC0  }
0xc0: {  	_ =	task [dreg:s22], $0x5FFFF  }
0xc1: {  	[dreg:$0x1] =	wrdreg $0xFFFFFFFF  }
0xc2: {  	[dreg:$0x0] =	wrdreg $0x60  }
0xc3: {  	[dreg:$0x2] =	wrdreg s24  }
0xc4: {  	[dreg:$0x3] =	wrdreg s17  }
0xc5: {  	[dreg:$0x4] =	wrdreg $0x9  }
0xc6: {  	_ =	task.clear_ibuf [dreg:s22], $0x5FFFF;
	_ =	strace $0x90000049  }
0xc7: {  	s29 =	simm.s32 $0x9;
	_ =	strace $0x8000004B  }
0xc8: {  	_ =	swait.ge [sflag:s29], $0x1  }
0xc9: {  	[sflag:s29] =	ssyncadd.s32 $0xFFFFFFFF  }
0xca: {  	_ =	strace $0x9000004B  }
0xcb: {  	_ =	sfence  }
0xcc: {  	s30 =	sld [smem:$0x0];
	_ =	sdelay $0x2  }
0xcd: {  	s31 =	sshll.u32 s1, $0xD;
	s1 =	sshrl.u32 s1, $0x2  }
0xce: {  	s4 =	sand.u32 $0x4000, s31;
	s1 =	sadd.s32 s1, s30  }
0xcf: {  	s0 =	sor.u32 s4, s0;
	s1 =	sshll.u32 s1, $0x11  }
0xd0: {  	s0 =	sor.u32 s1, s0  }
0xd1: {  	s0 =	sadd.s32 $0x8F2B, s0  }
0xd2: {  	[sflag:s0] =	ssyncadd.remote.s32 $0x1  }
0xd3: {  	_ =	sfence.sel $0xFFFF  }
0xd4: {  	[dreg:$0x0] =	wrdreg $0xFFFFFFFF;
	(pc) =	sbr.abs _section_cstart, $3  }
0xd5: {  	[dreg:$0x1] =	wrdreg $0xFFFFFFFF  }
0xd6: {  	_ =	task.clear_ibuf [dreg:s22], $0x2FFFF;
	_ =	strace $0x9FFFFFFF  }
0xd7: {  	(tm) =	ssettm $0x7FFFFFFF  }
tec
execute0_lowered:
.L_overlay_start_1:
0x0: {  	(tag) =	ssettag $0x1  }
0x1: {  	s0 =	srdreg.scid;
	s6 =	rddreg [dreg:$0x0]  }
0x2: {  	s1 =	stileid.u32;
	s4 =	rddreg [dreg:$0x1];
	s2 =	simm.s32 $0x0  }
0x3: {  	s12 =	simm.s32 $0x1100;
	s13 =	simm.s32 $0x1900;
	s14 =	simm.s32 $0x2100  }
0x4: {  	s15 =	simm.s32 $0x2900;
	s16 =	simm.s32 $0x3100;
	s17 =	simm.s32 $0x3900  }
0x5: {  	s18 =	simm.s32 $0x4100;
	s19 =	simm.s32 $0x4900;
	s20 =	simm.s32 $0x5100  }
0x6: {  	s21 =	simm.s32 $0x5900;
	s0 =	sand.u32 $0x1, s0;
	s1 =	sshll.u32 s1, $0x1  }
0x7: {  	s9 =	simm.s32 $0x6100;
	s28 =	simm.s32 $0x8100;
	s1 =	sor.u32 s0, s1  }
0x8: {  	s29 =	simm.s32 $0x8900;
	s30 =	simm.s32 $0x9100;
	s1 =	smul.u32 $0xA0, s1  }
0x9: {  	s31 =	simm.s32 $0x9900;
	s11 =	simm.s32 $0xA900;
	s8 =	simm.s32 $0xB100  }
0xa: {  	s10 =	simm.s32 $0xB900;
	[smem:$0x7FF] =	sst s2;
	s1 =	sshrl.u32 s1, $0x3  }
0xb: {  	s3 =	sadd.s32 $0x3000, s6;
	s5 =	smul.u32 $0x300, s1;
	s1 =	sadd.s32 s1, s6  }
0xc: {  	_ =	strace $0x8000004A;
	s0 =	ssub.s32 $0x2, s0;
	s1 =	sadd.s32 $0x123400, s1  }
0xd: {  	s23 =	sshrl.u32 s0, $0x1;
	s4 =	sadd.s32 s4, s5;
	[dreg:$0x3] =	wrdreg s1  }
0xe: {  	s0 =	ssub.s32 s0, s23;
	s22 =	sadd.s32 $0xC00, s4;
	[dreg:$0x8] =	wrdreg s4  }
0xf: {  	s23 =	simm.s32 $0x2;
	s24 =	sadd.s32 $0x1800, s4;
	[dreg:$0x4] =	wrdreg s22  }
0x10: {  	s7 =	smax.u32 s0, $0x1;
	s25 =	sadd.s32 $0x2400, s4;
	[dreg:$0x5] =	wrdreg s24  }
0x11: {  	v2 =	vlaneseq.u32;
	s5 =	sadd.s32 $0x3100, s6;
	s26 =	sadd.s32 $0x3000, s4;
	[dreg:$0x6] =	wrdreg s25  }
0x12: {  	vm0 =	vmmov $0xffff;
	v1 =	vshrl.u32 v2, $0x3;
	s6 =	sadd.s32 $0x3200, s6;
	s4 =	simm.s32 $0x7100;
	[dreg:$0x7] =	wrdreg s26  }
0x13: {  	v0 =	vand.u32 $0x7, v2;
	v2 =	vor.u32 $0x8, v2;
	v1 =	vmul.u32 $0x8, v1;
	s22 =	simm.s32 $0x1;
	s25 =	simm.s32 $0x6900;
	s26 =	simm.s32 $0x7900  }
.LBB2_1:
0x14: {  	s24 =	rddreg [dreg:$0x3];
	s0 =	simm.s32 $0x3  }
0x15: {  	[tilespmem:s2], [sflag:$0x3] =	stream.linear.gather [hbm4b:s24+s2], $0xA0, $0x38;
	[tilespmem:$0xC100] =	vst v63  }
0x16: {  	_ =	swait.ge [sflag:s0], $0xA0  }
0x17: {  	[sflag:s0] =	ssyncset.done $0x0  }
0x18: {  	[sflag:s0] =	ssyncadd.s32 $0xFFFFFF60  }
0x19: {  	v3 =	vld [tilespmem:$0x0];
	_ =	sdelay $0x4  }
0x1a: {  	v4 =	vshrl.u32 v3, $0x3  }
0x1b: {  	v4 =	vmul.u32 $0x30, v4  }
0x1c: {  	v3 =	vand.u32 $0x7, v3  }
0x1d: {  	v3 =	vor.u32 v3, v4  }
0x1e: {  	v4 =	vperm.xlane v3, v0;
	_ =	sdelay $0x1  }
0x1f: {  	v4 =	vadd.s32 v1, v4;
	_ =	sdelay $0x3  }
0x20: {  	s0 =	simm.s32 $0x100;
	v3 =	vperm.xlane v3, v2  }
0x21: {  	[tilespmem:s0], [sflag:$0x1] =	stream.indirect_vreg.gather [hbm4b:s3+s2], $0x80, v4, vm0, $0xb8;
	[tilespmem:$0xC100] =	vst v63  }
0x22: {  	s1 =	simm.s32 $0x900;
	v3 =	vadd.s32 v1, v3  }
0x23: {  	[tilespmem:s1], [sflag:$0x1] =	stream.indirect_vreg.gather [hbm4b:s5+s2], $0x80, v4, vm0, $0xb8;
	[tilespmem:$0xC100] =	vst v63  }
0x24: {  	_ = 	snop  }
0x25: {  	[tilespmem:s12], [sflag:$0x1] =	stream.indirect_vreg.gather [hbm4b:s6+s2], $0x80, v4, vm0, $0xb8;
	[tilespmem:$0xC100] =	vst v63  }
0x26: {  	_ = 	snop  }
0x27: {  	[tilespmem:s13], [sflag:$0x1] =	stream.indirect_vreg.gather [hbm4b:s3+s2], $0x80, v3, vm0, $0xb8;
	[tilespmem:$0xC100] =	vst v63  }
0x28: {  	_ = 	snop  }
0x29: {  	[tilespmem:s14], [sflag:$0x1] =	stream.indirect_vreg.gather [hbm4b:s5+s2], $0x80, v3, vm0, $0xb8;
	[tilespmem:$0xC100] =	vst v63  }
0x2a: {  	_ = 	snop  }
0x2b: {  	[tilespmem:s15], [sflag:$0x1] =	stream.indirect_vreg.gather [hbm4b:s6+s2], $0x80, v3, vm0, $0xb8;
	[tilespmem:$0xC100] =	vst v63  }
0x2c: {  	v3 =	vld [tilespmem:$0x10];
	_ =	sdelay $0x4  }
0x2d: {  	v55 =	vshrl.u32 v3, $0x3  }
0x2e: {  	v4 =	vmul.u32 $0x30, v55  }
0x2f: {  	v3 =	vand.u32 $0x7, v3  }
0x30: {  	v3 =	vor.u32 v3, v4  }
0x31: {  	v4 =	vperm.xlane v3, v0;
	_ =	sdelay $0x1  }
0x32: {  	v4 =	vadd.s32 v1, v4;
	_ =	sdelay $0x3  }
0x33: {  	v3 =	vperm.xlane v3, v2  }
0x34: {  	[tilespmem:s16], [sflag:$0x1] =	stream.indirect_vreg.gather [hbm4b:s3+s2], $0x80, v4, vm0, $0xb8;
	[tilespmem:$0xC100] =	vst v63  }
0x35: {  	v3 =	vadd.s32 v1, v3  }
0x36: {  	[tilespmem:s17], [sflag:$0x1] =	stream.indirect_vreg.gather [hbm4b:s5+s2], $0x80, v4, vm0, $0xb8;
	[tilespmem:$0xC100] =	vst v63  }
0x37: {  	_ = 	snop  }
0x38: {  	[tilespmem:s18], [sflag:$0x1] =	stream.indirect_vreg.gather [hbm4b:s6+s2], $0x80, v4, vm0, $0xb8;
	[tilespmem:$0xC100] =	vst v63  }
0x39: {  	_ = 	snop  }
0x3a: {  	[tilespmem:s19], [sflag:$0x1] =	stream.indirect_vreg.gather [hbm4b:s3+s2], $0x80, v3, vm0, $0xb8;
	[tilespmem:$0xC100] =	vst v63  }
0x3b: {  	_ = 	snop  }
0x3c: {  	[tilespmem:s20], [sflag:$0x1] =	stream.indirect_vreg.gather [hbm4b:s5+s2], $0x80, v3, vm0, $0xb8;
	[tilespmem:$0xC100] =	vst v63  }
0x3d: {  	_ = 	snop  }
0x3e: {  	[tilespmem:s21], [sflag:$0x1] =	stream.indirect_vreg.gather [hbm4b:s6+s2], $0x80, v3, vm0, $0xb8;
	[tilespmem:$0xC100] =	vst v63  }
0x3f: {  	v3 =	vld [tilespmem:$0x20];
	_ =	sdelay $0x4  }
0x40: {  	v56 =	vshrl.u32 v3, $0x3  }
0x41: {  	v4 =	vmul.u32 $0x30, v56  }
0x42: {  	v3 =	vand.u32 $0x7, v3  }
0x43: {  	v3 =	vor.u32 v3, v4  }
0x44: {  	v4 =	vperm.xlane v3, v0;
	_ =	sdelay $0x1  }
0x45: {  	v4 =	vadd.s32 v1, v4;
	_ =	sdelay $0x3  }
0x46: {  	v3 =	vperm.xlane v3, v2  }
0x47: {  	[tilespmem:s9], [sflag:$0x1] =	stream.indirect_vreg.gather [hbm4b:s3+s2], $0x80, v4, vm0, $0xb8;
	[tilespmem:$0xC100] =	vst v63  }
0x48: {  	v3 =	vadd.s32 v1, v3  }
0x49: {  	[tilespmem:s25], [sflag:$0x1] =	stream.indirect_vreg.gather [hbm4b:s5+s2], $0x80, v4, vm0, $0xb8;
	[tilespmem:$0xC100] =	vst v63  }
0x4a: {  	_ = 	snop  }
0x4b: {  	[tilespmem:s4], [sflag:$0x1] =	stream.indirect_vreg.gather [hbm4b:s6+s2], $0x80, v4, vm0, $0xb8;
	[tilespmem:$0xC100] =	vst v63  }
0x4c: {  	_ = 	snop  }
0x4d: {  	[tilespmem:s26], [sflag:$0x1] =	stream.indirect_vreg.gather [hbm4b:s3+s2], $0x80, v3, vm0, $0xb8;
	[tilespmem:$0xC100] =	vst v63  }
0x4e: {  	_ = 	snop  }
0x4f: {  	[tilespmem:s28], [sflag:$0x1] =	stream.indirect_vreg.gather [hbm4b:s5+s2], $0x80, v3, vm0, $0xb8;
	[tilespmem:$0xC100] =	vst v63  }
0x50: {  	_ = 	snop  }
0x51: {  	[tilespmem:s29], [sflag:$0x1] =	stream.indirect_vreg.gather [hbm4b:s6+s2], $0x80, v3, vm0, $0xb8;
	[tilespmem:$0xC100] =	vst v63  }
0x52: {  	v3 =	vld [tilespmem:$0x30];
	_ =	sdelay $0x4  }
0x53: {  	v57 =	vshrl.u32 v3, $0x3  }
0x54: {  	v4 =	vmul.u32 $0x30, v57  }
0x55: {  	v3 =	vand.u32 $0x7, v3  }
0x56: {  	v3 =	vor.u32 v3, v4  }
0x57: {  	v4 =	vperm.xlane v3, v0;
	_ =	sdelay $0x1  }
0x58: {  	v4 =	vadd.s32 v1, v4;
	_ =	sdelay $0x3  }
0x59: {  	v3 =	vperm.xlane v3, v2  }
0x5a: {  	[tilespmem:s30], [sflag:$0x1] =	stream.indirect_vreg.gather [hbm4b:s3+s2], $0x80, v4, vm0, $0xb8;
	[tilespmem:$0xC100] =	vst v63  }
0x5b: {  	v3 =	vadd.s32 v1, v3  }
0x5c: {  	[tilespmem:s31], [sflag:$0x1] =	stream.indirect_vreg.gather [hbm4b:s5+s2], $0x80, v4, vm0, $0xb8;
	[tilespmem:$0xC100] =	vst v63  }
0x5d: {  	s1 =	simm.s32 $0xA100  }
0x5e: {  	[tilespmem:s1], [sflag:$0x1] =	stream.indirect_vreg.gather [hbm4b:s6+s2], $0x80, v4, vm0, $0xb8;
	[tilespmem:$0xC100] =	vst v63  }
0x5f: {  	_ = 	snop  }
0x60: {  	[tilespmem:s11], [sflag:$0x1] =	stream.indirect_vreg.gather [hbm4b:s3+s2], $0x80, v3, vm0, $0xb8;
	[tilespmem:$0xC100] =	vst v63  }
0x61: {  	_ = 	snop  }
0x62: {  	[tilespmem:s8], [sflag:$0x1] =	stream.indirect_vreg.gather [hbm4b:s5+s2], $0x80, v3, vm0, $0xb8;
	[tilespmem:$0xC100] =	vst v63  }
0x63: {  	_ = 	snop  }
0x64: {  	[tilespmem:s10], [sflag:$0x1] =	stream.indirect_vreg.gather [hbm4b:s6+s2], $0x80, v3, vm0, $0xb8;
	[tilespmem:$0xC100] =	vst v63  }
0x65: {  	_ =	swait.ge [sflag:s22], $0x6000  }
0x66: {  	[sflag:s22] =	ssyncset.done $0x0  }
0x67: {  	s24 =	rddreg [dreg:$0x8];
	[sflag:s22] =	ssyncadd.s32 $0xFFFFA000  }
0x68: {  	[hbm4b:s24+s2] =	stream.linear.scatter [tilespmem:s0], [sflag:$0x2], $0x6000, $0x38;
	[tilespmem:$0xC100] =	vst v63  }
0x69: {  	_ =	swait.ge [sflag:s23], $0x6000  }
0x6a: {  	[sflag:s23] =	ssyncset.done $0x0  }
0x6b: {  	[sflag:s23] =	ssyncadd.s32 $0xFFFFA000  }
0x6c: {  	v3 =	vld [tilespmem:$0x40];
	_ =	sdelay $0x4  }
0x6d: {  	v58 =	vshrl.u32 v3, $0x3  }
0x6e: {  	v4 =	vmul.u32 $0x30, v58  }
0x6f: {  	v3 =	vand.u32 $0x7, v3  }
0x70: {  	v3 =	vor.u32 v3, v4  }
0x71: {  	v4 =	vperm.xlane v3, v0;
	_ =	sdelay $0x1  }
0x72: {  	v4 =	vadd.s32 v1, v4;
	_ =	sdelay $0x3  }
0x73: {  	v3 =	vperm.xlane v3, v2  }
0x74: {  	[tilespmem:s0], [sflag:$0x1] =	stream.indirect_vreg.gather [hbm4b:s3+s2], $0x80, v4, vm0, $0xb8;
	[tilespmem:$0xC100] =	vst v63  }
0x75: {  	s24 =	simm.s32 $0x900;
	v3 =	vadd.s32 v1, v3  }
0x76: {  	[tilespmem:s24], [sflag:$0x1] =	stream.indirect_vreg.gather [hbm4b:s5+s2], $0x80, v4, vm0, $0xb8;
	[tilespmem:$0xC100] =	vst v63  }
0x77: {  	_ = 	snop  }
0x78: {  	[tilespmem:s12], [sflag:$0x1] =	stream.indirect_vreg.gather [hbm4b:s6+s2], $0x80, v4, vm0, $0xb8;
	[tilespmem:$0xC100] =	vst v63  }
0x79: {  	_ = 	snop  }
0x7a: {  	[tilespmem:s13], [sflag:$0x1] =	stream.indirect_vreg.gather [hbm4b:s3+s2], $0x80, v3, vm0, $0xb8;
	[tilespmem:$0xC100] =	vst v63  }
0x7b: {  	_ = 	snop  }
0x7c: {  	[tilespmem:s14], [sflag:$0x1] =	stream.indirect_vreg.gather [hbm4b:s5+s2], $0x80, v3, vm0, $0xb8;
	[tilespmem:$0xC100] =	vst v63  }
0x7d: {  	_ = 	snop  }
0x7e: {  	[tilespmem:s15], [sflag:$0x1] =	stream.indirect_vreg.gather [hbm4b:s6+s2], $0x80, v3, vm0, $0xb8;
	[tilespmem:$0xC100] =	vst v63  }
0x7f: {  	v3 =	vld [tilespmem:$0x50];
	_ =	sdelay $0x4  }
0x80: {  	v59 =	vshrl.u32 v3, $0x3  }
0x81: {  	v4 =	vmul.u32 $0x30, v59  }
0x82: {  	v3 =	vand.u32 $0x7, v3  }
0x83: {  	v3 =	vor.u32 v3, v4  }
0x84: {  	v4 =	vperm.xlane v3, v0;
	_ =	sdelay $0x1  }
0x85: {  	v4 =	vadd.s32 v1, v4;
	_ =	sdelay $0x3  }
0x86: {  	v3 =	vperm.xlane v3, v2  }
0x87: {  	[tilespmem:s16], [sflag:$0x1] =	stream.indirect_vreg.gather [hbm4b:s3+s2], $0x80, v4, vm0, $0xb8;
	[tilespmem:$0xC100] =	vst v63  }
0x88: {  	v3 =	vadd.s32 v1, v3  }
0x89: {  	[tilespmem:s17], [sflag:$0x1] =	stream.indirect_vreg.gather [hbm4b:s5+s2], $0x80, v4, vm0, $0xb8;
	[tilespmem:$0xC100] =	vst v63  }
0x8a: {  	_ = 	snop  }
0x8b: {  	[tilespmem:s18], [sflag:$0x1] =	stream.indirect_vreg.gather [hbm4b:s6+s2], $0x80, v4, vm0, $0xb8;
	[tilespmem:$0xC100] =	vst v63  }
0x8c: {  	_ = 	snop  }
0x8d: {  	[tilespmem:s19], [sflag:$0x1] =	stream.indirect_vreg.gather [hbm4b:s3+s2], $0x80, v3, vm0, $0xb8;
	[tilespmem:$0xC100] =	vst v63  }
0x8e: {  	_ = 	snop  }
0x8f: {  	[tilespmem:s20], [sflag:$0x1] =	stream.indirect_vreg.gather [hbm4b:s5+s2], $0x80, v3, vm0, $0xb8;
	[tilespmem:$0xC100] =	vst v63  }
0x90: {  	_ = 	snop  }
0x91: {  	[tilespmem:s21], [sflag:$0x1] =	stream.indirect_vreg.gather [hbm4b:s6+s2], $0x80, v3, vm0, $0xb8;
	[tilespmem:$0xC100] =	vst v63  }
0x92: {  	_ =	swait.ge [sflag:s22], $0x6000  }
0x93: {  	[sflag:s22] =	ssyncset.done $0x0  }
0x94: {  	s24 =	rddreg [dreg:$0x4];
	[sflag:s22] =	ssyncadd.s32 $0xFFFFA000  }
0x95: {  	[hbm4b:s24+s2] =	stream.linear.scatter [tilespmem:s9], [sflag:$0x2], $0x6000, $0x38;
	[tilespmem:$0xC100] =	vst v63  }
0x96: {  	_ =	swait.ge [sflag:s23], $0x6000  }
0x97: {  	[sflag:s23] =	ssyncset.done $0x0  }
0x98: {  	[sflag:s23] =	ssyncadd.s32 $0xFFFFA000  }
0x99: {  	v3 =	vld [tilespmem:$0x60];
	_ =	sdelay $0x4  }
0x9a: {  	v60 =	vshrl.u32 v3, $0x3  }
0x9b: {  	v4 =	vmul.u32 $0x30, v60  }
0x9c: {  	v3 =	vand.u32 $0x7, v3  }
0x9d: {  	v3 =	vor.u32 v3, v4  }
0x9e: {  	v4 =	vperm.xlane v3, v0;
	_ =	sdelay $0x1  }
0x9f: {  	v4 =	vadd.s32 v1, v4;
	_ =	sdelay $0x3  }
0xa0: {  	v3 =	vperm.xlane v3, v2  }
0xa1: {  	[tilespmem:s9], [sflag:$0x1] =	stream.indirect_vreg.gather [hbm4b:s3+s2], $0x80, v4, vm0, $0xb8;
	[tilespmem:$0xC100] =	vst v63  }
0xa2: {  	v3 =	vadd.s32 v1, v3  }
0xa3: {  	[tilespmem:s25], [sflag:$0x1] =	stream.indirect_vreg.gather [hbm4b:s5+s2], $0x80, v4, vm0, $0xb8;
	[tilespmem:$0xC100] =	vst v63  }
0xa4: {  	_ = 	snop  }
0xa5: {  	[tilespmem:s4], [sflag:$0x1] =	stream.indirect_vreg.gather [hbm4b:s6+s2], $0x80, v4, vm0, $0xb8;
	[tilespmem:$0xC100] =	vst v63  }
0xa6: {  	_ = 	snop  }
0xa7: {  	[tilespmem:s26], [sflag:$0x1] =	stream.indirect_vreg.gather [hbm4b:s3+s2], $0x80, v3, vm0, $0xb8;
	[tilespmem:$0xC100] =	vst v63  }
0xa8: {  	_ = 	snop  }
0xa9: {  	[tilespmem:s28], [sflag:$0x1] =	stream.indirect_vreg.gather [hbm4b:s5+s2], $0x80, v3, vm0, $0xb8;
	[tilespmem:$0xC100] =	vst v63  }
0xaa: {  	_ = 	snop  }
0xab: {  	[tilespmem:s29], [sflag:$0x1] =	stream.indirect_vreg.gather [hbm4b:s6+s2], $0x80, v3, vm0, $0xb8;
	[tilespmem:$0xC100] =	vst v63  }
0xac: {  	v3 =	vld [tilespmem:$0x70];
	_ =	sdelay $0x4  }
0xad: {  	v61 =	vshrl.u32 v3, $0x3  }
0xae: {  	v4 =	vmul.u32 $0x30, v61  }
0xaf: {  	v3 =	vand.u32 $0x7, v3  }
0xb0: {  	v3 =	vor.u32 v3, v4  }
0xb1: {  	v4 =	vperm.xlane v3, v0;
	_ =	sdelay $0x1  }
0xb2: {  	v4 =	vadd.s32 v1, v4;
	_ =	sdelay $0x3  }
0xb3: {  	v3 =	vperm.xlane v3, v2  }
0xb4: {  	[tilespmem:s30], [sflag:$0x1] =	stream.indirect_vreg.gather [hbm4b:s3+s2], $0x80, v4, vm0, $0xb8;
	[tilespmem:$0xC100] =	vst v63  }
0xb5: {  	v3 =	vadd.s32 v1, v3  }
0xb6: {  	[tilespmem:s31], [sflag:$0x1] =	stream.indirect_vreg.gather [hbm4b:s5+s2], $0x80, v4, vm0, $0xb8;
	[tilespmem:$0xC100] =	vst v63  }
0xb7: {  	_ = 	snop  }
0xb8: {  	[tilespmem:s1], [sflag:$0x1] =	stream.indirect_vreg.gather [hbm4b:s6+s2], $0x80, v4, vm0, $0xb8;
	[tilespmem:$0xC100] =	vst v63  }
0xb9: {  	_ = 	snop  }
0xba: {  	[tilespmem:s11], [sflag:$0x1] =	stream.indirect_vreg.gather [hbm4b:s3+s2], $0x80, v3, vm0, $0xb8;
	[tilespmem:$0xC100] =	vst v63  }
0xbb: {  	_ = 	snop  }
0xbc: {  	[tilespmem:s8], [sflag:$0x1] =	stream.indirect_vreg.gather [hbm4b:s5+s2], $0x80, v3, vm0, $0xb8;
	[tilespmem:$0xC100] =	vst v63  }
0xbd: {  	_ = 	snop  }
0xbe: {  	[tilespmem:s10], [sflag:$0x1] =	stream.indirect_vreg.gather [hbm4b:s6+s2], $0x80, v3, vm0, $0xb8;
	[tilespmem:$0xC100] =	vst v63  }
0xbf: {  	_ =	swait.ge [sflag:s22], $0x6000  }
0xc0: {  	[sflag:s22] =	ssyncset.done $0x0  }
0xc1: {  	s1 =	rddreg [dreg:$0x5];
	[sflag:s22] =	ssyncadd.s32 $0xFFFFA000  }
0xc2: {  	[hbm4b:s1+s2] =	stream.linear.scatter [tilespmem:s0], [sflag:$0x2], $0x6000, $0x38;
	[tilespmem:$0xC100] =	vst v63  }
0xc3: {  	_ =	swait.ge [sflag:s23], $0x6000  }
0xc4: {  	[sflag:s23] =	ssyncset.done $0x0  }
0xc5: {  	[sflag:s23] =	ssyncadd.s32 $0xFFFFA000  }
0xc6: {  	v3 =	vld [tilespmem:$0x80];
	_ =	sdelay $0x4  }
0xc7: {  	v62 =	vshrl.u32 v3, $0x3  }
0xc8: {  	v4 =	vmul.u32 $0x30, v62  }
0xc9: {  	v3 =	vand.u32 $0x7, v3  }
0xca: {  	v3 =	vor.u32 v3, v4  }
0xcb: {  	v4 =	vperm.xlane v3, v0;
	_ =	sdelay $0x1  }
0xcc: {  	v4 =	vadd.s32 v1, v4;
	_ =	sdelay $0x3  }
0xcd: {  	v3 =	vperm.xlane v3, v2  }
0xce: {  	[tilespmem:s0], [sflag:$0x1] =	stream.indirect_vreg.gather [hbm4b:s3+s2], $0x80, v4, vm0, $0xb8;
	[tilespmem:$0xC100] =	vst v63  }
0xcf: {  	s24 =	simm.s32 $0x900;
	v3 =	vadd.s32 v1, v3  }
0xd0: {  	[tilespmem:s24], [sflag:$0x1] =	stream.indirect_vreg.gather [hbm4b:s5+s2], $0x80, v4, vm0, $0xb8;
	[tilespmem:$0xC100] =	vst v63  }
0xd1: {  	_ = 	snop  }
0xd2: {  	[tilespmem:s12], [sflag:$0x1] =	stream.indirect_vreg.gather [hbm4b:s6+s2], $0x80, v4, vm0, $0xb8;
	[tilespmem:$0xC100] =	vst v63  }
0xd3: {  	_ = 	snop  }
0xd4: {  	[tilespmem:s13], [sflag:$0x1] =	stream.indirect_vreg.gather [hbm4b:s3+s2], $0x80, v3, vm0, $0xb8;
	[tilespmem:$0xC100] =	vst v63  }
0xd5: {  	_ = 	snop  }
0xd6: {  	[tilespmem:s14], [sflag:$0x1] =	stream.indirect_vreg.gather [hbm4b:s5+s2], $0x80, v3, vm0, $0xb8;
	[tilespmem:$0xC100] =	vst v63  }
0xd7: {  	_ = 	snop  }
0xd8: {  	[tilespmem:s15], [sflag:$0x1] =	stream.indirect_vreg.gather [hbm4b:s6+s2], $0x80, v3, vm0, $0xb8;
	[tilespmem:$0xC100] =	vst v63  }
0xd9: {  	v3 =	vld [tilespmem:$0x90];
	_ =	sdelay $0x4  }
0xda: {  	v63 =	vshrl.u32 v3, $0x3  }
0xdb: {  	v4 =	vmul.u32 $0x30, v63  }
0xdc: {  	v3 =	vand.u32 $0x7, v3  }
0xdd: {  	v3 =	vor.u32 v3, v4  }
0xde: {  	v4 =	vperm.xlane v3, v0;
	_ =	sdelay $0x1  }
0xdf: {  	v4 =	vadd.s32 v1, v4;
	_ =	sdelay $0x3  }
0xe0: {  	v3 =	vperm.xlane v3, v2  }
0xe1: {  	[tilespmem:s16], [sflag:$0x1] =	stream.indirect_vreg.gather [hbm4b:s3+s2], $0x80, v4, vm0, $0xb8;
	[tilespmem:$0xC100] =	vst v63  }
0xe2: {  	v3 =	vadd.s32 v1, v3  }
0xe3: {  	[tilespmem:s17], [sflag:$0x1] =	stream.indirect_vreg.gather [hbm4b:s5+s2], $0x80, v4, vm0, $0xb8;
	[tilespmem:$0xC100] =	vst v63  }
0xe4: {  	_ = 	snop  }
0xe5: {  	[tilespmem:s18], [sflag:$0x1] =	stream.indirect_vreg.gather [hbm4b:s6+s2], $0x80, v4, vm0, $0xb8;
	[tilespmem:$0xC100] =	vst v63  }
0xe6: {  	_ = 	snop  }
0xe7: {  	[tilespmem:s19], [sflag:$0x1] =	stream.indirect_vreg.gather [hbm4b:s3+s2], $0x80, v3, vm0, $0xb8;
	[tilespmem:$0xC100] =	vst v63  }
0xe8: {  	_ = 	snop  }
0xe9: {  	[tilespmem:s20], [sflag:$0x1] =	stream.indirect_vreg.gather [hbm4b:s5+s2], $0x80, v3, vm0, $0xb8;
	[tilespmem:$0xC100] =	vst v63  }
0xea: {  	_ = 	snop  }
0xeb: {  	[tilespmem:s21], [sflag:$0x1] =	stream.indirect_vreg.gather [hbm4b:s6+s2], $0x80, v3, vm0, $0xb8;
	[tilespmem:$0xC100] =	vst v63  }
0xec: {  	_ =	swait.ge [sflag:s22], $0x6000  }
0xed: {  	[sflag:s22] =	ssyncset.done $0x0  }
0xee: {  	s1 =	rddreg [dreg:$0x6];
	[sflag:s22] =	ssyncadd.s32 $0xFFFFA000  }
0xef: {  	[hbm4b:s1+s2] =	stream.linear.scatter [tilespmem:s9], [sflag:$0x2], $0x6000, $0x38;
	[tilespmem:$0xC100] =	vst v63  }
0xf0: {  	_ =	swait.ge [sflag:s22], $0x6000  }
0xf1: {  	[sflag:s22] =	ssyncset.done $0x0  }
0xf2: {  	s1 =	rddreg [dreg:$0x7];
	[sflag:s22] =	ssyncadd.s32 $0xFFFFA000  }
0xf3: {  	[hbm4b:s1+s2] =	stream.linear.scatter [tilespmem:s0], [sflag:$0x2], $0x6000, $0x38;
	[tilespmem:$0xC100] =	vst v63  }
0xf4: {  	p0 =	sne.s32 s7, $0x1;
	_ =	swait.ge [sflag:s23], $0x6000  }
.Ltmp0:
0xf5: {  	[sflag:s23] =	ssyncset.done $0x0;
	(pc) =	sbr.rel @p0 .LBB2_1-.Ltmp0, $4  }
0xf6: {  	[sflag:s23] =	ssyncadd.s32 $0xFFFFA000  }
0xf7: {  	_ =	swait.ge [sflag:s23], $0x6000  }
0xf8: {  	[sflag:s23] =	ssyncset.done $0x0  }
0xf9: {  	s7 =	sadd.s32 $0xFFFFFFFF, s7;
	[sflag:s23] =	ssyncadd.s32 $0xFFFFA000  }
0xfa: {  	_ =	sfence.sel $0x180000  }
0xfb: {  	[bflag:$0x0] =	sbarrier.arrive $0xFFFF  }
0xfc: {  	_ =	strace $0x9000004A  }
0xfd: {  	s0 =	stileid.u32;
	[bflag:$0x2] =	sbarrier.arrive $0xFFFF  }
0xfe: {  	p0 =	sne.s32 s0, $0x0;
	s0 =	rddreg [dreg:$0x2]  }
0xff: {  	s0 =	sadd.s32 @!p0 $0x100000, s0  }
0x100: {  	[sflag:s0] =	ssyncadd.tile.s32 @!p0 $0x1;
	_ =	shalt  }
.Lfunc_end2:
_tile_overlayer_lowered:
.L_overlay_start_2:
0x101: {  	(tag) =	ssettag $0x2  }
0x102: {  	s0 =	rddreg [dreg:$0x0];
	s2 =	stileid.u32  }
0x103: {  	s1 =	rddreg [dreg:$0x1];
	p0 =	sne.s32 s2, $0x0  }
0x104: {  	s3 =	rddreg [dreg:$0x2];
	[bflag:$0x3] =	sbarrier.arrive $0xFFFF;
	s2 =	simm.s32 @!p0 $0x1C03  }
0x105: {  	[timem:s3], [sflag:s2] =	dma.local @!p0 [hbm:s0], s1  }
0x106: {  	s0 =	simm.s32 @!p0 $0x3  }
0x107: {  	_ =	swait.ge @!p0 [sflag:s0], s1  }
0x108: {  	s1 =	ssub.s32 @!p0 $0x0, s1;
	[sflag:s0] =	ssyncset.done @!p0 $0x0  }
0x109: {  	[sflag:s0] =	ssyncadd.s32 @!p0 s1  }
0x10a: {  	[bflag:$0x3] =	sbarrier.arrive $0xFFFF  }
0x10b: {  	_ =	shalt  }

// kernel: kernel.15.cloned.1.call-start
scs
__scs_entry_jumppad:
0x0: {  	(pc) =	sbr.rel $0x88, $3  }
0x1: {  	(tag) =	ssettag $0x0;
	lr =	simm.s32 $0x1  }
0x2: {  	[smem:$0x3F9B] =	sst lr;
	_ =	strace $0xD0000000  }
0x3: {  	_ = 	snop  }
0x4: {  	_ = 	snop  }
0x5: {  	_ = 	snop  }
0x6: {  	_ = 	snop  }
0x7: {  	_ = 	snop  }
__scs_overlays_trampoline_lowered:
0x8: {  	[smem:$0x3FAA] =	sst s0  }
0x9: {  	[smem:$0x3FAB] =	sst s1  }
0xa: {  	[smem:$0x3FAC] =	sst s2  }
0xb: {  	[smem:$0x3FAD] =	sst s3  }
0xc: {  	[smem:$0x3FAE] =	sst s4  }
0xd: {  	[smem:$0x3FAF] =	sst s5  }
0xe: {  	[smem:$0x3FB0] =	sst s6  }
0xf: {  	[smem:$0x3FB1] =	sst s7  }
0x10: {  	[smem:$0x3FB2] =	sst s8  }
0x11: {  	[smem:$0x3FB3] =	sst s9;
	s0 =	simm.s32 @!p0 $0x0  }
0x12: {  	s1 =	sld [smem:$0x3F99];
	s0 =	simm.s32 @p0 $0x1  }
0x13: {  	[smem:$0x3FB4] =	sst s0;
	s0 =	simm.s32 @!p1 $0x0  }
0x14: {  	s2 =	sld [smem:$0x3F98];
	s0 =	simm.s32 @p1 $0x1  }
0x15: {  	[smem:$0x3FB5] =	sst s0;
	s0 =	simm.s32 @!p2 $0x0  }
0x16: {  	s3 =	sld [smem:$0x3FDB];
	s0 =	simm.s32 @p2 $0x1  }
0x17: {  	s4 =	simm.s32 $0x1BF5;
	[smem:$0x3FB7] =	sst s0  }
0x18: {  	s0 =	sld [smem:$0x3F9A];
	_ =	swait.ge [sflag:s4], $0x0  }
0x19: {  	s7 =	sld [smem:$0x3F9B]  }
0x1a: {  	s8 =	sadd.s32 $0xFFFFE003, lr  }
0x1b: {  	s9 =	sadd.s32 $0xFFFFFEF7, lr;
	s5 =	simm.s32 $0xFFFFFFFF;
	p2 =	slt.u32 s8, $0xFFFFF086  }
0x1c: {  	p1 =	slt.u32 s9, $0xF7A;
	s5 =	simm.s32 @!p2 $0x0  }
0x1d: {  	s5 =	simm.s32 @p1 $0x1;
	p0 =	seq.s32 s7, s2  }
0x1e: {  	s7 =	smul.u32 @!p0 $0xF7A, s2;
	p2 =	seq.s32 @!p0 s5, $0x0  }
0x1f: {  	s9 =	smul.u32 $0xF7A, s1;
	s8 =	simm.s32 @!p0 $0x1BF5;
	p2 =	por !p2, p0  }
0x20: {  	[sflag:s8] =	ssyncset.s32 @!p0 $0xFFFFF086;
	s6 =	sadd.s32 @!p0 s3, s7;
	s7 =	simm.s32 @!p0 $0x108  }
0x21: {  	s3 =	sadd.s32 s3, s9;
	s6 =	sadd.s32 @!p0 $0x88, s6;
	s7 =	simm.s32 @p2 $0x1082  }
0x22: {  	[simem:s7], [sflag:s8] =	dma.local @!p0 [hbm:s6], $0xF7A  }
0x23: {  	s9 =	sor.u32 $0xD0000000, s2;
	s6 =	simm.s32 $0x108;
	_ =	swait.ge @!p0 [sflag:s8], $0x0  }
0x24: {  	s3 =	sadd.s32 $0x88, s3;
	s6 =	simm.s32 @!p1 $0x1082;
	[sflag:s4] =	ssyncset.s32 $0xFFFFF086  }
0x25: {  	[simem:s6], [sflag:s4] =	dma.local [hbm:s3], $0xF7A  }
0x26: {  	[smem:$0x3F9B] =	sst s1;
	(tag) =	ssettag s2;
	_ =	strace s9  }
0x27: {  	s1 =	sld [smem:$0x3FAB]  }
0x28: {  	s2 =	sld [smem:$0x3FAC]  }
0x29: {  	s4 =	sld [smem:$0x3FAE]  }
0x2a: {  	p0 =	seq.s32 s5, $0x0;
	s5 =	sld [smem:$0x3FAF]  }
0x2b: {  	s6 =	sld [smem:$0x3FB0]  }
0x2c: {  	s7 =	sld [smem:$0x3FB1]  }
0x2d: {  	s3 =	simm.s32 $0x108;
	s8 =	sld [smem:$0x3FB2]  }
0x2e: {  	s3 =	simm.s32 @!p0 $0x1082;
	s9 =	sld [smem:$0x3FB3]  }
0x2f: {  	lr =	sadd.s32 s0, s3;
	s0 =	sld [smem:$0x3FAA]  }
0x30: {  	s3 =	sld [smem:$0x3FAD]  }
0x31: {  	[smem:$0x3FB6] =	sst s10  }
0x32: {  	s10 =	sld [smem:$0x3FB4];
	_ =	sdelay $0x3  }
0x33: {  	p0 =	seq.s32 s10, $0x1;
	s10 =	sld [smem:$0x3FB6];
	_ =	sdelay $0x3  }
0x34: {  	[smem:$0x3FB6] =	sst s10  }
0x35: {  	s10 =	sld [smem:$0x3FB5];
	_ =	sdelay $0x3  }
0x36: {  	p1 =	seq.s32 s10, $0x1;
	s10 =	sld [smem:$0x3FB6];
	_ =	sdelay $0x3  }
0x37: {  	[smem:$0x3FB6] =	sst s10  }
0x38: {  	s10 =	sld [smem:$0x3FB7]  }
0x39: {  	_ = 	snop;
	(pc) =	sbr.ind lr, $3  }
0x3a: {  	_ = 	snop  }
0x3b: {  	_ = 	snop  }
0x3c: {  	p2 =	seq.s32 s10, $0x1;
	s10 =	sld [smem:$0x3FB6]  }
0x3d: {  	_ =	shalt  }
0x3e: {  	_ =	shalt  }
0x3f: {  	_ =	shalt  }
0x40: {  	_ =	shalt  }
0x41: {  	_ =	shalt  }
0x42: {  	_ =	shalt  }
0x43: {  	_ =	shalt  }
0x44: {  	_ =	shalt  }
0x45: {  	_ =	shalt  }
0x46: {  	_ =	shalt  }
0x47: {  	_ =	shalt  }
0x48: {  	_ =	shalt  }
0x49: {  	_ =	shalt  }
0x4a: {  	_ =	shalt  }
0x4b: {  	_ =	shalt  }
0x4c: {  	_ =	shalt  }
0x4d: {  	_ =	shalt  }
0x4e: {  	_ =	shalt  }
0x4f: {  	_ =	shalt  }
0x50: {  	_ =	shalt  }
0x51: {  	_ =	shalt  }
0x52: {  	_ =	shalt  }
0x53: {  	_ =	shalt  }
0x54: {  	_ =	shalt  }
0x55: {  	_ =	shalt  }
0x56: {  	_ =	shalt  }
0x57: {  	_ =	shalt  }
0x58: {  	_ =	shalt  }
0x59: {  	_ =	shalt  }
0x5a: {  	_ =	shalt  }
0x5b: {  	_ =	shalt  }
0x5c: {  	_ =	shalt  }
0x5d: {  	_ =	shalt  }
0x5e: {  	_ =	shalt  }
0x5f: {  	_ =	shalt  }
0x60: {  	_ =	shalt  }
0x61: {  	_ =	shalt  }
0x62: {  	_ =	shalt  }
0x63: {  	_ =	shalt  }
0x64: {  	_ =	shalt  }
0x65: {  	_ =	shalt  }
0x66: {  	_ =	shalt  }
0x67: {  	_ =	shalt  }
0x68: {  	_ =	shalt  }
0x69: {  	_ =	shalt  }
0x6a: {  	_ =	shalt  }
0x6b: {  	_ =	shalt  }
0x6c: {  	_ =	shalt  }
0x6d: {  	_ =	shalt  }
0x6e: {  	_ =	shalt  }
0x6f: {  	_ =	shalt  }
0x70: {  	_ =	shalt  }
0x71: {  	_ =	shalt  }
0x72: {  	_ =	shalt  }
0x73: {  	_ =	shalt  }
0x74: {  	_ =	shalt  }
0x75: {  	_ =	shalt  }
0x76: {  	_ =	shalt  }
0x77: {  	_ =	shalt  }
0x78: {  	_ =	shalt  }
0x79: {  	_ =	shalt  }
0x7a: {  	_ =	shalt  }
0x7b: {  	_ =	shalt  }
0x7c: {  	_ =	shalt  }
0x7d: {  	_ =	shalt  }
0x7e: {  	_ =	shalt  }
0x7f: {  	_ =	shalt  }
0x80: {  	_ =	shalt  }
0x81: {  	_ =	shalt  }
0x82: {  	_ =	shalt  }
0x83: {  	_ =	shalt  }
0x84: {  	_ =	shalt  }
0x85: {  	_ =	shalt  }
0x86: {  	_ =	shalt  }
0x87: {  	_ =	shalt  }
.Lfunc_end0:
.L_simem_size_0:
called_computation.1_lowered:
.L_overlay_start_0:
0x88: {  	s2 =	sld [smem:$0x3FD9]  }
0x89: {  	s3 =	sld [smem:$0x3FFE];
	_ =	sdelay $0x1  }
0x8a: {  	s1 =	srdreg.scid  }
0x8b: {  	s0 =	sand.u32 $0x1, s1  }
0x8c: {  	s16 =	sshll.u32 s0, $0xA;
	s2 =	sadd.s32 s3, s2  }
0x8d: {  	s2 =	sadd.s32 s2, s16  }
0x8e: {  	[smem:$0x3FC2] =	sst s2  }
0x8f: {  	_ = 	snop  }
0x90: {  	(tm) =	ssettm $0x1  }
0x91: {  	s17 =	sld [smem:$0x3FFB];
	_ =	sdelay $0x3  }
0x92: {  	_ =	strace s17  }
0x93: {  	s2 =	sld [smem:$0x3FFC];
	_ =	sdelay $0x3  }
0x94: {  	_ =	strace s2  }
0x95: {  	s2 =	sld [smem:$0x3FFD];
	_ =	sdelay $0x3  }
0x96: {  	_ =	strace s2  }
0x97: {  	_ =	strace $0x8FFFFFFF  }
0x98: {  	s18 =	sld [smem:$0x3FDB];
	_ =	sdelay $0x1  }
0x99: {  	s19 =	simm.s32 $_scs_section_size  }
0x9a: {  	s4 =	simm.s32 $_size__tile_overlayer_lowered;
	s5 =	simm.s32 $_tile_overlayer_lowered  }
0x9b: {  	s22 =	simm.s32 $0x1BFF;
	s21 =	sshll.u32 s5, $0x1;
	s2 =	sadd.s32 s19, s18  }
0x9c: {  	s6 =	simm.s32 $0x0;
	s20 =	sshll.u32 s4, $0x1;
	s4 =	sadd.s32 s21, s2  }
0x9d: {  	[timem:s6], [sflag:s22] =	dma.local [hbm:s4], s20  }
0x9e: {  	_ =	swait.ge [sflag:s22], s20  }
0x9f: {  	s3 =	ssub.s32 $0x0, s20;
	[sflag:s22] =	ssyncset.done $0x0  }
0xa0: {  	[sflag:s22] =	ssyncadd.s32 s3;
	_ =	sdelay $0x1  }
0xa1: {  	s23 =	simm.s32 $0x1B8B  }
0xa2: {  	_ =	swait.ge [sflag:s23], $0x1  }
0xa3: {  	[sflag:s23] =	ssyncset.done $0x0  }
0xa4: {  	s25 =	simm.s32 $0x1B8E;
	s24 =	sld [smem:$0x3FFE];
	[sflag:s23] =	ssyncadd.s32 $0xFFFFFFFF  }
0xa5: {  	s26 =	simm.s32 $execute0_lowered;
	[smem:$0x3FD2] =	sst s25  }
0xa6: {  	s4 =	sshll.u32 s26, $0x1;
	_ =	strace $0x80000046;
	[dreg:$0x1] =	wrdreg $0xFFFFFFFF  }
0xa7: {  	s28 =	simm.s32 $_size_execute0_lowered;
	s2 =	sadd.s32 s2, s4;
	[dreg:$0x0] =	wrdreg $0x0  }
0xa8: {  	s4 =	sshll.u32 s28, $0x1;
	[dreg:$0x2] =	wrdreg s2  }
0xa9: {  	[dreg:$0x3] =	wrdreg s4  }
0xaa: {  	[dreg:$0x4] =	wrdreg $0xC0  }
0xab: {  	_ =	task [dreg:s6], $0x5FFFF  }
0xac: {  	[dreg:$0x1] =	wrdreg $0xFFFFFFFF  }
0xad: {  	[dreg:$0x0] =	wrdreg $0x60  }
0xae: {  	[dreg:$0x2] =	wrdreg s24  }
0xaf: {  	[dreg:$0x3] =	wrdreg $0xA  }
0xb0: {  	_ =	task.clear_ibuf [dreg:s6], $0x4FFFF;
	_ =	strace $0x90000046  }
0xb1: {  	s29 =	simm.s32 $0xA;
	_ =	strace $0x80000048  }
0xb2: {  	_ =	swait.ge [sflag:s29], $0x1  }
0xb3: {  	[sflag:s29] =	ssyncadd.s32 $0xFFFFFFFF  }
0xb4: {  	_ =	strace $0x90000048  }
0xb5: {  	_ =	sfence  }
0xb6: {  	s30 =	sld [smem:$0x0];
	_ =	sdelay $0x2  }
0xb7: {  	s31 =	sshll.u32 s1, $0xD;
	s1 =	sshrl.u32 s1, $0x2  }
0xb8: {  	s3 =	sand.u32 $0x4000, s31;
	s1 =	sadd.s32 s1, s30  }
0xb9: {  	s0 =	sor.u32 s3, s0;
	s1 =	sshll.u32 s1, $0x11  }
0xba: {  	s0 =	sor.u32 s1, s0  }
0xbb: {  	s0 =	sadd.s32 $0x8F2B, s0  }
0xbc: {  	[sflag:s0] =	ssyncadd.remote.s32 $0x1  }
0xbd: {  	_ =	sfence.sel $0xFFFF  }
0xbe: {  	[dreg:$0x0] =	wrdreg $0xFFFFFFFF;
	(pc) =	sbr.abs _section_cstart, $3  }
0xbf: {  	[dreg:$0x1] =	wrdreg $0xFFFFFFFF  }
0xc0: {  	_ =	task.clear_ibuf [dreg:s6], $0x2FFFF;
	_ =	strace $0x9FFFFFFF  }
0xc1: {  	(tm) =	ssettm $0x7FFFFFFF  }
tec
execute0_lowered:
.L_overlay_start_1:
0x0: {  	(tag) =	ssettag $0x1  }
0x1: {  	s0 =	rddreg [dreg:$0x0];
	s1 =	srdreg.scid  }
0x2: {  	s3 =	stileid.u32;
	s2 =	simm.s32 $0x0;
	s10 =	simm.s32 $0x2  }
0x3: {  	s21 =	simm.s32 $0x80;
	s12 =	simm.s32 $0x880;
	s13 =	simm.s32 $0x1080  }
0x4: {  	s14 =	simm.s32 $0x1880;
	s15 =	simm.s32 $0x2080;
	s16 =	simm.s32 $0x2880  }
0x5: {  	s17 =	simm.s32 $0x3080;
	s18 =	simm.s32 $0x3880;
	s19 =	simm.s32 $0x4080  }
0x6: {  	s20 =	simm.s32 $0x4880;
	s22 =	simm.s32 $0x5080;
	s28 =	simm.s32 $0x8080  }
0x7: {  	s29 =	simm.s32 $0x8880;
	s30 =	simm.s32 $0x9080;
	s1 =	sand.u32 $0x1, s1  }
0x8: {  	s31 =	simm.s32 $0x9880;
	s3 =	sshll.u32 s3, $0x5;
	s4 =	sshll.u32 s1, $0x4  }
0x9: {  	[smem:$0x7FF] =	sst s2;
	s7 =	sadd.s32 $0xC3400, s0;
	s4 =	sor.u32 s4, s3  }
0xa: {  	_ =	strace $0x80000047;
	s1 =	ssub.s32 $0x2, s1;
	s5 =	smul.u32 $0x300, s4  }
0xb: {  	s3 =	sadd.s32 $0x3000, s0;
	s8 =	sshrl.u32 s1, $0x1;
	s6 =	smul.u32 $0x1800, s4  }
0xc: {  	s4 =	sadd.s32 s4, s0;
	s1 =	ssub.s32 s1, s8;
	s8 =	simm.s32 $0xB080  }
0xd: {  	s4 =	sadd.s32 $0xC3200, s4;
	s9 =	sadd.s32 s7, s5;
	s23 =	sshrl.u32 s6, $0x3  }
0xe: {  	[dreg:$0x2] =	wrdreg s4;
	s5 =	sadd.s32 $0x3100, s0;
	s4 =	simm.s32 $0x1  }
0xf: {  	[dreg:$0x6] =	wrdreg s9;
	s24 =	sadd.s32 $0xC00, s9;
	s6 =	sadd.s32 s7, s23  }
0x10: {  	s7 =	smax.u32 s1, $0x1;
	s23 =	simm.s32 $0x5880;
	s9 =	simm.s32 $0xB880  }
0x11: {  	v2 =	vlaneseq.u32;
	[dreg:$0x3] =	wrdreg s24;
	s25 =	sadd.s32 $0x1800, s6;
	s26 =	sadd.s32 $0x2400, s6  }
0x12: {  	vm0 =	vmmov $0xffff;
	v1 =	vshrl.u32 v2, $0x3;
	s6 =	sadd.s32 $0x3200, s0;
	s24 =	simm.s32 $0x6880;
	[dreg:$0x4] =	wrdreg s25  }
0x13: {  	v0 =	vand.u32 $0x7, v2;
	v2 =	vor.u32 $0x8, v2;
	v1 =	vmul.u32 $0x8, v1;
	[dreg:$0x5] =	wrdreg s26;
	s25 =	simm.s32 $0x7080;
	s26 =	simm.s32 $0x7880  }
.LBB2_1:
0x14: {  	s11 =	rddreg [dreg:$0x2];
	s0 =	simm.s32 $0x3  }
0x15: {  	[tilespmem:s2], [sflag:$0x3] =	stream.linear.gather [hbm4b:s11+s2], $0x80, $0x38;
	[tilespmem:$0xC080] =	vst v63  }
0x16: {  	_ =	swait.ge [sflag:s0], $0x80  }
0x17: {  	[sflag:s0] =	ssyncset.done $0x0  }
0x18: {  	[sflag:s0] =	ssyncadd.s32 $0xFFFFFF80  }
0x19: {  	v3 =	vld [tilespmem:$0x0];
	_ =	sdelay $0x4  }
0x1a: {  	v4 =	vshrl.u32 v3, $0x3  }
0x1b: {  	v4 =	vmul.u32 $0x30, v4  }
0x1c: {  	v3 =	vand.u32 $0x7, v3  }
0x1d: {  	v3 =	vor.u32 v3, v4  }
0x1e: {  	v4 =	vperm.xlane v3, v0;
	_ =	sdelay $0x1  }
0x1f: {  	v4 =	vadd.s32 v1, v4;
	_ =	sdelay $0x3  }
0x20: {  	v3 =	vperm.xlane v3, v2  }
0x21: {  	[tilespmem:s21], [sflag:$0x1] =	stream.indirect_vreg.gather [hbm4b:s3+s2], $0x80, v4, vm0, $0xb8;
	[tilespmem:$0xC080] =	vst v63  }
0x22: {  	v3 =	vadd.s32 v1, v3  }
0x23: {  	[tilespmem:s12], [sflag:$0x1] =	stream.indirect_vreg.gather [hbm4b:s5+s2], $0x80, v4, vm0, $0xb8;
	[tilespmem:$0xC080] =	vst v63  }
0x24: {  	_ = 	snop  }
0x25: {  	[tilespmem:s13], [sflag:$0x1] =	stream.indirect_vreg.gather [hbm4b:s6+s2], $0x80, v4, vm0, $0xb8;
	[tilespmem:$0xC080] =	vst v63  }
0x26: {  	_ = 	snop  }
0x27: {  	[tilespmem:s14], [sflag:$0x1] =	stream.indirect_vreg.gather [hbm4b:s3+s2], $0x80, v3, vm0, $0xb8;
	[tilespmem:$0xC080] =	vst v63  }
0x28: {  	_ = 	snop  }
0x29: {  	[tilespmem:s15], [sflag:$0x1] =	stream.indirect_vreg.gather [hbm4b:s5+s2], $0x80, v3, vm0, $0xb8;
	[tilespmem:$0xC080] =	vst v63  }
0x2a: {  	_ = 	snop  }
0x2b: {  	[tilespmem:s16], [sflag:$0x1] =	stream.indirect_vreg.gather [hbm4b:s6+s2], $0x80, v3, vm0, $0xb8;
	[tilespmem:$0xC080] =	vst v63  }
0x2c: {  	v3 =	vld [tilespmem:$0x10];
	_ =	sdelay $0x4  }
0x2d: {  	v57 =	vshrl.u32 v3, $0x3  }
0x2e: {  	v4 =	vmul.u32 $0x30, v57  }
0x2f: {  	v3 =	vand.u32 $0x7, v3  }
0x30: {  	v3 =	vor.u32 v3, v4  }
0x31: {  	v4 =	vperm.xlane v3, v0;
	_ =	sdelay $0x1  }
0x32: {  	v4 =	vadd.s32 v1, v4;
	_ =	sdelay $0x3  }
0x33: {  	v3 =	vperm.xlane v3, v2  }
0x34: {  	[tilespmem:s17], [sflag:$0x1] =	stream.indirect_vreg.gather [hbm4b:s3+s2], $0x80, v4, vm0, $0xb8;
	[tilespmem:$0xC080] =	vst v63  }
0x35: {  	v3 =	vadd.s32 v1, v3  }
0x36: {  	[tilespmem:s18], [sflag:$0x1] =	stream.indirect_vreg.gather [hbm4b:s5+s2], $0x80, v4, vm0, $0xb8;
	[tilespmem:$0xC080] =	vst v63  }
0x37: {  	_ = 	snop  }
0x38: {  	[tilespmem:s19], [sflag:$0x1] =	stream.indirect_vreg.gather [hbm4b:s6+s2], $0x80, v4, vm0, $0xb8;
	[tilespmem:$0xC080] =	vst v63  }
0x39: {  	_ = 	snop  }
0x3a: {  	[tilespmem:s20], [sflag:$0x1] =	stream.indirect_vreg.gather [hbm4b:s3+s2], $0x80, v3, vm0, $0xb8;
	[tilespmem:$0xC080] =	vst v63  }
0x3b: {  	_ = 	snop  }
0x3c: {  	[tilespmem:s22], [sflag:$0x1] =	stream.indirect_vreg.gather [hbm4b:s5+s2], $0x80, v3, vm0, $0xb8;
	[tilespmem:$0xC080] =	vst v63  }
0x3d: {  	_ = 	snop  }
0x3e: {  	[tilespmem:s23], [sflag:$0x1] =	stream.indirect_vreg.gather [hbm4b:s6+s2], $0x80, v3, vm0, $0xb8;
	[tilespmem:$0xC080] =	vst v63  }
0x3f: {  	v3 =	vld [tilespmem:$0x20];
	_ =	sdelay $0x4  }
0x40: {  	v58 =	vshrl.u32 v3, $0x3  }
0x41: {  	v4 =	vmul.u32 $0x30, v58  }
0x42: {  	v3 =	vand.u32 $0x7, v3  }
0x43: {  	v3 =	vor.u32 v3, v4  }
0x44: {  	v4 =	vperm.xlane v3, v0;
	_ =	sdelay $0x1  }
0x45: {  	v4 =	vadd.s32 v1, v4;
	_ =	sdelay $0x3  }
0x46: {  	s0 =	simm.s32 $0x6080;
	v3 =	vperm.xlane v3, v2  }
0x47: {  	[tilespmem:s0], [sflag:$0x1] =	stream.indirect_vreg.gather [hbm4b:s3+s2], $0x80, v4, vm0, $0xb8;
	[tilespmem:$0xC080] =	vst v63  }
0x48: {  	v3 =	vadd.s32 v1, v3  }
0x49: {  	[tilespmem:s24], [sflag:$0x1] =	stream.indirect_vreg.gather [hbm4b:s5+s2], $0x80, v4, vm0, $0xb8;
	[tilespmem:$0xC080] =	vst v63  }
0x4a: {  	_ = 	snop  }
0x4b: {  	[tilespmem:s25], [sflag:$0x1] =	stream.indirect_vreg.gather [hbm4b:s6+s2], $0x80, v4, vm0, $0xb8;
	[tilespmem:$0xC080] =	vst v63  }
0x4c: {  	_ = 	snop  }
0x4d: {  	[tilespmem:s26], [sflag:$0x1] =	stream.indirect_vreg.gather [hbm4b:s3+s2], $0x80, v3, vm0, $0xb8;
	[tilespmem:$0xC080] =	vst v63  }
0x4e: {  	_ = 	snop  }
0x4f: {  	[tilespmem:s28], [sflag:$0x1] =	stream.indirect_vreg.gather [hbm4b:s5+s2], $0x80, v3, vm0, $0xb8;
	[tilespmem:$0xC080] =	vst v63  }
0x50: {  	_ = 	snop  }
0x51: {  	[tilespmem:s29], [sflag:$0x1] =	stream.indirect_vreg.gather [hbm4b:s6+s2], $0x80, v3, vm0, $0xb8;
	[tilespmem:$0xC080] =	vst v63  }
0x52: {  	v3 =	vld [tilespmem:$0x30];
	_ =	sdelay $0x4  }
0x53: {  	v59 =	vshrl.u32 v3, $0x3  }
0x54: {  	v4 =	vmul.u32 $0x30, v59  }
0x55: {  	v3 =	vand.u32 $0x7, v3  }
0x56: {  	v3 =	vor.u32 v3, v4  }
0x57: {  	v4 =	vperm.xlane v3, v0;
	_ =	sdelay $0x1  }
0x58: {  	v4 =	vadd.s32 v1, v4;
	_ =	sdelay $0x3  }
0x59: {  	v3 =	vperm.xlane v3, v2  }
0x5a: {  	[tilespmem:s30], [sflag:$0x1] =	stream.indirect_vreg.gather [hbm4b:s3+s2], $0x80, v4, vm0, $0xb8;
	[tilespmem:$0xC080] =	vst v63  }
0x5b: {  	v3 =	vadd.s32 v1, v3  }
0x5c: {  	[tilespmem:s31], [sflag:$0x1] =	stream.indirect_vreg.gather [hbm4b:s5+s2], $0x80, v4, vm0, $0xb8;
	[tilespmem:$0xC080] =	vst v63  }
0x5d: {  	s1 =	simm.s32 $0xA080  }
0x5e: {  	[tilespmem:s1], [sflag:$0x1] =	stream.indirect_vreg.gather [hbm4b:s6+s2], $0x80, v4, vm0, $0xb8;
	[tilespmem:$0xC080] =	vst v63  }
0x5f: {  	s1 =	simm.s32 $0xA880  }
0x60: {  	[tilespmem:s1], [sflag:$0x1] =	stream.indirect_vreg.gather [hbm4b:s3+s2], $0x80, v3, vm0, $0xb8;
	[tilespmem:$0xC080] =	vst v63  }
0x61: {  	_ = 	snop  }
0x62: {  	[tilespmem:s8], [sflag:$0x1] =	stream.indirect_vreg.gather [hbm4b:s5+s2], $0x80, v3, vm0, $0xb8;
	[tilespmem:$0xC080] =	vst v63  }
0x63: {  	_ = 	snop  }
0x64: {  	[tilespmem:s9], [sflag:$0x1] =	stream.indirect_vreg.gather [hbm4b:s6+s2], $0x80, v3, vm0, $0xb8;
	[tilespmem:$0xC080] =	vst v63  }
0x65: {  	_ =	swait.ge [sflag:s4], $0x6000  }
0x66: {  	[sflag:s4] =	ssyncset.done $0x0  }
0x67: {  	s11 =	rddreg [dreg:$0x6];
	[sflag:s4] =	ssyncadd.s32 $0xFFFFA000  }
0x68: {  	[hbm4b:s11+s2] =	stream.linear.scatter [tilespmem:s21], [sflag:$0x2], $0x6000, $0x38;
	[tilespmem:$0xC080] =	vst v63  }
0x69: {  	_ =	swait.ge [sflag:s10], $0x6000  }
0x6a: {  	[sflag:s10] =	ssyncset.done $0x0  }
0x6b: {  	[sflag:s10] =	ssyncadd.s32 $0xFFFFA000  }
0x6c: {  	v3 =	vld [tilespmem:$0x40];
	_ =	sdelay $0x4  }
0x6d: {  	v60 =	vshrl.u32 v3, $0x3  }
0x6e: {  	v4 =	vmul.u32 $0x30, v60  }
0x6f: {  	v3 =	vand.u32 $0x7, v3  }
0x70: {  	v3 =	vor.u32 v3, v4  }
0x71: {  	v4 =	vperm.xlane v3, v0;
	_ =	sdelay $0x1  }
0x72: {  	v4 =	vadd.s32 v1, v4;
	_ =	sdelay $0x3  }
0x73: {  	v3 =	vperm.xlane v3, v2  }
0x74: {  	[tilespmem:s21], [sflag:$0x1] =	stream.indirect_vreg.gather [hbm4b:s3+s2], $0x80, v4, vm0, $0xb8;
	[tilespmem:$0xC080] =	vst v63  }
0x75: {  	v3 =	vadd.s32 v1, v3  }
0x76: {  	[tilespmem:s12], [sflag:$0x1] =	stream.indirect_vreg.gather [hbm4b:s5+s2], $0x80, v4, vm0, $0xb8;
	[tilespmem:$0xC080] =	vst v63  }
0x77: {  	_ = 	snop  }
0x78: {  	[tilespmem:s13], [sflag:$0x1] =	stream.indirect_vreg.gather [hbm4b:s6+s2], $0x80, v4, vm0, $0xb8;
	[tilespmem:$0xC080] =	vst v63  }
0x79: {  	_ = 	snop  }
0x7a: {  	[tilespmem:s14], [sflag:$0x1] =	stream.indirect_vreg.gather [hbm4b:s3+s2], $0x80, v3, vm0, $0xb8;
	[tilespmem:$0xC080] =	vst v63  }
0x7b: {  	_ = 	snop  }
0x7c: {  	[tilespmem:s15], [sflag:$0x1] =	stream.indirect_vreg.gather [hbm4b:s5+s2], $0x80, v3, vm0, $0xb8;
	[tilespmem:$0xC080] =	vst v63  }
0x7d: {  	_ = 	snop  }
0x7e: {  	[tilespmem:s16], [sflag:$0x1] =	stream.indirect_vreg.gather [hbm4b:s6+s2], $0x80, v3, vm0, $0xb8;
	[tilespmem:$0xC080] =	vst v63  }
0x7f: {  	v3 =	vld [tilespmem:$0x50];
	_ =	sdelay $0x4  }
0x80: {  	v61 =	vshrl.u32 v3, $0x3  }
0x81: {  	v4 =	vmul.u32 $0x30, v61  }
0x82: {  	v3 =	vand.u32 $0x7, v3  }
0x83: {  	v3 =	vor.u32 v3, v4  }
0x84: {  	v4 =	vperm.xlane v3, v0;
	_ =	sdelay $0x1  }
0x85: {  	v4 =	vadd.s32 v1, v4;
	_ =	sdelay $0x3  }
0x86: {  	v3 =	vperm.xlane v3, v2  }
0x87: {  	[tilespmem:s17], [sflag:$0x1] =	stream.indirect_vreg.gather [hbm4b:s3+s2], $0x80, v4, vm0, $0xb8;
	[tilespmem:$0xC080] =	vst v63  }
0x88: {  	v3 =	vadd.s32 v1, v3  }
0x89: {  	[tilespmem:s18], [sflag:$0x1] =	stream.indirect_vreg.gather [hbm4b:s5+s2], $0x80, v4, vm0, $0xb8;
	[tilespmem:$0xC080] =	vst v63  }
0x8a: {  	_ = 	snop  }
0x8b: {  	[tilespmem:s19], [sflag:$0x1] =	stream.indirect_vreg.gather [hbm4b:s6+s2], $0x80, v4, vm0, $0xb8;
	[tilespmem:$0xC080] =	vst v63  }
0x8c: {  	_ = 	snop  }
0x8d: {  	[tilespmem:s20], [sflag:$0x1] =	stream.indirect_vreg.gather [hbm4b:s3+s2], $0x80, v3, vm0, $0xb8;
	[tilespmem:$0xC080] =	vst v63  }
0x8e: {  	_ = 	snop  }
0x8f: {  	[tilespmem:s22], [sflag:$0x1] =	stream.indirect_vreg.gather [hbm4b:s5+s2], $0x80, v3, vm0, $0xb8;
	[tilespmem:$0xC080] =	vst v63  }
0x90: {  	_ = 	snop  }
0x91: {  	[tilespmem:s23], [sflag:$0x1] =	stream.indirect_vreg.gather [hbm4b:s6+s2], $0x80, v3, vm0, $0xb8;
	[tilespmem:$0xC080] =	vst v63  }
0x92: {  	_ =	swait.ge [sflag:s4], $0x6000  }
0x93: {  	[sflag:s4] =	ssyncset.done $0x0  }
0x94: {  	s11 =	rddreg [dreg:$0x3];
	[sflag:s4] =	ssyncadd.s32 $0xFFFFA000  }
0x95: {  	[hbm4b:s11+s2] =	stream.linear.scatter [tilespmem:s0], [sflag:$0x2], $0x6000, $0x38;
	[tilespmem:$0xC080] =	vst v63  }
0x96: {  	_ =	swait.ge [sflag:s10], $0x6000  }
0x97: {  	[sflag:s10] =	ssyncset.done $0x0  }
0x98: {  	[sflag:s10] =	ssyncadd.s32 $0xFFFFA000  }
0x99: {  	v3 =	vld [tilespmem:$0x60];
	_ =	sdelay $0x4  }
0x9a: {  	v62 =	vshrl.u32 v3, $0x3  }
0x9b: {  	v4 =	vmul.u32 $0x30, v62  }
0x9c: {  	v3 =	vand.u32 $0x7, v3  }
0x9d: {  	v3 =	vor.u32 v3, v4  }
0x9e: {  	v4 =	vperm.xlane v3, v0;
	_ =	sdelay $0x1  }
0x9f: {  	v4 =	vadd.s32 v1, v4;
	_ =	sdelay $0x3  }
0xa0: {  	v3 =	vperm.xlane v3, v2  }
0xa1: {  	[tilespmem:s0], [sflag:$0x1] =	stream.indirect_vreg.gather [hbm4b:s3+s2], $0x80, v4, vm0, $0xb8;
	[tilespmem:$0xC080] =	vst v63  }
0xa2: {  	v3 =	vadd.s32 v1, v3  }
0xa3: {  	[tilespmem:s24], [sflag:$0x1] =	stream.indirect_vreg.gather [hbm4b:s5+s2], $0x80, v4, vm0, $0xb8;
	[tilespmem:$0xC080] =	vst v63  }
0xa4: {  	_ = 	snop  }
0xa5: {  	[tilespmem:s25], [sflag:$0x1] =	stream.indirect_vreg.gather [hbm4b:s6+s2], $0x80, v4, vm0, $0xb8;
	[tilespmem:$0xC080] =	vst v63  }
0xa6: {  	_ = 	snop  }
0xa7: {  	[tilespmem:s26], [sflag:$0x1] =	stream.indirect_vreg.gather [hbm4b:s3+s2], $0x80, v3, vm0, $0xb8;
	[tilespmem:$0xC080] =	vst v63  }
0xa8: {  	_ = 	snop  }
0xa9: {  	[tilespmem:s28], [sflag:$0x1] =	stream.indirect_vreg.gather [hbm4b:s5+s2], $0x80, v3, vm0, $0xb8;
	[tilespmem:$0xC080] =	vst v63  }
0xaa: {  	_ = 	snop  }
0xab: {  	[tilespmem:s29], [sflag:$0x1] =	stream.indirect_vreg.gather [hbm4b:s6+s2], $0x80, v3, vm0, $0xb8;
	[tilespmem:$0xC080] =	vst v63  }
0xac: {  	v3 =	vld [tilespmem:$0x70];
	_ =	sdelay $0x4  }
0xad: {  	v63 =	vshrl.u32 v3, $0x3  }
0xae: {  	v4 =	vmul.u32 $0x30, v63  }
0xaf: {  	v3 =	vand.u32 $0x7, v3  }
0xb0: {  	v3 =	vor.u32 v3, v4  }
0xb1: {  	v4 =	vperm.xlane v3, v0;
	_ =	sdelay $0x1  }
0xb2: {  	v4 =	vadd.s32 v1, v4;
	_ =	sdelay $0x3  }
0xb3: {  	v3 =	vperm.xlane v3, v2  }
0xb4: {  	[tilespmem:s30], [sflag:$0x1] =	stream.indirect_vreg.gather [hbm4b:s3+s2], $0x80, v4, vm0, $0xb8;
	[tilespmem:$0xC080] =	vst v63  }
0xb5: {  	v3 =	vadd.s32 v1, v3  }
0xb6: {  	[tilespmem:s31], [sflag:$0x1] =	stream.indirect_vreg.gather [hbm4b:s5+s2], $0x80, v4, vm0, $0xb8;
	[tilespmem:$0xC080] =	vst v63  }
0xb7: {  	s11 =	simm.s32 $0xA080  }
0xb8: {  	[tilespmem:s11], [sflag:$0x1] =	stream.indirect_vreg.gather [hbm4b:s6+s2], $0x80, v4, vm0, $0xb8;
	[tilespmem:$0xC080] =	vst v63  }
0xb9: {  	_ = 	snop  }
0xba: {  	[tilespmem:s1], [sflag:$0x1] =	stream.indirect_vreg.gather [hbm4b:s3+s2], $0x80, v3, vm0, $0xb8;
	[tilespmem:$0xC080] =	vst v63  }
0xbb: {  	_ = 	snop  }
0xbc: {  	[tilespmem:s8], [sflag:$0x1] =	stream.indirect_vreg.gather [hbm4b:s5+s2], $0x80, v3, vm0, $0xb8;
	[tilespmem:$0xC080] =	vst v63  }
0xbd: {  	_ = 	snop  }
0xbe: {  	[tilespmem:s9], [sflag:$0x1] =	stream.indirect_vreg.gather [hbm4b:s6+s2], $0x80, v3, vm0, $0xb8;
	[tilespmem:$0xC080] =	vst v63  }
0xbf: {  	_ =	swait.ge [sflag:s4], $0x6000  }
0xc0: {  	[sflag:s4] =	ssyncset.done $0x0  }
0xc1: {  	s1 =	rddreg [dreg:$0x4];
	[sflag:s4] =	ssyncadd.s32 $0xFFFFA000  }
0xc2: {  	[hbm4b:s1+s2] =	stream.linear.scatter [tilespmem:s21], [sflag:$0x2], $0x6000, $0x38;
	[tilespmem:$0xC080] =	vst v63  }
0xc3: {  	_ =	swait.ge [sflag:s4], $0x6000  }
0xc4: {  	[sflag:s4] =	ssyncset.done $0x0  }
0xc5: {  	s1 =	rddreg [dreg:$0x5];
	[sflag:s4] =	ssyncadd.s32 $0xFFFFA000  }
0xc6: {  	[hbm4b:s1+s2] =	stream.linear.scatter [tilespmem:s0], [sflag:$0x2], $0x6000, $0x38;
	[tilespmem:$0xC080] =	vst v63  }
0xc7: {  	p0 =	sne.s32 s7, $0x1;
	_ =	swait.ge [sflag:s10], $0x6000  }
.Ltmp0:
0xc8: {  	[sflag:s10] =	ssyncset.done $0x0;
	(pc) =	sbr.rel @p0 .LBB2_1-.Ltmp0, $4  }
0xc9: {  	[sflag:s10] =	ssyncadd.s32 $0xFFFFA000  }
0xca: {  	_ =	swait.ge [sflag:s10], $0x6000  }
0xcb: {  	[sflag:s10] =	ssyncset.done $0x0  }
0xcc: {  	s7 =	sadd.s32 $0xFFFFFFFF, s7;
	[sflag:s10] =	ssyncadd.s32 $0xFFFFA000  }
0xcd: {  	_ =	sfence.sel $0x180000  }
0xce: {  	[bflag:$0x0] =	sbarrier.arrive $0xFFFF  }
0xcf: {  	_ =	strace $0x90000047  }
0xd0: {  	s0 =	stileid.u32;
	[bflag:$0x2] =	sbarrier.arrive $0xFFFF  }
0xd1: {  	p0 =	sne.s32 s0, $0x0;
	s0 =	rddreg [dreg:$0x1]  }
0xd2: {  	s0 =	sadd.s32 @!p0 $0x100000, s0  }
0xd3: {  	[sflag:s0] =	ssyncadd.tile.s32 @!p0 $0x1;
	_ =	shalt  }
.Lfunc_end2:
_tile_overlayer_lowered:
.L_overlay_start_2:
0xd4: {  	(tag) =	ssettag $0x2  }
0xd5: {  	s0 =	rddreg [dreg:$0x0];
	s2 =	stileid.u32  }
0xd6: {  	s1 =	rddreg [dreg:$0x1];
	p0 =	sne.s32 s2, $0x0  }
0xd7: {  	s3 =	rddreg [dreg:$0x2];
	[bflag:$0x3] =	sbarrier.arrive $0xFFFF;
	s2 =	simm.s32 @!p0 $0x1C03  }
0xd8: {  	[timem:s3], [sflag:s2] =	dma.local @!p0 [hbm:s0], s1  }
0xd9: {  	s0 =	simm.s32 @!p0 $0x3  }
0xda: {  	_ =	swait.ge @!p0 [sflag:s0], s1  }
0xdb: {  	s1 =	ssub.s32 @!p0 $0x0, s1;
	[sflag:s0] =	ssyncset.done @!p0 $0x0  }
0xdc: {  	[sflag:s0] =	ssyncadd.s32 @!p0 s1  }
0xdd: {  	[bflag:$0x3] =	sbarrier.arrive $0xFFFF  }
0xde: {  	_ =	shalt  }

// kernel: kernel.18.cloned.1.call-start
scs
__scs_entry_jumppad:
0x0: {  	(pc) =	sbr.rel $0x88, $3  }
0x1: {  	(tag) =	ssettag $0x0;
	lr =	simm.s32 $0x1  }
0x2: {  	[smem:$0x3F9B] =	sst lr;
	_ =	strace $0xD0000000  }
0x3: {  	_ = 	snop  }
0x4: {  	_ = 	snop  }
0x5: {  	_ = 	snop  }
0x6: {  	_ = 	snop  }
0x7: {  	_ = 	snop  }
__scs_overlays_trampoline_lowered:
0x8: {  	[smem:$0x3FAA] =	sst s0  }
0x9: {  	[smem:$0x3FAB] =	sst s1  }
0xa: {  	[smem:$0x3FAC] =	sst s2  }
0xb: {  	[smem:$0x3FAD] =	sst s3  }
0xc: {  	[smem:$0x3FAE] =	sst s4  }
0xd: {  	[smem:$0x3FAF] =	sst s5  }
0xe: {  	[smem:$0x3FB0] =	sst s6  }
0xf: {  	[smem:$0x3FB1] =	sst s7  }
0x10: {  	[smem:$0x3FB2] =	sst s8  }
0x11: {  	[smem:$0x3FB3] =	sst s9;
	s0 =	simm.s32 @!p0 $0x0  }
0x12: {  	s1 =	sld [smem:$0x3F99];
	s0 =	simm.s32 @p0 $0x1  }
0x13: {  	[smem:$0x3FB4] =	sst s0;
	s0 =	simm.s32 @!p1 $0x0  }
0x14: {  	s2 =	sld [smem:$0x3F98];
	s0 =	simm.s32 @p1 $0x1  }
0x15: {  	[smem:$0x3FB5] =	sst s0;
	s0 =	simm.s32 @!p2 $0x0  }
0x16: {  	s3 =	sld [smem:$0x3FDB];
	s0 =	simm.s32 @p2 $0x1  }
0x17: {  	s4 =	simm.s32 $0x1BF5;
	[smem:$0x3FB7] =	sst s0  }
0x18: {  	s0 =	sld [smem:$0x3F9A];
	_ =	swait.ge [sflag:s4], $0x0  }
0x19: {  	s7 =	sld [smem:$0x3F9B]  }
0x1a: {  	s8 =	sadd.s32 $0xFFFFE003, lr  }
0x1b: {  	s9 =	sadd.s32 $0xFFFFFEF7, lr;
	s5 =	simm.s32 $0xFFFFFFFF;
	p2 =	slt.u32 s8, $0xFFFFF086  }
0x1c: {  	p1 =	slt.u32 s9, $0xF7A;
	s5 =	simm.s32 @!p2 $0x0  }
0x1d: {  	s5 =	simm.s32 @p1 $0x1;
	p0 =	seq.s32 s7, s2  }
0x1e: {  	s7 =	smul.u32 @!p0 $0xF7A, s2;
	p2 =	seq.s32 @!p0 s5, $0x0  }
0x1f: {  	s9 =	smul.u32 $0xF7A, s1;
	s8 =	simm.s32 @!p0 $0x1BF5;
	p2 =	por !p2, p0  }
0x20: {  	[sflag:s8] =	ssyncset.s32 @!p0 $0xFFFFF086;
	s6 =	sadd.s32 @!p0 s3, s7;
	s7 =	simm.s32 @!p0 $0x108  }
0x21: {  	s3 =	sadd.s32 s3, s9;
	s6 =	sadd.s32 @!p0 $0x88, s6;
	s7 =	simm.s32 @p2 $0x1082  }
0x22: {  	[simem:s7], [sflag:s8] =	dma.local @!p0 [hbm:s6], $0xF7A  }
0x23: {  	s9 =	sor.u32 $0xD0000000, s2;
	s6 =	simm.s32 $0x108;
	_ =	swait.ge @!p0 [sflag:s8], $0x0  }
0x24: {  	s3 =	sadd.s32 $0x88, s3;
	s6 =	simm.s32 @!p1 $0x1082;
	[sflag:s4] =	ssyncset.s32 $0xFFFFF086  }
0x25: {  	[simem:s6], [sflag:s4] =	dma.local [hbm:s3], $0xF7A  }
0x26: {  	[smem:$0x3F9B] =	sst s1;
	(tag) =	ssettag s2;
	_ =	strace s9  }
0x27: {  	s1 =	sld [smem:$0x3FAB]  }
0x28: {  	s2 =	sld [smem:$0x3FAC]  }
0x29: {  	s4 =	sld [smem:$0x3FAE]  }
0x2a: {  	p0 =	seq.s32 s5, $0x0;
	s5 =	sld [smem:$0x3FAF]  }
0x2b: {  	s6 =	sld [smem:$0x3FB0]  }
0x2c: {  	s7 =	sld [smem:$0x3FB1]  }
0x2d: {  	s3 =	simm.s32 $0x108;
	s8 =	sld [smem:$0x3FB2]  }
0x2e: {  	s3 =	simm.s32 @!p0 $0x1082;
	s9 =	sld [smem:$0x3FB3]  }
0x2f: {  	lr =	sadd.s32 s0, s3;
	s0 =	sld [smem:$0x3FAA]  }
0x30: {  	s3 =	sld [smem:$0x3FAD]  }
0x31: {  	[smem:$0x3FB6] =	sst s10  }
0x32: {  	s10 =	sld [smem:$0x3FB4];
	_ =	sdelay $0x3  }
0x33: {  	p0 =	seq.s32 s10, $0x1;
	s10 =	sld [smem:$0x3FB6];
	_ =	sdelay $0x3  }
0x34: {  	[smem:$0x3FB6] =	sst s10  }
0x35: {  	s10 =	sld [smem:$0x3FB5];
	_ =	sdelay $0x3  }
0x36: {  	p1 =	seq.s32 s10, $0x1;
	s10 =	sld [smem:$0x3FB6];
	_ =	sdelay $0x3  }
0x37: {  	[smem:$0x3FB6] =	sst s10  }
0x38: {  	s10 =	sld [smem:$0x3FB7]  }
0x39: {  	_ = 	snop;
	(pc) =	sbr.ind lr, $3  }
0x3a: {  	_ = 	snop  }
0x3b: {  	_ = 	snop  }
0x3c: {  	p2 =	seq.s32 s10, $0x1;
	s10 =	sld [smem:$0x3FB6]  }
0x3d: {  	_ =	shalt  }
0x3e: {  	_ =	shalt  }
0x3f: {  	_ =	shalt  }
0x40: {  	_ =	shalt  }
0x41: {  	_ =	shalt  }
0x42: {  	_ =	shalt  }
0x43: {  	_ =	shalt  }
0x44: {  	_ =	shalt  }
0x45: {  	_ =	shalt  }
0x46: {  	_ =	shalt  }
0x47: {  	_ =	shalt  }
0x48: {  	_ =	shalt  }
0x49: {  	_ =	shalt  }
0x4a: {  	_ =	shalt  }
0x4b: {  	_ =	shalt  }
0x4c: {  	_ =	shalt  }
0x4d: {  	_ =	shalt  }
0x4e: {  	_ =	shalt  }
0x4f: {  	_ =	shalt  }
0x50: {  	_ =	shalt  }
0x51: {  	_ =	shalt  }
0x52: {  	_ =	shalt  }
0x53: {  	_ =	shalt  }
0x54: {  	_ =	shalt  }
0x55: {  	_ =	shalt  }
0x56: {  	_ =	shalt  }
0x57: {  	_ =	shalt  }
0x58: {  	_ =	shalt  }
0x59: {  	_ =	shalt  }
0x5a: {  	_ =	shalt  }
0x5b: {  	_ =	shalt  }
0x5c: {  	_ =	shalt  }
0x5d: {  	_ =	shalt  }
0x5e: {  	_ =	shalt  }
0x5f: {  	_ =	shalt  }
0x60: {  	_ =	shalt  }
0x61: {  	_ =	shalt  }
0x62: {  	_ =	shalt  }
0x63: {  	_ =	shalt  }
0x64: {  	_ =	shalt  }
0x65: {  	_ =	shalt  }
0x66: {  	_ =	shalt  }
0x67: {  	_ =	shalt  }
0x68: {  	_ =	shalt  }
0x69: {  	_ =	shalt  }
0x6a: {  	_ =	shalt  }
0x6b: {  	_ =	shalt  }
0x6c: {  	_ =	shalt  }
0x6d: {  	_ =	shalt  }
0x6e: {  	_ =	shalt  }
0x6f: {  	_ =	shalt  }
0x70: {  	_ =	shalt  }
0x71: {  	_ =	shalt  }
0x72: {  	_ =	shalt  }
0x73: {  	_ =	shalt  }
0x74: {  	_ =	shalt  }
0x75: {  	_ =	shalt  }
0x76: {  	_ =	shalt  }
0x77: {  	_ =	shalt  }
0x78: {  	_ =	shalt  }
0x79: {  	_ =	shalt  }
0x7a: {  	_ =	shalt  }
0x7b: {  	_ =	shalt  }
0x7c: {  	_ =	shalt  }
0x7d: {  	_ =	shalt  }
0x7e: {  	_ =	shalt  }
0x7f: {  	_ =	shalt  }
0x80: {  	_ =	shalt  }
0x81: {  	_ =	shalt  }
0x82: {  	_ =	shalt  }
0x83: {  	_ =	shalt  }
0x84: {  	_ =	shalt  }
0x85: {  	_ =	shalt  }
0x86: {  	_ =	shalt  }
0x87: {  	_ =	shalt  }
.Lfunc_end0:
.L_simem_size_0:
called_computation.2_lowered:
.L_overlay_start_0:
0x88: {  	s2 =	sld [smem:$0x3FD9]  }
0x89: {  	s3 =	sld [smem:$0x3FFE];
	_ =	sdelay $0x1  }
0x8a: {  	s1 =	srdreg.scid  }
0x8b: {  	s0 =	sand.u32 $0x1, s1  }
0x8c: {  	s17 =	sshll.u32 s0, $0xA;
	s2 =	sadd.s32 s3, s2  }
0x8d: {  	s2 =	sadd.s32 s2, s17  }
0x8e: {  	[smem:$0x3FC2] =	sst s2  }
0x8f: {  	_ = 	snop  }
0x90: {  	(tm) =	ssettm $0x1  }
0x91: {  	s18 =	sld [smem:$0x3FFB];
	_ =	sdelay $0x3  }
0x92: {  	_ =	strace s18  }
0x93: {  	s2 =	sld [smem:$0x3FFC];
	_ =	sdelay $0x3  }
0x94: {  	_ =	strace s2  }
0x95: {  	s2 =	sld [smem:$0x3FFD];
	_ =	sdelay $0x3  }
0x96: {  	_ =	strace s2  }
0x97: {  	_ =	strace $0x8FFFFFFF  }
0x98: {  	s19 =	sld [smem:$0x3FDB];
	_ =	sdelay $0x1  }
0x99: {  	s20 =	simm.s32 $_scs_section_size  }
0x9a: {  	s4 =	simm.s32 $_size__tile_overlayer_lowered;
	s5 =	simm.s32 $_tile_overlayer_lowered  }
0x9b: {  	s6 =	simm.s32 $0x1BFF;
	s21 =	sshll.u32 s5, $0x1;
	s3 =	sadd.s32 s20, s19  }
0x9c: {  	s22 =	simm.s32 $0x0;
	s4 =	sshll.u32 s4, $0x1;
	s5 =	sadd.s32 s21, s3  }
0x9d: {  	[timem:s22], [sflag:s6] =	dma.local [hbm:s5], s4  }
0x9e: {  	_ =	swait.ge [sflag:s6], s4  }
0x9f: {  	s4 =	ssub.s32 $0x0, s4;
	[sflag:s6] =	ssyncset.done $0x0  }
0xa0: {  	[sflag:s6] =	ssyncadd.s32 s4;
	_ =	sdelay $0x1  }
0xa1: {  	s23 =	simm.s32 $0x1B8B  }
0xa2: {  	_ =	swait.ge [sflag:s23], $0x1  }
0xa3: {  	[sflag:s23] =	ssyncset.done $0x0  }
0xa4: {  	[sflag:s23] =	ssyncadd.s32 $0xFFFFFFFF  }
0xa5: {  	s4 =	sld [smem:$0x0]  }
0xa6: {  	s5 =	sand.u32 $0xFFFFFFFE, s1  }
0xa7: {  	p0 =	sne.s32 s1, s5  }
0xa8: {  	s5 =	sshll.u32 @p0 s5, $0xE  }
0xa9: {  	s5 =	sadd.s32 @p0 $0x11B8D, s5;
	s6 =	sshll.u32 @p0 s4, $0x11  }
0xaa: {  	s5 =	sor.u32 @p0 s6, s5  }
0xab: {  	[sflag:s5] =	ssyncadd.remote.s32 @p0 $0x1;
	_ =	sdelay $0x1  }
0xac: {  	s5 =	simm.s32 @p0 $0x1B8D  }
0xad: {  	_ =	swait.eq @p0 [sflag:s5], $0x1  }
0xae: {  	[sflag:s5] =	ssyncadd.s32 @p0 $0xFFFFFFFF  }
0xaf: {  	s6 =	sshll.u32 @!p0 s1, $0xE  }
0xb0: {  	s6 =	sor.u32 @!p0 $0x4000, s6;
	s5 =	simm.s32 @!p0 $0x1B8D  }
0xb1: {  	s4 =	sshll.u32 @!p0 s4, $0x11;
	s6 =	sadd.s32 @!p0 $0x11B8D, s6;
	_ =	swait.eq @!p0 [sflag:s5], $0x1  }
0xb2: {  	s4 =	sor.u32 @!p0 s4, s6;
	[sflag:s5] =	ssyncadd.s32 @!p0 $0xFFFFFFFF  }
0xb3: {  	s25 =	simm.s32 $0x1B8E;
	s24 =	sld [smem:$0x3FFE];
	[sflag:s4] =	ssyncadd.remote.s32 @!p0 $0x1  }
0xb4: {  	s26 =	simm.s32 $execute0_lowered;
	[smem:$0x3FD2] =	sst s25  }
0xb5: {  	s5 =	sshll.u32 s26, $0x1;
	_ =	strace $0x8000004C;
	[dreg:$0x1] =	wrdreg $0xFFFFFFFF  }
0xb6: {  	s28 =	simm.s32 $_size_execute0_lowered;
	s3 =	sadd.s32 s3, s5;
	[dreg:$0x0] =	wrdreg $0x0  }
0xb7: {  	s5 =	sshll.u32 s28, $0x1;
	[dreg:$0x2] =	wrdreg s3  }
0xb8: {  	[dreg:$0x3] =	wrdreg s5  }
0xb9: {  	[dreg:$0x4] =	wrdreg $0xC0  }
0xba: {  	_ =	task [dreg:s22], $0x5FFFF  }
0xbb: {  	[dreg:$0x1] =	wrdreg $0xFFFFFFFF  }
0xbc: {  	[dreg:$0x0] =	wrdreg $0x60  }
0xbd: {  	[dreg:$0x2] =	wrdreg s24  }
0xbe: {  	[dreg:$0x3] =	wrdreg $0xB  }
0xbf: {  	_ =	task.clear_ibuf [dreg:s22], $0x4FFFF;
	_ =	strace $0x9000004C  }
0xc0: {  	s29 =	simm.s32 $0xB;
	_ =	strace $0x8000004E  }
0xc1: {  	_ =	swait.ge [sflag:s29], $0x1  }
0xc2: {  	[sflag:s29] =	ssyncadd.s32 $0xFFFFFFFF  }
0xc3: {  	_ =	strace $0x9000004E  }
0xc4: {  	_ =	sfence  }
0xc5: {  	s30 =	sld [smem:$0x0];
	_ =	sdelay $0x2  }
0xc6: {  	s31 =	sshll.u32 s1, $0xD;
	s1 =	sshrl.u32 s1, $0x2  }
0xc7: {  	s4 =	sand.u32 $0x4000, s31;
	s1 =	sadd.s32 s1, s30  }
0xc8: {  	s0 =	sor.u32 s4, s0;
	s1 =	sshll.u32 s1, $0x11  }
0xc9: {  	s0 =	sor.u32 s1, s0  }
0xca: {  	s0 =	sadd.s32 $0x8F2B, s0  }
0xcb: {  	[sflag:s0] =	ssyncadd.remote.s32 $0x1  }
0xcc: {  	_ =	sfence.sel $0xFFFF  }
0xcd: {  	[dreg:$0x0] =	wrdreg $0xFFFFFFFF;
	(pc) =	sbr.abs _section_cstart, $3  }
0xce: {  	[dreg:$0x1] =	wrdreg $0xFFFFFFFF  }
0xcf: {  	_ =	task.clear_ibuf [dreg:s22], $0x2FFFF;
	_ =	strace $0x9FFFFFFF  }
0xd0: {  	(tm) =	ssettm $0x7FFFFFFF  }
0xd1: {  	_ =	shalt  }
tec
execute0_lowered:
.L_overlay_start_1:
0x0: {  	(tag) =	ssettag $0x1  }
0x1: {  	s0 =	rddreg [dreg:$0x0];
	s1 =	srdreg.scid  }
0x2: {  	s3 =	stileid.u32;
	s2 =	simm.s32 $0x0;
	s10 =	simm.s32 $0x2  }
0x3: {  	s21 =	simm.s32 $0x80;
	s12 =	simm.s32 $0x880;
	s13 =	simm.s32 $0x1080  }
0x4: {  	s14 =	simm.s32 $0x1880;
	s15 =	simm.s32 $0x2080;
	s16 =	simm.s32 $0x2880  }
0x5: {  	s17 =	simm.s32 $0x3080;
	s18 =	simm.s32 $0x3880;
	s19 =	simm.s32 $0x4080  }
0x6: {  	s20 =	simm.s32 $0x4880;
	s22 =	simm.s32 $0x5080;
	s28 =	simm.s32 $0x8080  }
0x7: {  	s29 =	simm.s32 $0x8880;
	s30 =	simm.s32 $0x9080;
	s1 =	sand.u32 $0x1, s1  }
0x8: {  	s31 =	simm.s32 $0x9880;
	s3 =	sshll.u32 s3, $0x5;
	s4 =	sshll.u32 s1, $0x4  }
0x9: {  	[smem:$0x7FF] =	sst s2;
	s7 =	sadd.s32 $0x123C00, s0;
	s4 =	sor.u32 s4, s3  }
0xa: {  	_ =	strace $0x8000004D;
	s1 =	ssub.s32 $0x2, s1;
	s5 =	smul.u32 $0x300, s4  }
0xb: {  	s3 =	sadd.s32 $0x3000, s0;
	s8 =	sshrl.u32 s1, $0x1;
	s6 =	smul.u32 $0x1800, s4  }
0xc: {  	s4 =	sadd.s32 s4, s0;
	s1 =	ssub.s32 s1, s8;
	s8 =	simm.s32 $0xB080  }
0xd: {  	s4 =	sadd.s32 $0x123A00, s4;
	s9 =	sadd.s32 s7, s5;
	s23 =	sshrl.u32 s6, $0x3  }
0xe: {  	[dreg:$0x2] =	wrdreg s4;
	s5 =	sadd.s32 $0x3100, s0;
	s4 =	simm.s32 $0x1  }
0xf: {  	[dreg:$0x6] =	wrdreg s9;
	s24 =	sadd.s32 $0xC00, s9;
	s6 =	sadd.s32 s7, s23  }
0x10: {  	s7 =	smax.u32 s1, $0x1;
	s23 =	simm.s32 $0x5880;
	s9 =	simm.s32 $0xB880  }
0x11: {  	v2 =	vlaneseq.u32;
	[dreg:$0x3] =	wrdreg s24;
	s25 =	sadd.s32 $0x1800, s6;
	s26 =	sadd.s32 $0x2400, s6  }
0x12: {  	vm0 =	vmmov $0xffff;
	v1 =	vshrl.u32 v2, $0x3;
	s6 =	sadd.s32 $0x3200, s0;
	s24 =	simm.s32 $0x6880;
	[dreg:$0x4] =	wrdreg s25  }
0x13: {  	v0 =	vand.u32 $0x7, v2;
	v2 =	vor.u32 $0x8, v2;
	v1 =	vmul.u32 $0x8, v1;
	[dreg:$0x5] =	wrdreg s26;
	s25 =	simm.s32 $0x7080;
	s26 =	simm.s32 $0x7880  }
.LBB2_1:
0x14: {  	s11 =	rddreg [dreg:$0x2];
	s0 =	simm.s32 $0x3  }
0x15: {  	[tilespmem:s2], [sflag:$0x3] =	stream.linear.gather [hbm4b:s11+s2], $0x80, $0x38;
	[tilespmem:$0xC080] =	vst v63  }
0x16: {  	_ =	swait.ge [sflag:s0], $0x80  }
0x17: {  	[sflag:s0] =	ssyncset.done $0x0  }
0x18: {  	[sflag:s0] =	ssyncadd.s32 $0xFFFFFF80  }
0x19: {  	v3 =	vld [tilespmem:$0x0];
	_ =	sdelay $0x4  }
0x1a: {  	v4 =	vshrl.u32 v3, $0x3  }
0x1b: {  	v4 =	vmul.u32 $0x30, v4  }
0x1c: {  	v3 =	vand.u32 $0x7, v3  }
0x1d: {  	v3 =	vor.u32 v3, v4  }
0x1e: {  	v4 =	vperm.xlane v3, v0;
	_ =	sdelay $0x1  }
0x1f: {  	v4 =	vadd.s32 v1, v4;
	_ =	sdelay $0x3  }
0x20: {  	v3 =	vperm.xlane v3, v2  }
0x21: {  	[tilespmem:s21], [sflag:$0x1] =	stream.indirect_vreg.gather [hbm4b:s3+s2], $0x80, v4, vm0, $0xb8;
	[tilespmem:$0xC080] =	vst v63  }
0x22: {  	v3 =	vadd.s32 v1, v3  }
0x23: {  	[tilespmem:s12], [sflag:$0x1] =	stream.indirect_vreg.gather [hbm4b:s5+s2], $0x80, v4, vm0, $0xb8;
	[tilespmem:$0xC080] =	vst v63  }
0x24: {  	_ = 	snop  }
0x25: {  	[tilespmem:s13], [sflag:$0x1] =	stream.indirect_vreg.gather [hbm4b:s6+s2], $0x80, v4, vm0, $0xb8;
	[tilespmem:$0xC080] =	vst v63  }
0x26: {  	_ = 	snop  }
0x27: {  	[tilespmem:s14], [sflag:$0x1] =	stream.indirect_vreg.gather [hbm4b:s3+s2], $0x80, v3, vm0, $0xb8;
	[tilespmem:$0xC080] =	vst v63  }
0x28: {  	_ = 	snop  }
0x29: {  	[tilespmem:s15], [sflag:$0x1] =	stream.indirect_vreg.gather [hbm4b:s5+s2], $0x80, v3, vm0, $0xb8;
	[tilespmem:$0xC080] =	vst v63  }
0x2a: {  	_ = 	snop  }
0x2b: {  	[tilespmem:s16], [sflag:$0x1] =	stream.indirect_vreg.gather [hbm4b:s6+s2], $0x80, v3, vm0, $0xb8;
	[tilespmem:$0xC080] =	vst v63  }
0x2c: {  	v3 =	vld [tilespmem:$0x10];
	_ =	sdelay $0x4  }
0x2d: {  	v57 =	vshrl.u32 v3, $0x3  }
0x2e: {  	v4 =	vmul.u32 $0x30, v57  }
0x2f: {  	v3 =	vand.u32 $0x7, v3  }
0x30: {  	v3 =	vor.u32 v3, v4  }
0x31: {  	v4 =	vperm.xlane v3, v0;
	_ =	sdelay $0x1  }
0x32: {  	v4 =	vadd.s32 v1, v4;
	_ =	sdelay $0x3  }
0x33: {  	v3 =	vperm.xlane v3, v2  }
0x34: {  	[tilespmem:s17], [sflag:$0x1] =	stream.indirect_vreg.gather [hbm4b:s3+s2], $0x80, v4, vm0, $0xb8;
	[tilespmem:$0xC080] =	vst v63  }
0x35: {  	v3 =	vadd.s32 v1, v3  }
0x36: {  	[tilespmem:s18], [sflag:$0x1] =	stream.indirect_vreg.gather [hbm4b:s5+s2], $0x80, v4, vm0, $0xb8;
	[tilespmem:$0xC080] =	vst v63  }
0x37: {  	_ = 	snop  }
0x38: {  	[tilespmem:s19], [sflag:$0x1] =	stream.indirect_vreg.gather [hbm4b:s6+s2], $0x80, v4, vm0, $0xb8;
	[tilespmem:$0xC080] =	vst v63  }
0x39: {  	_ = 	snop  }
0x3a: {  	[tilespmem:s20], [sflag:$0x1] =	stream.indirect_vreg.gather [hbm4b:s3+s2], $0x80, v3, vm0, $0xb8;
	[tilespmem:$0xC080] =	vst v63  }
0x3b: {  	_ = 	snop  }
0x3c: {  	[tilespmem:s22], [sflag:$0x1] =	stream.indirect_vreg.gather [hbm4b:s5+s2], $0x80, v3, vm0, $0xb8;
	[tilespmem:$0xC080] =	vst v63  }
0x3d: {  	_ = 	snop  }
0x3e: {  	[tilespmem:s23], [sflag:$0x1] =	stream.indirect_vreg.gather [hbm4b:s6+s2], $0x80, v3, vm0, $0xb8;
	[tilespmem:$0xC080] =	vst v63  }
0x3f: {  	v3 =	vld [tilespmem:$0x20];
	_ =	sdelay $0x4  }
0x40: {  	v58 =	vshrl.u32 v3, $0x3  }
0x41: {  	v4 =	vmul.u32 $0x30, v58  }
0x42: {  	v3 =	vand.u32 $0x7, v3  }
0x43: {  	v3 =	vor.u32 v3, v4  }
0x44: {  	v4 =	vperm.xlane v3, v0;
	_ =	sdelay $0x1  }
0x45: {  	v4 =	vadd.s32 v1, v4;
	_ =	sdelay $0x3  }
0x46: {  	s0 =	simm.s32 $0x6080;
	v3 =	vperm.xlane v3, v2  }
0x47: {  	[tilespmem:s0], [sflag:$0x1] =	stream.indirect_vreg.gather [hbm4b:s3+s2], $0x80, v4, vm0, $0xb8;
	[tilespmem:$0xC080] =	vst v63  }
0x48: {  	v3 =	vadd.s32 v1, v3  }
0x49: {  	[tilespmem:s24], [sflag:$0x1] =	stream.indirect_vreg.gather [hbm4b:s5+s2], $0x80, v4, vm0, $0xb8;
	[tilespmem:$0xC080] =	vst v63  }
0x4a: {  	_ = 	snop  }
0x4b: {  	[tilespmem:s25], [sflag:$0x1] =	stream.indirect_vreg.gather [hbm4b:s6+s2], $0x80, v4, vm0, $0xb8;
	[tilespmem:$0xC080] =	vst v63  }
0x4c: {  	_ = 	snop  }
0x4d: {  	[tilespmem:s26], [sflag:$0x1] =	stream.indirect_vreg.gather [hbm4b:s3+s2], $0x80, v3, vm0, $0xb8;
	[tilespmem:$0xC080] =	vst v63  }
0x4e: {  	_ = 	snop  }
0x4f: {  	[tilespmem:s28], [sflag:$0x1] =	stream.indirect_vreg.gather [hbm4b:s5+s2], $0x80, v3, vm0, $0xb8;
	[tilespmem:$0xC080] =	vst v63  }
0x50: {  	_ = 	snop  }
0x51: {  	[tilespmem:s29], [sflag:$0x1] =	stream.indirect_vreg.gather [hbm4b:s6+s2], $0x80, v3, vm0, $0xb8;
	[tilespmem:$0xC080] =	vst v63  }
0x52: {  	v3 =	vld [tilespmem:$0x30];
	_ =	sdelay $0x4  }
0x53: {  	v59 =	vshrl.u32 v3, $0x3  }
0x54: {  	v4 =	vmul.u32 $0x30, v59  }
0x55: {  	v3 =	vand.u32 $0x7, v3  }
0x56: {  	v3 =	vor.u32 v3, v4  }
0x57: {  	v4 =	vperm.xlane v3, v0;
	_ =	sdelay $0x1  }
0x58: {  	v4 =	vadd.s32 v1, v4;
	_ =	sdelay $0x3  }
0x59: {  	v3 =	vperm.xlane v3, v2  }
0x5a: {  	[tilespmem:s30], [sflag:$0x1] =	stream.indirect_vreg.gather [hbm4b:s3+s2], $0x80, v4, vm0, $0xb8;
	[tilespmem:$0xC080] =	vst v63  }
0x5b: {  	v3 =	vadd.s32 v1, v3  }
0x5c: {  	[tilespmem:s31], [sflag:$0x1] =	stream.indirect_vreg.gather [hbm4b:s5+s2], $0x80, v4, vm0, $0xb8;
	[tilespmem:$0xC080] =	vst v63  }
0x5d: {  	s1 =	simm.s32 $0xA080  }
0x5e: {  	[tilespmem:s1], [sflag:$0x1] =	stream.indirect_vreg.gather [hbm4b:s6+s2], $0x80, v4, vm0, $0xb8;
	[tilespmem:$0xC080] =	vst v63  }
0x5f: {  	s1 =	simm.s32 $0xA880  }
0x60: {  	[tilespmem:s1], [sflag:$0x1] =	stream.indirect_vreg.gather [hbm4b:s3+s2], $0x80, v3, vm0, $0xb8;
	[tilespmem:$0xC080] =	vst v63  }
0x61: {  	_ = 	snop  }
0x62: {  	[tilespmem:s8], [sflag:$0x1] =	stream.indirect_vreg.gather [hbm4b:s5+s2], $0x80, v3, vm0, $0xb8;
	[tilespmem:$0xC080] =	vst v63  }
0x63: {  	_ = 	snop  }
0x64: {  	[tilespmem:s9], [sflag:$0x1] =	stream.indirect_vreg.gather [hbm4b:s6+s2], $0x80, v3, vm0, $0xb8;
	[tilespmem:$0xC080] =	vst v63  }
0x65: {  	_ =	swait.ge [sflag:s4], $0x6000  }
0x66: {  	[sflag:s4] =	ssyncset.done $0x0  }
0x67: {  	s11 =	rddreg [dreg:$0x6];
	[sflag:s4] =	ssyncadd.s32 $0xFFFFA000  }
0x68: {  	[hbm4b:s11+s2] =	stream.linear.scatter [tilespmem:s21], [sflag:$0x2], $0x6000, $0x38;
	[tilespmem:$0xC080] =	vst v63  }
0x69: {  	_ =	swait.ge [sflag:s10], $0x6000  }
0x6a: {  	[sflag:s10] =	ssyncset.done $0x0  }
0x6b: {  	[sflag:s10] =	ssyncadd.s32 $0xFFFFA000  }
0x6c: {  	v3 =	vld [tilespmem:$0x40];
	_ =	sdelay $0x4  }
0x6d: {  	v60 =	vshrl.u32 v3, $0x3  }
0x6e: {  	v4 =	vmul.u32 $0x30, v60  }
0x6f: {  	v3 =	vand.u32 $0x7, v3  }
0x70: {  	v3 =	vor.u32 v3, v4  }
0x71: {  	v4 =	vperm.xlane v3, v0;
	_ =	sdelay $0x1  }
0x72: {  	v4 =	vadd.s32 v1, v4;
	_ =	sdelay $0x3  }
0x73: {  	v3 =	vperm.xlane v3, v2  }
0x74: {  	[tilespmem:s21], [sflag:$0x1] =	stream.indirect_vreg.gather [hbm4b:s3+s2], $0x80, v4, vm0, $0xb8;
	[tilespmem:$0xC080] =	vst v63  }
0x75: {  	v3 =	vadd.s32 v1, v3  }
0x76: {  	[tilespmem:s12], [sflag:$0x1] =	stream.indirect_vreg.gather [hbm4b:s5+s2], $0x80, v4, vm0, $0xb8;
	[tilespmem:$0xC080] =	vst v63  }
0x77: {  	_ = 	snop  }
0x78: {  	[tilespmem:s13], [sflag:$0x1] =	stream.indirect_vreg.gather [hbm4b:s6+s2], $0x80, v4, vm0, $0xb8;
	[tilespmem:$0xC080] =	vst v63  }
0x79: {  	_ = 	snop  }
0x7a: {  	[tilespmem:s14], [sflag:$0x1] =	stream.indirect_vreg.gather [hbm4b:s3+s2], $0x80, v3, vm0, $0xb8;
	[tilespmem:$0xC080] =	vst v63  }
0x7b: {  	_ = 	snop  }
0x7c: {  	[tilespmem:s15], [sflag:$0x1] =	stream.indirect_vreg.gather [hbm4b:s5+s2], $0x80, v3, vm0, $0xb8;
	[tilespmem:$0xC080] =	vst v63  }
0x7d: {  	_ = 	snop  }
0x7e: {  	[tilespmem:s16], [sflag:$0x1] =	stream.indirect_vreg.gather [hbm4b:s6+s2], $0x80, v3, vm0, $0xb8;
	[tilespmem:$0xC080] =	vst v63  }
0x7f: {  	v3 =	vld [tilespmem:$0x50];
	_ =	sdelay $0x4  }
0x80: {  	v61 =	vshrl.u32 v3, $0x3  }
0x81: {  	v4 =	vmul.u32 $0x30, v61  }
0x82: {  	v3 =	vand.u32 $0x7, v3  }
0x83: {  	v3 =	vor.u32 v3, v4  }
0x84: {  	v4 =	vperm.xlane v3, v0;
	_ =	sdelay $0x1  }
0x85: {  	v4 =	vadd.s32 v1, v4;
	_ =	sdelay $0x3  }
0x86: {  	v3 =	vperm.xlane v3, v2  }
0x87: {  	[tilespmem:s17], [sflag:$0x1] =	stream.indirect_vreg.gather [hbm4b:s3+s2], $0x80, v4, vm0, $0xb8;
	[tilespmem:$0xC080] =	vst v63  }
0x88: {  	v3 =	vadd.s32 v1, v3  }
0x89: {  	[tilespmem:s18], [sflag:$0x1] =	stream.indirect_vreg.gather [hbm4b:s5+s2], $0x80, v4, vm0, $0xb8;
	[tilespmem:$0xC080] =	vst v63  }
0x8a: {  	_ = 	snop  }
0x8b: {  	[tilespmem:s19], [sflag:$0x1] =	stream.indirect_vreg.gather [hbm4b:s6+s2], $0x80, v4, vm0, $0xb8;
	[tilespmem:$0xC080] =	vst v63  }
0x8c: {  	_ = 	snop  }
0x8d: {  	[tilespmem:s20], [sflag:$0x1] =	stream.indirect_vreg.gather [hbm4b:s3+s2], $0x80, v3, vm0, $0xb8;
	[tilespmem:$0xC080] =	vst v63  }
0x8e: {  	_ = 	snop  }
0x8f: {  	[tilespmem:s22], [sflag:$0x1] =	stream.indirect_vreg.gather [hbm4b:s5+s2], $0x80, v3, vm0, $0xb8;
	[tilespmem:$0xC080] =	vst v63  }
0x90: {  	_ = 	snop  }
0x91: {  	[tilespmem:s23], [sflag:$0x1] =	stream.indirect_vreg.gather [hbm4b:s6+s2], $0x80, v3, vm0, $0xb8;
	[tilespmem:$0xC080] =	vst v63  }
0x92: {  	_ =	swait.ge [sflag:s4], $0x6000  }
0x93: {  	[sflag:s4] =	ssyncset.done $0x0  }
0x94: {  	s11 =	rddreg [dreg:$0x3];
	[sflag:s4] =	ssyncadd.s32 $0xFFFFA000  }
0x95: {  	[hbm4b:s11+s2] =	stream.linear.scatter [tilespmem:s0], [sflag:$0x2], $0x6000, $0x38;
	[tilespmem:$0xC080] =	vst v63  }
0x96: {  	_ =	swait.ge [sflag:s10], $0x6000  }
0x97: {  	[sflag:s10] =	ssyncset.done $0x0  }
0x98: {  	[sflag:s10] =	ssyncadd.s32 $0xFFFFA000  }
0x99: {  	v3 =	vld [tilespmem:$0x60];
	_ =	sdelay $0x4  }
0x9a: {  	v62 =	vshrl.u32 v3, $0x3  }
0x9b: {  	v4 =	vmul.u32 $0x30, v62  }
0x9c: {  	v3 =	vand.u32 $0x7, v3  }
0x9d: {  	v3 =	vor.u32 v3, v4  }
0x9e: {  	v4 =	vperm.xlane v3, v0;
	_ =	sdelay $0x1  }
0x9f: {  	v4 =	vadd.s32 v1, v4;
	_ =	sdelay $0x3  }
0xa0: {  	v3 =	vperm.xlane v3, v2  }
0xa1: {  	[tilespmem:s0], [sflag:$0x1] =	stream.indirect_vreg.gather [hbm4b:s3+s2], $0x80, v4, vm0, $0xb8;
	[tilespmem:$0xC080] =	vst v63  }
0xa2: {  	v3 =	vadd.s32 v1, v3  }
0xa3: {  	[tilespmem:s24], [sflag:$0x1] =	stream.indirect_vreg.gather [hbm4b:s5+s2], $0x80, v4, vm0, $0xb8;
	[tilespmem:$0xC080] =	vst v63  }
0xa4: {  	_ = 	snop  }
0xa5: {  	[tilespmem:s25], [sflag:$0x1] =	stream.indirect_vreg.gather [hbm4b:s6+s2], $0x80, v4, vm0, $0xb8;
	[tilespmem:$0xC080] =	vst v63  }
0xa6: {  	_ = 	snop  }
0xa7: {  	[tilespmem:s26], [sflag:$0x1] =	stream.indirect_vreg.gather [hbm4b:s3+s2], $0x80, v3, vm0, $0xb8;
	[tilespmem:$0xC080] =	vst v63  }
0xa8: {  	_ = 	snop  }
0xa9: {  	[tilespmem:s28], [sflag:$0x1] =	stream.indirect_vreg.gather [hbm4b:s5+s2], $0x80, v3, vm0, $0xb8;
	[tilespmem:$0xC080] =	vst v63  }
0xaa: {  	_ = 	snop  }
0xab: {  	[tilespmem:s29], [sflag:$0x1] =	stream.indirect_vreg.gather [hbm4b:s6+s2], $0x80, v3, vm0, $0xb8;
	[tilespmem:$0xC080] =	vst v63  }
0xac: {  	v3 =	vld [tilespmem:$0x70];
	_ =	sdelay $0x4  }
0xad: {  	v63 =	vshrl.u32 v3, $0x3  }
0xae: {  	v4 =	vmul.u32 $0x30, v63  }
0xaf: {  	v3 =	vand.u32 $0x7, v3  }
0xb0: {  	v3 =	vor.u32 v3, v4  }
0xb1: {  	v4 =	vperm.xlane v3, v0;
	_ =	sdelay $0x1  }
0xb2: {  	v4 =	vadd.s32 v1, v4;
	_ =	sdelay $0x3  }
0xb3: {  	v3 =	vperm.xlane v3, v2  }
0xb4: {  	[tilespmem:s30], [sflag:$0x1] =	stream.indirect_vreg.gather [hbm4b:s3+s2], $0x80, v4, vm0, $0xb8;
	[tilespmem:$0xC080] =	vst v63  }
0xb5: {  	v3 =	vadd.s32 v1, v3  }
0xb6: {  	[tilespmem:s31], [sflag:$0x1] =	stream.indirect_vreg.gather [hbm4b:s5+s2], $0x80, v4, vm0, $0xb8;
	[tilespmem:$0xC080] =	vst v63  }
0xb7: {  	s11 =	simm.s32 $0xA080  }
0xb8: {  	[tilespmem:s11], [sflag:$0x1] =	stream.indirect_vreg.gather [hbm4b:s6+s2], $0x80, v4, vm0, $0xb8;
	[tilespmem:$0xC080] =	vst v63  }
0xb9: {  	_ = 	snop  }
0xba: {  	[tilespmem:s1], [sflag:$0x1] =	stream.indirect_vreg.gather [hbm4b:s3+s2], $0x80, v3, vm0, $0xb8;
	[tilespmem:$0xC080] =	vst v63  }
0xbb: {  	_ = 	snop  }
0xbc: {  	[tilespmem:s8], [sflag:$0x1] =	stream.indirect_vreg.gather [hbm4b:s5+s2], $0x80, v3, vm0, $0xb8;
	[tilespmem:$0xC080] =	vst v63  }
0xbd: {  	_ = 	snop  }
0xbe: {  	[tilespmem:s9], [sflag:$0x1] =	stream.indirect_vreg.gather [hbm4b:s6+s2], $0x80, v3, vm0, $0xb8;
	[tilespmem:$0xC080] =	vst v63  }
0xbf: {  	_ =	swait.ge [sflag:s4], $0x6000  }
0xc0: {  	[sflag:s4] =	ssyncset.done $0x0  }
0xc1: {  	s1 =	rddreg [dreg:$0x4];
	[sflag:s4] =	ssyncadd.s32 $0xFFFFA000  }
0xc2: {  	[hbm4b:s1+s2] =	stream.linear.scatter [tilespmem:s21], [sflag:$0x2], $0x6000, $0x38;
	[tilespmem:$0xC080] =	vst v63  }
0xc3: {  	_ =	swait.ge [sflag:s4], $0x6000  }
0xc4: {  	[sflag:s4] =	ssyncset.done $0x0  }
0xc5: {  	s1 =	rddreg [dreg:$0x5];
	[sflag:s4] =	ssyncadd.s32 $0xFFFFA000  }
0xc6: {  	[hbm4b:s1+s2] =	stream.linear.scatter [tilespmem:s0], [sflag:$0x2], $0x6000, $0x38;
	[tilespmem:$0xC080] =	vst v63  }
0xc7: {  	p0 =	sne.s32 s7, $0x1;
	_ =	swait.ge [sflag:s10], $0x6000  }
.Ltmp0:
0xc8: {  	[sflag:s10] =	ssyncset.done $0x0;
	(pc) =	sbr.rel @p0 .LBB2_1-.Ltmp0, $4  }
0xc9: {  	[sflag:s10] =	ssyncadd.s32 $0xFFFFA000  }
0xca: {  	_ =	swait.ge [sflag:s10], $0x6000  }
0xcb: {  	[sflag:s10] =	ssyncset.done $0x0  }
0xcc: {  	s7 =	sadd.s32 $0xFFFFFFFF, s7;
	[sflag:s10] =	ssyncadd.s32 $0xFFFFA000  }
0xcd: {  	_ =	sfence.sel $0x180000  }
0xce: {  	[bflag:$0x0] =	sbarrier.arrive $0xFFFF  }
0xcf: {  	_ =	strace $0x9000004D  }
0xd0: {  	s0 =	stileid.u32;
	[bflag:$0x2] =	sbarrier.arrive $0xFFFF  }
0xd1: {  	p0 =	sne.s32 s0, $0x0;
	s0 =	rddreg [dreg:$0x1]  }
0xd2: {  	s0 =	sadd.s32 @!p0 $0x100000, s0  }
0xd3: {  	[sflag:s0] =	ssyncadd.tile.s32 @!p0 $0x1;
	_ =	shalt  }
.Lfunc_end2:
_tile_overlayer_lowered:
.L_overlay_start_2:
0xd4: {  	(tag) =	ssettag $0x2  }
0xd5: {  	s0 =	rddreg [dreg:$0x0];
	s2 =	stileid.u32  }
0xd6: {  	s1 =	rddreg [dreg:$0x1];
	p0 =	sne.s32 s2, $0x0  }
0xd7: {  	s3 =	rddreg [dreg:$0x2];
	[bflag:$0x3] =	sbarrier.arrive $0xFFFF;
	s2 =	simm.s32 @!p0 $0x1C03  }
0xd8: {  	[timem:s3], [sflag:s2] =	dma.local @!p0 [hbm:s0], s1  }
0xd9: {  	s0 =	simm.s32 @!p0 $0x3  }
0xda: {  	_ =	swait.ge @!p0 [sflag:s0], s1  }
0xdb: {  	s1 =	ssub.s32 @!p0 $0x0, s1;
	[sflag:s0] =	ssyncset.done @!p0 $0x0  }
0xdc: {  	[sflag:s0] =	ssyncadd.s32 @!p0 s1  }
0xdd: {  	[bflag:$0x3] =	sbarrier.arrive $0xFFFF  }
0xde: {  	_ =	shalt  }

// kernel: kernel.21.cloned.1.call-start
scs
__scs_entry_jumppad:
0x0: {  	(pc) =	sbr.rel $0x88, $3  }
0x1: {  	(tag) =	ssettag $0x0;
	lr =	simm.s32 $0x1  }
0x2: {  	[smem:$0x3F9B] =	sst lr;
	_ =	strace $0xD0000000  }
0x3: {  	_ = 	snop  }
0x4: {  	_ = 	snop  }
0x5: {  	_ = 	snop  }
0x6: {  	_ = 	snop  }
0x7: {  	_ = 	snop  }
__scs_overlays_trampoline_lowered:
0x8: {  	[smem:$0x3FAA] =	sst s0  }
0x9: {  	[smem:$0x3FAB] =	sst s1  }
0xa: {  	[smem:$0x3FAC] =	sst s2  }
0xb: {  	[smem:$0x3FAD] =	sst s3  }
0xc: {  	[smem:$0x3FAE] =	sst s4  }
0xd: {  	[smem:$0x3FAF] =	sst s5  }
0xe: {  	[smem:$0x3FB0] =	sst s6  }
0xf: {  	[smem:$0x3FB1] =	sst s7  }
0x10: {  	[smem:$0x3FB2] =	sst s8  }
0x11: {  	[smem:$0x3FB3] =	sst s9;
	s0 =	simm.s32 @!p0 $0x0  }
0x12: {  	s1 =	sld [smem:$0x3F99];
	s0 =	simm.s32 @p0 $0x1  }
0x13: {  	[smem:$0x3FB4] =	sst s0;
	s0 =	simm.s32 @!p1 $0x0  }
0x14: {  	s2 =	sld [smem:$0x3F98];
	s0 =	simm.s32 @p1 $0x1  }
0x15: {  	[smem:$0x3FB5] =	sst s0;
	s0 =	simm.s32 @!p2 $0x0  }
0x16: {  	s3 =	sld [smem:$0x3FDB];
	s0 =	simm.s32 @p2 $0x1  }
0x17: {  	s4 =	simm.s32 $0x1BF5;
	[smem:$0x3FB7] =	sst s0  }
0x18: {  	s0 =	sld [smem:$0x3F9A];
	_ =	swait.ge [sflag:s4], $0x0  }
0x19: {  	s7 =	sld [smem:$0x3F9B]  }
0x1a: {  	s8 =	sadd.s32 $0xFFFFE003, lr  }
0x1b: {  	s9 =	sadd.s32 $0xFFFFFEF7, lr;
	s5 =	simm.s32 $0xFFFFFFFF;
	p2 =	slt.u32 s8, $0xFFFFF086  }
0x1c: {  	p1 =	slt.u32 s9, $0xF7A;
	s5 =	simm.s32 @!p2 $0x0  }
0x1d: {  	s5 =	simm.s32 @p1 $0x1;
	p0 =	seq.s32 s7, s2  }
0x1e: {  	s7 =	smul.u32 @!p0 $0xF7A, s2;
	p2 =	seq.s32 @!p0 s5, $0x0  }
0x1f: {  	s9 =	smul.u32 $0xF7A, s1;
	s8 =	simm.s32 @!p0 $0x1BF5;
	p2 =	por !p2, p0  }
0x20: {  	[sflag:s8] =	ssyncset.s32 @!p0 $0xFFFFF086;
	s6 =	sadd.s32 @!p0 s3, s7;
	s7 =	simm.s32 @!p0 $0x108  }
0x21: {  	s3 =	sadd.s32 s3, s9;
	s6 =	sadd.s32 @!p0 $0x88, s6;
	s7 =	simm.s32 @p2 $0x1082  }
0x22: {  	[simem:s7], [sflag:s8] =	dma.local @!p0 [hbm:s6], $0xF7A  }
0x23: {  	s9 =	sor.u32 $0xD0000000, s2;
	s6 =	simm.s32 $0x108;
	_ =	swait.ge @!p0 [sflag:s8], $0x0  }
0x24: {  	s3 =	sadd.s32 $0x88, s3;
	s6 =	simm.s32 @!p1 $0x1082;
	[sflag:s4] =	ssyncset.s32 $0xFFFFF086  }
0x25: {  	[simem:s6], [sflag:s4] =	dma.local [hbm:s3], $0xF7A  }
0x26: {  	[smem:$0x3F9B] =	sst s1;
	(tag) =	ssettag s2;
	_ =	strace s9  }
0x27: {  	s1 =	sld [smem:$0x3FAB]  }
0x28: {  	s2 =	sld [smem:$0x3FAC]  }
0x29: {  	s4 =	sld [smem:$0x3FAE]  }
0x2a: {  	p0 =	seq.s32 s5, $0x0;
	s5 =	sld [smem:$0x3FAF]  }
0x2b: {  	s6 =	sld [smem:$0x3FB0]  }
0x2c: {  	s7 =	sld [smem:$0x3FB1]  }
0x2d: {  	s3 =	simm.s32 $0x108;
	s8 =	sld [smem:$0x3FB2]  }
0x2e: {  	s3 =	simm.s32 @!p0 $0x1082;
	s9 =	sld [smem:$0x3FB3]  }
0x2f: {  	lr =	sadd.s32 s0, s3;
	s0 =	sld [smem:$0x3FAA]  }
0x30: {  	s3 =	sld [smem:$0x3FAD]  }
0x31: {  	[smem:$0x3FB6] =	sst s10  }
0x32: {  	s10 =	sld [smem:$0x3FB4];
	_ =	sdelay $0x3  }
0x33: {  	p0 =	seq.s32 s10, $0x1;
	s10 =	sld [smem:$0x3FB6];
	_ =	sdelay $0x3  }
0x34: {  	[smem:$0x3FB6] =	sst s10  }
0x35: {  	s10 =	sld [smem:$0x3FB5];
	_ =	sdelay $0x3  }
0x36: {  	p1 =	seq.s32 s10, $0x1;
	s10 =	sld [smem:$0x3FB6];
	_ =	sdelay $0x3  }
0x37: {  	[smem:$0x3FB6] =	sst s10  }
0x38: {  	s10 =	sld [smem:$0x3FB7]  }
0x39: {  	_ = 	snop;
	(pc) =	sbr.ind lr, $3  }
0x3a: {  	_ = 	snop  }
0x3b: {  	_ = 	snop  }
0x3c: {  	p2 =	seq.s32 s10, $0x1;
	s10 =	sld [smem:$0x3FB6]  }
0x3d: {  	_ =	shalt  }
0x3e: {  	_ =	shalt  }
0x3f: {  	_ =	shalt  }
0x40: {  	_ =	shalt  }
0x41: {  	_ =	shalt  }
0x42: {  	_ =	shalt  }
0x43: {  	_ =	shalt  }
0x44: {  	_ =	shalt  }
0x45: {  	_ =	shalt  }
0x46: {  	_ =	shalt  }
0x47: {  	_ =	shalt  }
0x48: {  	_ =	shalt  }
0x49: {  	_ =	shalt  }
0x4a: {  	_ =	shalt  }
0x4b: {  	_ =	shalt  }
0x4c: {  	_ =	shalt  }
0x4d: {  	_ =	shalt  }
0x4e: {  	_ =	shalt  }
0x4f: {  	_ =	shalt  }
0x50: {  	_ =	shalt  }
0x51: {  	_ =	shalt  }
0x52: {  	_ =	shalt  }
0x53: {  	_ =	shalt  }
0x54: {  	_ =	shalt  }
0x55: {  	_ =	shalt  }
0x56: {  	_ =	shalt  }
0x57: {  	_ =	shalt  }
0x58: {  	_ =	shalt  }
0x59: {  	_ =	shalt  }
0x5a: {  	_ =	shalt  }
0x5b: {  	_ =	shalt  }
0x5c: {  	_ =	shalt  }
0x5d: {  	_ =	shalt  }
0x5e: {  	_ =	shalt  }
0x5f: {  	_ =	shalt  }
0x60: {  	_ =	shalt  }
0x61: {  	_ =	shalt  }
0x62: {  	_ =	shalt  }
0x63: {  	_ =	shalt  }
0x64: {  	_ =	shalt  }
0x65: {  	_ =	shalt  }
0x66: {  	_ =	shalt  }
0x67: {  	_ =	shalt  }
0x68: {  	_ =	shalt  }
0x69: {  	_ =	shalt  }
0x6a: {  	_ =	shalt  }
0x6b: {  	_ =	shalt  }
0x6c: {  	_ =	shalt  }
0x6d: {  	_ =	shalt  }
0x6e: {  	_ =	shalt  }
0x6f: {  	_ =	shalt  }
0x70: {  	_ =	shalt  }
0x71: {  	_ =	shalt  }
0x72: {  	_ =	shalt  }
0x73: {  	_ =	shalt  }
0x74: {  	_ =	shalt  }
0x75: {  	_ =	shalt  }
0x76: {  	_ =	shalt  }
0x77: {  	_ =	shalt  }
0x78: {  	_ =	shalt  }
0x79: {  	_ =	shalt  }
0x7a: {  	_ =	shalt  }
0x7b: {  	_ =	shalt  }
0x7c: {  	_ =	shalt  }
0x7d: {  	_ =	shalt  }
0x7e: {  	_ =	shalt  }
0x7f: {  	_ =	shalt  }
0x80: {  	_ =	shalt  }
0x81: {  	_ =	shalt  }
0x82: {  	_ =	shalt  }
0x83: {  	_ =	shalt  }
0x84: {  	_ =	shalt  }
0x85: {  	_ =	shalt  }
0x86: {  	_ =	shalt  }
0x87: {  	_ =	shalt  }
.Lfunc_end0:
.L_simem_size_0:
called_computation.3_lowered:
.L_overlay_start_0:
0x88: {  	s2 =	sld [smem:$0x3FD9]  }
0x89: {  	s3 =	sld [smem:$0x3FFE];
	_ =	sdelay $0x1  }
0x8a: {  	s1 =	srdreg.scid  }
0x8b: {  	s0 =	sand.u32 $0x1, s1  }
0x8c: {  	s17 =	sshll.u32 s0, $0xA;
	s2 =	sadd.s32 s3, s2  }
0x8d: {  	s2 =	sadd.s32 s2, s17  }
0x8e: {  	[smem:$0x3FC2] =	sst s2  }
0x8f: {  	_ = 	snop  }
0x90: {  	(tm) =	ssettm $0x1  }
0x91: {  	s18 =	sld [smem:$0x3FFB];
	_ =	sdelay $0x3  }
0x92: {  	_ =	strace s18  }
0x93: {  	s2 =	sld [smem:$0x3FFC];
	_ =	sdelay $0x3  }
0x94: {  	_ =	strace s2  }
0x95: {  	s2 =	sld [smem:$0x3FFD];
	_ =	sdelay $0x3  }
0x96: {  	_ =	strace s2  }
0x97: {  	_ =	strace $0x8FFFFFFF  }
0x98: {  	s19 =	sld [smem:$0x3FDB];
	_ =	sdelay $0x1  }
0x99: {  	s20 =	simm.s32 $_scs_section_size  }
0x9a: {  	s4 =	simm.s32 $_size__tile_overlayer_lowered;
	s5 =	simm.s32 $_tile_overlayer_lowered  }
0x9b: {  	s6 =	simm.s32 $0x1BFF;
	s21 =	sshll.u32 s5, $0x1;
	s3 =	sadd.s32 s20, s19  }
0x9c: {  	s22 =	simm.s32 $0x0;
	s4 =	sshll.u32 s4, $0x1;
	s5 =	sadd.s32 s21, s3  }
0x9d: {  	[timem:s22], [sflag:s6] =	dma.local [hbm:s5], s4  }
0x9e: {  	_ =	swait.ge [sflag:s6], s4  }
0x9f: {  	s4 =	ssub.s32 $0x0, s4;
	[sflag:s6] =	ssyncset.done $0x0  }
0xa0: {  	[sflag:s6] =	ssyncadd.s32 s4;
	_ =	sdelay $0x1  }
0xa1: {  	s23 =	simm.s32 $0x1B8B  }
0xa2: {  	_ =	swait.ge [sflag:s23], $0x1  }
0xa3: {  	[sflag:s23] =	ssyncset.done $0x0  }
0xa4: {  	[sflag:s23] =	ssyncadd.s32 $0xFFFFFFFF  }
0xa5: {  	s4 =	sld [smem:$0x0]  }
0xa6: {  	s5 =	sand.u32 $0xFFFFFFFE, s1  }
0xa7: {  	p0 =	sne.s32 s1, s5  }
0xa8: {  	s5 =	sshll.u32 @p0 s5, $0xE  }
0xa9: {  	s5 =	sadd.s32 @p0 $0x11B8D, s5;
	s6 =	sshll.u32 @p0 s4, $0x11  }
0xaa: {  	s5 =	sor.u32 @p0 s6, s5  }
0xab: {  	[sflag:s5] =	ssyncadd.remote.s32 @p0 $0x1;
	_ =	sdelay $0x1  }
0xac: {  	s5 =	simm.s32 @p0 $0x1B8D  }
0xad: {  	_ =	swait.eq @p0 [sflag:s5], $0x1  }
0xae: {  	[sflag:s5] =	ssyncadd.s32 @p0 $0xFFFFFFFF  }
0xaf: {  	s6 =	sshll.u32 @!p0 s1, $0xE  }
0xb0: {  	s6 =	sor.u32 @!p0 $0x4000, s6;
	s5 =	simm.s32 @!p0 $0x1B8D  }
0xb1: {  	s4 =	sshll.u32 @!p0 s4, $0x11;
	s6 =	sadd.s32 @!p0 $0x11B8D, s6;
	_ =	swait.eq @!p0 [sflag:s5], $0x1  }
0xb2: {  	s4 =	sor.u32 @!p0 s4, s6;
	[sflag:s5] =	ssyncadd.s32 @!p0 $0xFFFFFFFF  }
0xb3: {  	s25 =	simm.s32 $0x1B8E;
	s24 =	sld [smem:$0x3FFE];
	[sflag:s4] =	ssyncadd.remote.s32 @!p0 $0x1  }
0xb4: {  	s26 =	simm.s32 $execute0_lowered;
	[smem:$0x3FD2] =	sst s25  }
0xb5: {  	s5 =	sshll.u32 s26, $0x1;
	_ =	strace $0x8000004F;
	[dreg:$0x1] =	wrdreg $0xFFFFFFFF  }
0xb6: {  	s28 =	simm.s32 $_size_execute0_lowered;
	s3 =	sadd.s32 s3, s5;
	[dreg:$0x0] =	wrdreg $0x0  }
0xb7: {  	s5 =	sshll.u32 s28, $0x1;
	[dreg:$0x2] =	wrdreg s3  }
0xb8: {  	[dreg:$0x3] =	wrdreg s5  }
0xb9: {  	[dreg:$0x4] =	wrdreg $0xC0  }
0xba: {  	_ =	task [dreg:s22], $0x5FFFF  }
0xbb: {  	[dreg:$0x1] =	wrdreg $0xFFFFFFFF  }
0xbc: {  	[dreg:$0x0] =	wrdreg $0x60  }
0xbd: {  	[dreg:$0x2] =	wrdreg s24  }
0xbe: {  	[dreg:$0x3] =	wrdreg $0xC  }
0xbf: {  	_ =	task.clear_ibuf [dreg:s22], $0x4FFFF;
	_ =	strace $0x9000004F  }
0xc0: {  	s29 =	simm.s32 $0xC;
	_ =	strace $0x80000051  }
0xc1: {  	_ =	swait.ge [sflag:s29], $0x1  }
0xc2: {  	[sflag:s29] =	ssyncadd.s32 $0xFFFFFFFF  }
0xc3: {  	_ =	strace $0x90000051  }
0xc4: {  	_ =	sfence  }
0xc5: {  	s30 =	sld [smem:$0x0];
	_ =	sdelay $0x2  }
0xc6: {  	s31 =	sshll.u32 s1, $0xD;
	s1 =	sshrl.u32 s1, $0x2  }
0xc7: {  	s4 =	sand.u32 $0x4000, s31;
	s1 =	sadd.s32 s1, s30  }
0xc8: {  	s0 =	sor.u32 s4, s0;
	s1 =	sshll.u32 s1, $0x11  }
0xc9: {  	s0 =	sor.u32 s1, s0  }
0xca: {  	s0 =	sadd.s32 $0x8F2B, s0  }
0xcb: {  	[sflag:s0] =	ssyncadd.remote.s32 $0x1  }
0xcc: {  	_ =	sfence.sel $0xFFFF  }
0xcd: {  	[dreg:$0x0] =	wrdreg $0xFFFFFFFF;
	(pc) =	sbr.abs _section_cstart, $3  }
0xce: {  	[dreg:$0x1] =	wrdreg $0xFFFFFFFF  }
0xcf: {  	_ =	task.clear_ibuf [dreg:s22], $0x2FFFF;
	_ =	strace $0x9FFFFFFF  }
0xd0: {  	(tm) =	ssettm $0x7FFFFFFF  }
0xd1: {  	_ =	shalt  }
tec
execute0_lowered:
.L_overlay_start_1:
0x0: {  	(tag) =	ssettag $0x1  }
0x1: {  	s1 =	srdreg.scid  }
0x2: {  	s0 =	stileid.u32;
	s5 =	rddreg [dreg:$0x0]  }
0x3: {  	s8 =	simm.s32 $0x80;
	s9 =	simm.s32 $0x880;
	s10 =	simm.s32 $0x1080  }
0x4: {  	s11 =	simm.s32 $0x1880;
	s12 =	simm.s32 $0x2080;
	s13 =	simm.s32 $0x2880  }
0x5: {  	s14 =	simm.s32 $0x3080;
	s15 =	simm.s32 $0x3880;
	s16 =	simm.s32 $0x4080  }
0x6: {  	s17 =	simm.s32 $0x4880;
	s18 =	simm.s32 $0x5080;
	s19 =	simm.s32 $0x5880  }
0x7: {  	s25 =	simm.s32 $0x6880;
	s20 =	simm.s32 $0x6080;
	s26 =	simm.s32 $0x7080  }
0x8: {  	s28 =	simm.s32 $0xA880;
	s1 =	sand.u32 $0x1, s1;
	s2 =	sshll.u32 s0, $0x1  }
0x9: {  	s29 =	simm.s32 $0xB080;
	s30 =	simm.s32 $0xB880;
	s2 =	sor.u32 s1, s2  }
0xa: {  	s1 =	ssub.s32 $0x2, s1;
	s3 =	smul.u32 $0x60, s2;
	s2 =	simm.s32 $0x0  }
0xb: {  	s31 =	simm.s32 $0x1;
	s7 =	sshrl.u32 s1, $0x1;
	[smem:$0x7FF] =	sst s2  }
0xc: {  	s1 =	ssub.s32 s1, s7;
	s7 =	simm.s32 $0x3;
	s3 =	sshrl.u32 s3, $0x3  }
0xd: {  	_ =	strace $0x80000050;
	[dreg:$0x6] =	wrdreg s25;
	s4 =	smul.u32 $0x300, s3  }
0xe: {  	[dreg:$0x7] =	wrdreg s26;
	s25 =	simm.s32 $0x9880;
	s6 =	sadd.s32 s3, s5  }
0xf: {  	s26 =	simm.s32 $0xA080;
	s6 =	sadd.s32 $0x183E00, s6;
	s4 =	sadd.s32 s4, s5  }
0x10: {  	s3 =	sadd.s32 $0x3000, s5;
	[dreg:$0x2] =	wrdreg s6;
	s22 =	sadd.s32 $0x184000, s4  }
0x11: {  	s6 =	smax.u32 s1, $0x1;
	s23 =	sadd.s32 $0x184C00, s4;
	[dreg:$0x3] =	wrdreg s22  }
0x12: {  	v2 =	vlaneseq.u32;
	s1 =	simm.s32 $0x2;
	s24 =	sadd.s32 $0x185800, s4;
	[dreg:$0x4] =	wrdreg s23  }
0x13: {  	vm0 =	vmmov $0xffff;
	v1 =	vshrl.u32 v2, $0x3;
	s4 =	sadd.s32 $0x3100, s5;
	s5 =	sadd.s32 $0x3200, s5;
	[dreg:$0x5] =	wrdreg s24  }
0x14: {  	v0 =	vand.u32 $0x7, v2;
	v2 =	vor.u32 $0x8, v2;
	v1 =	vmul.u32 $0x8, v1;
	s22 =	simm.s32 $0x8080;
	s23 =	simm.s32 $0x8880;
	s24 =	simm.s32 $0x9080  }
.LBB2_1:
0x15: {  	s0 =	rddreg [dreg:$0x2]  }
0x16: {  	[tilespmem:s2], [sflag:$0x3] =	stream.linear.gather [hbm4b:s0+s2], $0x60, $0x38;
	[tilespmem:$0xC080] =	vst v63  }
0x17: {  	_ =	swait.ge [sflag:s7], $0x60  }
0x18: {  	[sflag:s7] =	ssyncset.done $0x0  }
0x19: {  	[sflag:s7] =	ssyncadd.s32 $0xFFFFFFA0  }
0x1a: {  	v3 =	vld [tilespmem:$0x0];
	_ =	sdelay $0x4  }
0x1b: {  	v4 =	vshrl.u32 v3, $0x3  }
0x1c: {  	v4 =	vmul.u32 $0x30, v4  }
0x1d: {  	v3 =	vand.u32 $0x7, v3  }
0x1e: {  	v3 =	vor.u32 v3, v4  }
0x1f: {  	v4 =	vperm.xlane v3, v0;
	_ =	sdelay $0x1  }
0x20: {  	v4 =	vadd.s32 v1, v4;
	_ =	sdelay $0x3  }
0x21: {  	v3 =	vperm.xlane v3, v2  }
0x22: {  	[tilespmem:s8], [sflag:$0x1] =	stream.indirect_vreg.gather [hbm4b:s3+s2], $0x80, v4, vm0, $0xb8;
	[tilespmem:$0xC080] =	vst v63  }
0x23: {  	v3 =	vadd.s32 v1, v3  }
0x24: {  	[tilespmem:s9], [sflag:$0x1] =	stream.indirect_vreg.gather [hbm4b:s4+s2], $0x80, v4, vm0, $0xb8;
	[tilespmem:$0xC080] =	vst v63  }
0x25: {  	_ = 	snop  }
0x26: {  	[tilespmem:s10], [sflag:$0x1] =	stream.indirect_vreg.gather [hbm4b:s5+s2], $0x80, v4, vm0, $0xb8;
	[tilespmem:$0xC080] =	vst v63  }
0x27: {  	_ = 	snop  }
0x28: {  	[tilespmem:s11], [sflag:$0x1] =	stream.indirect_vreg.gather [hbm4b:s3+s2], $0x80, v3, vm0, $0xb8;
	[tilespmem:$0xC080] =	vst v63  }
0x29: {  	_ = 	snop  }
0x2a: {  	[tilespmem:s12], [sflag:$0x1] =	stream.indirect_vreg.gather [hbm4b:s4+s2], $0x80, v3, vm0, $0xb8;
	[tilespmem:$0xC080] =	vst v63  }
0x2b: {  	_ = 	snop  }
0x2c: {  	[tilespmem:s13], [sflag:$0x1] =	stream.indirect_vreg.gather [hbm4b:s5+s2], $0x80, v3, vm0, $0xb8;
	[tilespmem:$0xC080] =	vst v63  }
0x2d: {  	v3 =	vld [tilespmem:$0x10];
	_ =	sdelay $0x4  }
0x2e: {  	v59 =	vshrl.u32 v3, $0x3  }
0x2f: {  	v4 =	vmul.u32 $0x30, v59  }
0x30: {  	v3 =	vand.u32 $0x7, v3  }
0x31: {  	v3 =	vor.u32 v3, v4  }
0x32: {  	v4 =	vperm.xlane v3, v0;
	_ =	sdelay $0x1  }
0x33: {  	v4 =	vadd.s32 v1, v4;
	_ =	sdelay $0x3  }
0x34: {  	v3 =	vperm.xlane v3, v2  }
0x35: {  	[tilespmem:s14], [sflag:$0x1] =	stream.indirect_vreg.gather [hbm4b:s3+s2], $0x80, v4, vm0, $0xb8;
	[tilespmem:$0xC080] =	vst v63  }
0x36: {  	v3 =	vadd.s32 v1, v3  }
0x37: {  	[tilespmem:s15], [sflag:$0x1] =	stream.indirect_vreg.gather [hbm4b:s4+s2], $0x80, v4, vm0, $0xb8;
	[tilespmem:$0xC080] =	vst v63  }
0x38: {  	_ = 	snop  }
0x39: {  	[tilespmem:s16], [sflag:$0x1] =	stream.indirect_vreg.gather [hbm4b:s5+s2], $0x80, v4, vm0, $0xb8;
	[tilespmem:$0xC080] =	vst v63  }
0x3a: {  	_ = 	snop  }
0x3b: {  	[tilespmem:s17], [sflag:$0x1] =	stream.indirect_vreg.gather [hbm4b:s3+s2], $0x80, v3, vm0, $0xb8;
	[tilespmem:$0xC080] =	vst v63  }
0x3c: {  	_ = 	snop  }
0x3d: {  	[tilespmem:s18], [sflag:$0x1] =	stream.indirect_vreg.gather [hbm4b:s4+s2], $0x80, v3, vm0, $0xb8;
	[tilespmem:$0xC080] =	vst v63  }
0x3e: {  	_ = 	snop  }
0x3f: {  	[tilespmem:s19], [sflag:$0x1] =	stream.indirect_vreg.gather [hbm4b:s5+s2], $0x80, v3, vm0, $0xb8;
	[tilespmem:$0xC080] =	vst v63  }
0x40: {  	v3 =	vld [tilespmem:$0x20];
	_ =	sdelay $0x4  }
0x41: {  	v60 =	vshrl.u32 v3, $0x3  }
0x42: {  	v4 =	vmul.u32 $0x30, v60  }
0x43: {  	v3 =	vand.u32 $0x7, v3  }
0x44: {  	v3 =	vor.u32 v3, v4  }
0x45: {  	v4 =	vperm.xlane v3, v0;
	_ =	sdelay $0x1  }
0x46: {  	v4 =	vadd.s32 v1, v4;
	_ =	sdelay $0x3  }
0x47: {  	v3 =	vperm.xlane v3, v2  }
0x48: {  	[tilespmem:s20], [sflag:$0x1] =	stream.indirect_vreg.gather [hbm4b:s3+s2], $0x80, v4, vm0, $0xb8;
	[tilespmem:$0xC080] =	vst v63  }
0x49: {  	s0 =	rddreg [dreg:$0x6];
	v3 =	vadd.s32 v1, v3  }
0x4a: {  	[tilespmem:s0], [sflag:$0x1] =	stream.indirect_vreg.gather [hbm4b:s4+s2], $0x80, v4, vm0, $0xb8;
	[tilespmem:$0xC080] =	vst v63  }
0x4b: {  	s21 =	rddreg [dreg:$0x7]  }
0x4c: {  	[tilespmem:s21], [sflag:$0x1] =	stream.indirect_vreg.gather [hbm4b:s5+s2], $0x80, v4, vm0, $0xb8;
	[tilespmem:$0xC080] =	vst v63  }
0x4d: {  	s21 =	simm.s32 $0x7880  }
0x4e: {  	[tilespmem:s21], [sflag:$0x1] =	stream.indirect_vreg.gather [hbm4b:s3+s2], $0x80, v3, vm0, $0xb8;
	[tilespmem:$0xC080] =	vst v63  }
0x4f: {  	_ = 	snop  }
0x50: {  	[tilespmem:s22], [sflag:$0x1] =	stream.indirect_vreg.gather [hbm4b:s4+s2], $0x80, v3, vm0, $0xb8;
	[tilespmem:$0xC080] =	vst v63  }
0x51: {  	_ = 	snop  }
0x52: {  	[tilespmem:s23], [sflag:$0x1] =	stream.indirect_vreg.gather [hbm4b:s5+s2], $0x80, v3, vm0, $0xb8;
	[tilespmem:$0xC080] =	vst v63  }
0x53: {  	v3 =	vld [tilespmem:$0x30];
	_ =	sdelay $0x4  }
0x54: {  	v61 =	vshrl.u32 v3, $0x3  }
0x55: {  	v4 =	vmul.u32 $0x30, v61  }
0x56: {  	v3 =	vand.u32 $0x7, v3  }
0x57: {  	v3 =	vor.u32 v3, v4  }
0x58: {  	v4 =	vperm.xlane v3, v0;
	_ =	sdelay $0x1  }
0x59: {  	v4 =	vadd.s32 v1, v4;
	_ =	sdelay $0x3  }
0x5a: {  	v3 =	vperm.xlane v3, v2  }
0x5b: {  	[tilespmem:s24], [sflag:$0x1] =	stream.indirect_vreg.gather [hbm4b:s3+s2], $0x80, v4, vm0, $0xb8;
	[tilespmem:$0xC080] =	vst v63  }
0x5c: {  	v3 =	vadd.s32 v1, v3  }
0x5d: {  	[tilespmem:s25], [sflag:$0x1] =	stream.indirect_vreg.gather [hbm4b:s4+s2], $0x80, v4, vm0, $0xb8;
	[tilespmem:$0xC080] =	vst v63  }
0x5e: {  	_ = 	snop  }
0x5f: {  	[tilespmem:s26], [sflag:$0x1] =	stream.indirect_vreg.gather [hbm4b:s5+s2], $0x80, v4, vm0, $0xb8;
	[tilespmem:$0xC080] =	vst v63  }
0x60: {  	_ = 	snop  }
0x61: {  	[tilespmem:s28], [sflag:$0x1] =	stream.indirect_vreg.gather [hbm4b:s3+s2], $0x80, v3, vm0, $0xb8;
	[tilespmem:$0xC080] =	vst v63  }
0x62: {  	_ = 	snop  }
0x63: {  	[tilespmem:s29], [sflag:$0x1] =	stream.indirect_vreg.gather [hbm4b:s4+s2], $0x80, v3, vm0, $0xb8;
	[tilespmem:$0xC080] =	vst v63  }
0x64: {  	_ = 	snop  }
0x65: {  	[tilespmem:s30], [sflag:$0x1] =	stream.indirect_vreg.gather [hbm4b:s5+s2], $0x80, v3, vm0, $0xb8;
	[tilespmem:$0xC080] =	vst v63  }
0x66: {  	_ =	swait.ge [sflag:s31], $0x6000  }
0x67: {  	[sflag:s31] =	ssyncset.done $0x0  }
0x68: {  	s21 =	rddreg [dreg:$0x3];
	[sflag:s31] =	ssyncadd.s32 $0xFFFFA000  }
0x69: {  	[hbm4b:s21+s2] =	stream.linear.scatter [tilespmem:s8], [sflag:$0x2], $0x6000, $0x38;
	[tilespmem:$0xC080] =	vst v63  }
0x6a: {  	_ =	swait.ge [sflag:s1], $0x6000  }
0x6b: {  	[sflag:s1] =	ssyncset.done $0x0  }
0x6c: {  	[sflag:s1] =	ssyncadd.s32 $0xFFFFA000  }
0x6d: {  	v3 =	vld [tilespmem:$0x40];
	_ =	sdelay $0x4  }
0x6e: {  	v62 =	vshrl.u32 v3, $0x3  }
0x6f: {  	v4 =	vmul.u32 $0x30, v62  }
0x70: {  	v3 =	vand.u32 $0x7, v3  }
0x71: {  	v3 =	vor.u32 v3, v4  }
0x72: {  	v4 =	vperm.xlane v3, v0;
	_ =	sdelay $0x1  }
0x73: {  	v4 =	vadd.s32 v1, v4;
	_ =	sdelay $0x3  }
0x74: {  	v3 =	vperm.xlane v3, v2  }
0x75: {  	[tilespmem:s8], [sflag:$0x1] =	stream.indirect_vreg.gather [hbm4b:s3+s2], $0x80, v4, vm0, $0xb8;
	[tilespmem:$0xC080] =	vst v63  }
0x76: {  	v3 =	vadd.s32 v1, v3  }
0x77: {  	[tilespmem:s9], [sflag:$0x1] =	stream.indirect_vreg.gather [hbm4b:s4+s2], $0x80, v4, vm0, $0xb8;
	[tilespmem:$0xC080] =	vst v63  }
0x78: {  	_ = 	snop  }
0x79: {  	[tilespmem:s10], [sflag:$0x1] =	stream.indirect_vreg.gather [hbm4b:s5+s2], $0x80, v4, vm0, $0xb8;
	[tilespmem:$0xC080] =	vst v63  }
0x7a: {  	_ = 	snop  }
0x7b: {  	[tilespmem:s11], [sflag:$0x1] =	stream.indirect_vreg.gather [hbm4b:s3+s2], $0x80, v3, vm0, $0xb8;
	[tilespmem:$0xC080] =	vst v63  }
0x7c: {  	_ = 	snop  }
0x7d: {  	[tilespmem:s12], [sflag:$0x1] =	stream.indirect_vreg.gather [hbm4b:s4+s2], $0x80, v3, vm0, $0xb8;
	[tilespmem:$0xC080] =	vst v63  }
0x7e: {  	_ = 	snop  }
0x7f: {  	[tilespmem:s13], [sflag:$0x1] =	stream.indirect_vreg.gather [hbm4b:s5+s2], $0x80, v3, vm0, $0xb8;
	[tilespmem:$0xC080] =	vst v63  }
0x80: {  	v3 =	vld [tilespmem:$0x50];
	_ =	sdelay $0x4  }
0x81: {  	v63 =	vshrl.u32 v3, $0x3  }
0x82: {  	v4 =	vmul.u32 $0x30, v63  }
0x83: {  	v3 =	vand.u32 $0x7, v3  }
0x84: {  	v3 =	vor.u32 v3, v4  }
0x85: {  	v4 =	vperm.xlane v3, v0;
	_ =	sdelay $0x1  }
0x86: {  	v4 =	vadd.s32 v1, v4;
	_ =	sdelay $0x3  }
0x87: {  	v3 =	vperm.xlane v3, v2  }
0x88: {  	[tilespmem:s14], [sflag:$0x1] =	stream.indirect_vreg.gather [hbm4b:s3+s2], $0x80, v4, vm0, $0xb8;
	[tilespmem:$0xC080] =	vst v63  }
0x89: {  	v3 =	vadd.s32 v1, v3  }
0x8a: {  	[tilespmem:s15], [sflag:$0x1] =	stream.indirect_vreg.gather [hbm4b:s4+s2], $0x80, v4, vm0, $0xb8;
	[tilespmem:$0xC080] =	vst v63  }
0x8b: {  	_ = 	snop  }
0x8c: {  	[tilespmem:s16], [sflag:$0x1] =	stream.indirect_vreg.gather [hbm4b:s5+s2], $0x80, v4, vm0, $0xb8;
	[tilespmem:$0xC080] =	vst v63  }
0x8d: {  	_ = 	snop  }
0x8e: {  	[tilespmem:s17], [sflag:$0x1] =	stream.indirect_vreg.gather [hbm4b:s3+s2], $0x80, v3, vm0, $0xb8;
	[tilespmem:$0xC080] =	vst v63  }
0x8f: {  	_ = 	snop  }
0x90: {  	[tilespmem:s18], [sflag:$0x1] =	stream.indirect_vreg.gather [hbm4b:s4+s2], $0x80, v3, vm0, $0xb8;
	[tilespmem:$0xC080] =	vst v63  }
0x91: {  	_ = 	snop  }
0x92: {  	[tilespmem:s19], [sflag:$0x1] =	stream.indirect_vreg.gather [hbm4b:s5+s2], $0x80, v3, vm0, $0xb8;
	[tilespmem:$0xC080] =	vst v63  }
0x93: {  	_ =	swait.ge [sflag:s31], $0x6000  }
0x94: {  	[sflag:s31] =	ssyncset.done $0x0  }
0x95: {  	s21 =	rddreg [dreg:$0x4];
	[sflag:s31] =	ssyncadd.s32 $0xFFFFA000  }
0x96: {  	[hbm4b:s21+s2] =	stream.linear.scatter [tilespmem:s20], [sflag:$0x2], $0x6000, $0x38;
	[tilespmem:$0xC080] =	vst v63  }
0x97: {  	_ =	swait.ge [sflag:s31], $0x6000  }
0x98: {  	[sflag:s31] =	ssyncset.done $0x0  }
0x99: {  	s21 =	rddreg [dreg:$0x5];
	[sflag:s31] =	ssyncadd.s32 $0xFFFFA000  }
0x9a: {  	[hbm4b:s21+s2] =	stream.linear.scatter [tilespmem:s8], [sflag:$0x2], $0x6000, $0x38;
	[tilespmem:$0xC080] =	vst v63  }
0x9b: {  	p0 =	sne.s32 s6, $0x1;
	_ =	swait.ge [sflag:s1], $0x6000  }
.Ltmp0:
0x9c: {  	[sflag:s1] =	ssyncset.done $0x0;
	(pc) =	sbr.rel @p0 .LBB2_1-.Ltmp0, $4  }
0x9d: {  	[sflag:s1] =	ssyncadd.s32 $0xFFFFA000  }
0x9e: {  	_ =	swait.ge [sflag:s1], $0x6000  }
0x9f: {  	[sflag:s1] =	ssyncset.done $0x0  }
0xa0: {  	s6 =	sadd.s32 $0xFFFFFFFF, s6;
	[sflag:s1] =	ssyncadd.s32 $0xFFFFA000  }
0xa1: {  	_ =	sfence.sel $0x180000  }
0xa2: {  	[bflag:$0x0] =	sbarrier.arrive $0xFFFF  }
0xa3: {  	_ =	strace $0x90000050  }
0xa4: {  	s0 =	stileid.u32;
	[bflag:$0x2] =	sbarrier.arrive $0xFFFF  }
0xa5: {  	p0 =	sne.s32 s0, $0x0;
	s0 =	rddreg [dreg:$0x1]  }
0xa6: {  	s0 =	sadd.s32 @!p0 $0x100000, s0  }
0xa7: {  	[sflag:s0] =	ssyncadd.tile.s32 @!p0 $0x1;
	_ =	shalt  }
.Lfunc_end2:
_tile_overlayer_lowered:
.L_overlay_start_2:
0xa8: {  	(tag) =	ssettag $0x2  }
0xa9: {  	s0 =	rddreg [dreg:$0x0];
	s2 =	stileid.u32  }
0xaa: {  	s1 =	rddreg [dreg:$0x1];
	p0 =	sne.s32 s2, $0x0  }
0xab: {  	s3 =	rddreg [dreg:$0x2];
	[bflag:$0x3] =	sbarrier.arrive $0xFFFF;
	s2 =	simm.s32 @!p0 $0x1C03  }
0xac: {  	[timem:s3], [sflag:s2] =	dma.local @!p0 [hbm:s0], s1  }
0xad: {  	s0 =	simm.s32 @!p0 $0x3  }
0xae: {  	_ =	swait.ge @!p0 [sflag:s0], s1  }
0xaf: {  	s1 =	ssub.s32 @!p0 $0x0, s1;
	[sflag:s0] =	ssyncset.done @!p0 $0x0  }
0xb0: {  	[sflag:s0] =	ssyncadd.s32 @!p0 s1  }
0xb1: {  	[bflag:$0x3] =	sbarrier.arrive $0xFFFF  }
0xb2: {  	_ =	shalt  }

</sc_bundles>
